<compile_context>
chip_gen: v7x
topology: tpu7x:2x2x1
jax: 0.10.2.dev20260603
libtpu: 0.0.44.dev20260713+nightly
codegen_flags: <defaults>
</compile_context>

<pallas_src>
import functools

import jax
import jax.numpy as jnp
from jax import lax
from jax.experimental import pallas as pl
from jax.experimental.pallas import tpu as pltpu
from jax.experimental.pallas import tpu_sc as plsc

LR = 0.01
WEIGHT_DECAY = 0.0001

N_ROWS = 100000
HALF = N_ROWS // 2
D = 128
N_OCC = 51200
NUM = 50.0

NC = 2
NS = 16
L = 16

CHUNK = 5120
PASSES = 10
STRIPE = CHUNK // NS
KR = 80
KZ = 40
TILE_OCC = N_OCC // NS
KB = 64
NBMAX = TILE_OCC // KB + 1
TRASH = CHUNK
PROWS = CHUNK // 128
CROWS = PROWS + 8


def _make_table_kernel(lr_eff):
  mesh = plsc.VectorSubcoreMesh(
      core_axis_name="c", subcore_axis_name="s",
      num_cores=NC, num_subcores=NS)

  @functools.partial(
      pl.kernel,
      out_type=jax.ShapeDtypeStruct((N_ROWS, D), jnp.float32),
      mesh=mesh,
      compiler_params=pltpu.CompilerParams(needs_layout_passes=False),
      scratch_types=[
          pltpu.VMEM_SHARED((CHUNK + 8, D), jnp.float32),
          pltpu.VMEM_SHARED((CROWS, D), jnp.float32),
          pltpu.VMEM((TILE_OCC,), jnp.int32),
          pltpu.VMEM((NBMAX, KB), jnp.int32),
          pltpu.VMEM((NBMAX, KB), jnp.int32),
          pltpu.VMEM((KB,), jnp.int32),
          pltpu.VMEM((KB,), jnp.int32),
          pltpu.VMEM((KB, D), jnp.float32),
          pltpu.VMEM((CROWS, D), jnp.float32),
          pltpu.VMEM((CROWS,), jnp.int32),
          pltpu.VMEM((KR, D), jnp.float32),
          pltpu.VMEM((KR, D), jnp.float32),
          pltpu.VMEM((CROWS, D), jnp.float32),
          pltpu.VMEM((KZ, D), jnp.float32),
          pltpu.SemaphoreType.DMA,
      ],
  )
  def table_kernel(emb, grads, idx_hbm, out,
                   acc, cnt_p, idxbuf, pos_mat, lidx_mat, idx_stage,
                   lidx_stage, gbuf, cntloc, idn, ebuf, abuf, cbufp,
                   zbuf, dsem):
    c = lax.axis_index("c")
    s = lax.axis_index("s")
    iota = lax.iota(jnp.int32, L)
    e1 = jnp.float32(1.0 - WEIGHT_DECAY)
    limit = (c + 1) * HALF

    def init(i, _):
      zrow = jnp.zeros((L,), jnp.float32)
      for j in range(D // L):
        zbuf[i, pl.ds(j * L, L)] = zrow
      return 0
    lax.fori_loop(0, KZ, init, 0)

    def init1(j, _):
      idn[pl.ds(j * L, L)] = j * L + iota
      return 0
    lax.fori_loop(0, CROWS // L, init1, 0)

    pltpu.sync_copy(idx_hbm.at[pl.ds(s * TILE_OCC, TILE_OCC)], idxbuf)

    def pass_body(p, _):
      base = c * HALF + p * CHUNK

      def zloop(k, _):
        r0 = s * STRIPE + k * KZ
        pltpu.sync_copy(zbuf, acc.at[pl.ds(r0, KZ)])
        return 0
      lax.fori_loop(0, STRIPE // KZ, zloop, 0)

      @pl.when(s == 0)
      def _zc():
        off = 0
        while off < CROWS:
          ln = min(KZ, CROWS - off)
          pltpu.sync_copy(zbuf.at[pl.ds(0, ln)], cnt_p.at[pl.ds(off, ln)])
          off += ln

      def zc2(i, _):
        for j in range(D // L):
          cntloc[i, pl.ds(j * L, L)] = jnp.zeros((L,), jnp.float32)
        return 0
      lax.fori_loop(0, CROWS, zc2, 0)

      def pf(i, _):
        for j in range(KB // L):
          lidx_mat[i, pl.ds(j * L, L)] = jnp.full((L,), TRASH, jnp.int32)
          pos_mat[i, pl.ds(j * L, L)] = jnp.zeros((L,), jnp.int32)
        return 0
      lax.fori_loop(0, NBMAX, pf, 0)

      plsc.subcore_barrier()

      def filt(j, n):
        v = idxbuf[pl.ds(j * L, L)]
        local = v - base
        m = (local >= 0) & (local < CHUNK) & (v < limit)
        mi = m.astype(jnp.int32)
        pc = plsc.cumsum(mi)
        dest = jnp.where(m, n + pc - 1, jnp.int32(NBMAX * KB - 1))
        drow = dest >> 6
        dcol = dest & (KB - 1)
        plsc.store_scatter(lidx_mat, [drow, dcol], local)
        posv = s * TILE_OCC + j * L + iota
        plsc.store_scatter(pos_mat, [drow, dcol], posv)
        return n + jnp.sum(mi)
      n = lax.fori_loop(0, TILE_OCC // L, filt, jnp.int32(0))

      nb = (n + (KB - 1)) >> 6
      one_v = jnp.full((L,), 1.0, jnp.float32)

      def batch(b, _):
        for j in range(KB // L):
          lv = lidx_mat[b, pl.ds(j * L, L)]
          idx_stage[pl.ds(j * L, L)] = pos_mat[b, pl.ds(j * L, L)]
          lidx_stage[pl.ds(j * L, L)] = lv
          plsc.addupdate_scatter(cntloc, [lv >> 7, lv & (D - 1)], one_v)
        pltpu.async_copy(grads.at[idx_stage], gbuf, dsem).wait()
        pltpu.sync_copy(gbuf, acc.at[lidx_stage], add=True)
        return 0
      lax.fori_loop(0, nb, batch, 0)
      pltpu.sync_copy(cntloc, cnt_p.at[idn], add=True)

      plsc.subcore_barrier()

      g0 = base + s * STRIPE
      pltpu.sync_copy(cnt_p, cbufp)

      def sub(k, _):
        @pl.when(g0 + k * KR < limit)
        def _do():
          r0 = s * STRIPE + k * KR
          pltpu.sync_copy(emb.at[pl.ds(g0 + k * KR, KR)], ebuf)
          pltpu.sync_copy(acc.at[pl.ds(r0, KR)], abuf)

          def row(q, _):
            for h in range(2):
              r = 2 * q + h
              rl = r0 + r
              rowv = jnp.full((L,), rl >> 7, jnp.int32)
              colv = jnp.full((L,), rl & (D - 1), jnp.int32)
              csv = plsc.load_gather(cbufp, [rowv, colv])
              m = csv > 0.0
              safe = jnp.maximum(csv, 1.0)
              fm = jnp.where(m, lr_eff / safe, 0.0)
              e1m = jnp.where(m, e1, 1.0)
              for j in range(D // L):
                e = ebuf[r, pl.ds(j * L, L)]
                a = abuf[r, pl.ds(j * L, L)]
                ebuf[r, pl.ds(j * L, L)] = e * e1m - a * fm
            return 0
          lax.fori_loop(0, KR // 2, row, 0)

          pltpu.sync_copy(ebuf, out.at[pl.ds(g0 + k * KR, KR)])
        return 0
      lax.fori_loop(0, STRIPE // KR, sub, 0)
      return 0

    lax.fori_loop(0, PASSES, pass_body, 0)

  return table_kernel


def kernel(user_emb, item_emb, user_grads, item_grads,
           returned_users, returned_items):
  gu = user_grads.reshape(N_OCC, D)
  gi = item_grads.reshape(N_OCC, D)
  iu = returned_users.reshape(N_OCC)
  ii = returned_items.reshape(N_OCC)

  new_user = _make_table_kernel(jnp.float32(LR))(user_emb, gu, iu)
  new_item = _make_table_kernel(jnp.float32(LR * NUM))(item_emb, gi, ii)
  return (new_user, new_item)

# --- scband reference (transcript-rebuilt; emitter-appended) ---
"""Pipeline reference for scband-server-27822798143579 (READ-ONLY COPY).

The authoritative reference and input builder live on the scoring server;
editing this copy changes nothing except your own understanding.
"""

import jax, jax.numpy as jnp
import numpy as np

LR = 0.01
WEIGHT_DECAY = 0.0001


def setup_inputs(seed: int = 0) -> dict:
    key = jax.random.key(seed)
    ks = jax.random.split(key, 6)
    n_users, n_items, d = 100000, 100000, 128
    C, B = 1024, 50
    user_emb = jax.random.normal(ks[0], (n_users, d), dtype=jnp.float32)
    item_emb = jax.random.normal(ks[1], (n_items, d), dtype=jnp.float32)
    user_grads = jax.random.normal(ks[2], (C, B, d), dtype=jnp.float32) * 0.01
    item_grads = jax.random.normal(ks[3], (C, B, d), dtype=jnp.float32) * 0.01
    returned_users = jax.random.randint(ks[4], (C, B), 0, n_users, dtype=jnp.int32)
    returned_items = jax.random.randint(ks[5], (C, B), 0, n_items, dtype=jnp.int32)
    return {
        "user_emb": user_emb,
        "item_emb": item_emb,
        "user_grads": user_grads,
        "item_grads": item_grads,
        "returned_users": returned_users,
        "returned_items": returned_items,
    }


def reference(user_emb, item_emb, user_grads, item_grads, returned_users, returned_items):
    # Faithful translation of Server.aggregate embedding-gradient path.
    # Each client c contributes item_grad * num and user_grad * num scattered
    # into zero-initialized tables; counts track contributions; then normalized
    # and a local SGD + weight-decay step is applied only on touched rows.
    C, B, d = item_grads.shape
    num = float(B)  # num = len(returned_items) per client
    n_users = user_emb.shape[0]
    n_items = item_emb.shape[0]
    flat_i = returned_items.reshape(-1)
    flat_u = returned_users.reshape(-1)
    # gradient_item[returned_items, :] += item_grad * num  (over all clients)
    gradient_item = jnp.zeros((n_items, d), jnp.float32).at[flat_i].add((item_grads * num).reshape(-1, d))
    gradient_user = jnp.zeros((n_users, d), jnp.float32).at[flat_u].add((user_grads * num).reshape(-1, d))
    # item_count[returned_items] += 1 ; user_count[returned_users] += num
    item_count = jnp.zeros((n_items,), jnp.float32).at[flat_i].add(1.0)
    user_count = jnp.zeros((n_users,), jnp.float32).at[flat_u].add(num)
    # count[count == 0] = 1
    item_count = jnp.where(item_count == 0.0, 1.0, item_count)
    user_count = jnp.where(user_count == 0.0, 1.0, user_count)
    gradient_item = gradient_item / item_count[:, None]
    gradient_user = gradient_user / user_count[:, None]
    # masked row update: emb[idx] = emb[idx] - lr*grad[idx] - wd*emb[idx]
    item_index = (jnp.sum(gradient_item, axis=-1) != 0.0)[:, None]
    user_index = (jnp.sum(gradient_user, axis=-1) != 0.0)[:, None]
    new_item = jnp.where(item_index, item_emb - LR * gradient_item - WEIGHT_DECAY * item_emb, item_emb)
    new_user = jnp.where(user_index, user_emb - LR * gradient_user - WEIGHT_DECAY * user_emb, user_emb)
    return (new_user, new_item)

if __name__ == "__main__":
    import jax
    _d = setup_inputs()
    print(jax.jit(kernel)(*tuple(_d.values())))

</pallas_src>

<mosaic_0001>
#map = affine_map<(d0, d1) -> (0, 0)>
#map1 = affine_map<(d0, d1) -> (0)>
module attributes {stable_mosaic.version = 14 : i64} {
  func.func @_rewritten_body(%arg0: i32, %arg1: i32, %arg2: memref<100000x128xf32, #tpu.memory_space<hbm>>, %arg3: memref<51200x128xf32, #tpu.memory_space<hbm>>, %arg4: memref<51200xi32, #tpu.memory_space<hbm>>, %arg5: memref<1xf32, #tpu.memory_space<hbm>>, %arg6: memref<100000x128xf32, #tpu.memory_space<hbm>>, %arg7: memref<5128x128xf32, #tpu.memory_space<vmem_shared>>, %arg8: memref<48x128xf32, #tpu.memory_space<vmem_shared>>, %arg9: memref<3200xi32, #tpu.memory_space<vmem>>, %arg10: memref<51x64xi32, #tpu.memory_space<vmem>>, %arg11: memref<51x64xi32, #tpu.memory_space<vmem>>, %arg12: memref<64xi32, #tpu.memory_space<vmem>>, %arg13: memref<64xi32, #tpu.memory_space<vmem>>, %arg14: memref<64x128xf32, #tpu.memory_space<vmem>>, %arg15: memref<48x128xf32, #tpu.memory_space<vmem>>, %arg16: memref<48xi32, #tpu.memory_space<vmem>>, %arg17: memref<80x128xf32, #tpu.memory_space<vmem>>, %arg18: memref<80x128xf32, #tpu.memory_space<vmem>>, %arg19: memref<48x128xf32, #tpu.memory_space<vmem>>, %arg20: memref<40x128xf32, #tpu.memory_space<vmem>>, %arg21: memref<!tpu.dma_semaphore, #tpu.memory_space<semaphore_mem>>) attributes {dimension_semantics = [#tpu.dimension_semantics<core_parallel>, #tpu.dimension_semantics<subcore_parallel>], iteration_bounds = array<i64: 2, 16>, scalar_prefetch = 0 : i64, scratch_operands = 15 : i64, tpu.core_type = #tpu.core_type<sc_vector_subcore>, window_params = [{transform_indices = #map}, {transform_indices = #map}, {transform_indices = #map1}, {transform_indices = #map1}, {transform_indices = #map}]} {
    %empty_ref3A = memref.alloca() : memref<16xf32, #tpu.memory_space<vmem>>
    "tpu.region"() ({
      %run_scoped3A = tpu.sem_alloc : memref<!tpu.dma_semaphore, #tpu.memory_space<semaphore_mem>>
      %dma_start3A = arith.constant 0 : i32
      %dma_start3A_26 = tpu.memref_slice %empty_ref3A[%dma_start3A] : memref<16xf32, #tpu.memory_space<vmem>> -> memref<1xf32, #tpu.memory_space<vmem>>
      %dma_start3A_27 = arith.constant 0 : i32
      %dma_start3A_28 = tpu.memref_slice %empty_ref3A[%dma_start3A_27] : memref<16xf32, #tpu.memory_space<vmem>> -> memref<1xf32, #tpu.memory_space<vmem>>
      tpu.enqueue_dma source(%arg5 : memref<1xf32, #tpu.memory_space<hbm>>) target(%dma_start3A_28 : memref<1xf32, #tpu.memory_space<vmem>>) target_semaphore(%run_scoped3A : memref<!tpu.dma_semaphore, #tpu.memory_space<semaphore_mem>>)
      %dma_wait3A = arith.constant 0 : i32
      %dma_wait3A_29 = tpu.memref_slice %empty_ref3A[%dma_wait3A] : memref<16xf32, #tpu.memory_space<vmem>> -> memref<1xf32, #tpu.memory_space<vmem>>
      %dma_wait3A_30 = arith.constant 0 : i32
      %dma_wait3A_31 = tpu.memref_slice %empty_ref3A[%dma_wait3A_30] : memref<16xf32, #tpu.memory_space<vmem>> -> memref<1xf32, #tpu.memory_space<vmem>>
      tpu.wait_dma2 semaphore(%run_scoped3A : memref<!tpu.dma_semaphore, #tpu.memory_space<semaphore_mem>>) src(%arg5 : memref<1xf32, #tpu.memory_space<hbm>>) dst(%dma_wait3A_31 : memref<1xf32, #tpu.memory_space<vmem>>)
      tpu.yield
    }) : () -> ()
    %get3A = arith.constant 0 : index
    %get3A_0 = tpu.vector_load %empty_ref3A[%get3A] {strides = array<i32>} : memref<16xf32, #tpu.memory_space<vmem>>, vector<16xf32>,
    %slice3A = vector.extract_strided_slice %get3A_0 {offsets = [0], sizes = [1], strides = [1]} : vector<16xf32> to vector<1xf32>
    %squeeze3A = vector.extract %slice3A[0] : f32 from vector<1xf32>
    %iota3A = tpu.iota {dimensions = array<i32: 0>} : vector<16xi32>
    %add3A = arith.constant 1 : i32
    %add3A_1 = arith.addi %arg0, %add3A : i32
    %mul3A = arith.constant 50000 : i32
    %mul3A_2 = arith.muli %add3A_1, %mul3A : i32
    %scan3A = arith.constant 0 : i32
    %scan3A_3 = arith.constant 0 : i32
    %scan3A_4 = arith.constant 40 : i32
    %scan3A_5 = arith.addi %scan3A_3, %scan3A_4 : i32
    %scan3A_6 = arith.constant 1 : i32
    %scan3A_7 = scf.for %scan3A_26 = %scan3A_3 to %scan3A_5 step %scan3A_6 iter_args(%scan3A_27 = %scan3A) -> (i32)  : i32 {
      %broadcast_in_dim3A = arith.constant 0.000000e+00 : f32
      %broadcast_in_dim3A_28 = vector.broadcast %broadcast_in_dim3A : f32 to vector<16xf32>
      %swap3A = arith.index_cast %scan3A_26 : i32 to index
      %swap3A_29 = arith.constant 0 : index
      %swap3A_30 = tpu.vector_load %arg20[%swap3A, %swap3A_29] {strides = array<i32>} : memref<40x128xf32, #tpu.memory_space<vmem>>, vector<16xf32>,
      tpu.vector_store %arg20[%swap3A, %swap3A_29], %broadcast_in_dim3A_28 {strides = array<i32>} : memref<40x128xf32, #tpu.memory_space<vmem>>, vector<16xf32>,
      %swap3A_31 = arith.index_cast %scan3A_26 : i32 to index
      %swap3A_32 = arith.constant 16 : index
      %swap3A_33 = tpu.vector_load %arg20[%swap3A_31, %swap3A_32] {strides = array<i32>} : memref<40x128xf32, #tpu.memory_space<vmem>>, vector<16xf32>,
      tpu.vector_store %arg20[%swap3A_31, %swap3A_32], %broadcast_in_dim3A_28 {strides = array<i32>} : memref<40x128xf32, #tpu.memory_space<vmem>>, vector<16xf32>,
      %swap3A_34 = arith.index_cast %scan3A_26 : i32 to index
      %swap3A_35 = arith.constant 32 : index
      %swap3A_36 = tpu.vector_load %arg20[%swap3A_34, %swap3A_35] {strides = array<i32>} : memref<40x128xf32, #tpu.memory_space<vmem>>, vector<16xf32>,
      tpu.vector_store %arg20[%swap3A_34, %swap3A_35], %broadcast_in_dim3A_28 {strides = array<i32>} : memref<40x128xf32, #tpu.memory_space<vmem>>, vector<16xf32>,
      %swap3A_37 = arith.index_cast %scan3A_26 : i32 to index
      %swap3A_38 = arith.constant 48 : index
      %swap3A_39 = tpu.vector_load %arg20[%swap3A_37, %swap3A_38] {strides = array<i32>} : memref<40x128xf32, #tpu.memory_space<vmem>>, vector<16xf32>,
      tpu.vector_store %arg20[%swap3A_37, %swap3A_38], %broadcast_in_dim3A_28 {strides = array<i32>} : memref<40x128xf32, #tpu.memory_space<vmem>>, vector<16xf32>,
      %swap3A_40 = arith.index_cast %scan3A_26 : i32 to index
      %swap3A_41 = arith.constant 64 : index
      %swap3A_42 = tpu.vector_load %arg20[%swap3A_40, %swap3A_41] {strides = array<i32>} : memref<40x128xf32, #tpu.memory_space<vmem>>, vector<16xf32>,
      tpu.vector_store %arg20[%swap3A_40, %swap3A_41], %broadcast_in_dim3A_28 {strides = array<i32>} : memref<40x128xf32, #tpu.memory_space<vmem>>, vector<16xf32>,
      %swap3A_43 = arith.index_cast %scan3A_26 : i32 to index
      %swap3A_44 = arith.constant 80 : index
      %swap3A_45 = tpu.vector_load %arg20[%swap3A_43, %swap3A_44] {strides = array<i32>} : memref<40x128xf32, #tpu.memory_space<vmem>>, vector<16xf32>,
      tpu.vector_store %arg20[%swap3A_43, %swap3A_44], %broadcast_in_dim3A_28 {strides = array<i32>} : memref<40x128xf32, #tpu.memory_space<vmem>>, vector<16xf32>,
      %swap3A_46 = arith.index_cast %scan3A_26 : i32 to index
      %swap3A_47 = arith.constant 96 : index
      %swap3A_48 = tpu.vector_load %arg20[%swap3A_46, %swap3A_47] {strides = array<i32>} : memref<40x128xf32, #tpu.memory_space<vmem>>, vector<16xf32>,
      tpu.vector_store %arg20[%swap3A_46, %swap3A_47], %broadcast_in_dim3A_28 {strides = array<i32>} : memref<40x128xf32, #tpu.memory_space<vmem>>, vector<16xf32>,
      %swap3A_49 = arith.index_cast %scan3A_26 : i32 to index
      %swap3A_50 = arith.constant 112 : index
      %swap3A_51 = tpu.vector_load %arg20[%swap3A_49, %swap3A_50] {strides = array<i32>} : memref<40x128xf32, #tpu.memory_space<vmem>>, vector<16xf32>,
      tpu.vector_store %arg20[%swap3A_49, %swap3A_50], %broadcast_in_dim3A_28 {strides = array<i32>} : memref<40x128xf32, #tpu.memory_space<vmem>>, vector<16xf32>,
      %scan3A_52 = arith.constant 0 : i32
      scf.yield %scan3A_52 : i32
    }
    %scan3A_8 = arith.constant 40 : i32
    %scan3A_9 = arith.constant 0 : i32
    %scan3A_10 = arith.constant 0 : i32
    %scan3A_11 = arith.constant 3 : i32
    %scan3A_12 = arith.addi %scan3A_10, %scan3A_11 : i32
    %scan3A_13 = arith.constant 1 : i32
    %scan3A_14 = scf.for %scan3A_26 = %scan3A_10 to %scan3A_12 step %scan3A_13 iter_args(%scan3A_27 = %scan3A_9) -> (i32)  : i32 {
      %mul3A_28 = arith.constant 16 : i32
      %mul3A_29 = arith.muli %scan3A_26, %mul3A_28 : i32
      %add3A_30 = vector.broadcast %mul3A_29 : i32 to vector<16xi32>
      %add3A_31 = arith.addi %add3A_30, %iota3A : vector<16xi32>
      %mul3A_32 = arith.constant 16 : i32
      %mul3A_33 = arith.muli %scan3A_26, %mul3A_32 : i32
      %swap3A = arith.index_cast %mul3A_33 : i32 to index
      %swap3A_34 = tpu.vector_load %arg16[%swap3A] {strides = array<i32>} : memref<48xi32, #tpu.memory_space<vmem>>, vector<16xi32>,
      tpu.vector_store %arg16[%swap3A], %add3A_31 {strides = array<i32>} : memref<48xi32, #tpu.memory_space<vmem>>, vector<16xi32>,
      %scan3A_35 = arith.constant 0 : i32
      scf.yield %scan3A_35 : i32
    }
    %scan3A_15 = arith.constant 3 : i32
    %mul3A_16 = arith.constant 3200 : i32
    %mul3A_17 = arith.muli %arg1, %mul3A_16 : i32
    "tpu.region"() ({
      %run_scoped3A = tpu.sem_alloc : memref<!tpu.dma_semaphore, #tpu.memory_space<semaphore_mem>>
      %dma_start3A = tpu.memref_slice %arg4[%mul3A_17] : memref<51200xi32, #tpu.memory_space<hbm>> -> memref<3200xi32, #tpu.memory_space<hbm>>
      %dma_start3A_26 = tpu.memref_slice %arg4[%mul3A_17] : memref<51200xi32, #tpu.memory_space<hbm>> -> memref<3200xi32, #tpu.memory_space<hbm>>
      tpu.enqueue_dma source(%dma_start3A_26 : memref<3200xi32, #tpu.memory_space<hbm>>) target(%arg9 : memref<3200xi32, #tpu.memory_space<vmem>>) target_semaphore(%run_scoped3A : memref<!tpu.dma_semaphore, #tpu.memory_space<semaphore_mem>>)
      %dma_wait3A = tpu.memref_slice %arg4[%mul3A_17] : memref<51200xi32, #tpu.memory_space<hbm>> -> memref<3200xi32, #tpu.memory_space<hbm>>
      %dma_wait3A_27 = tpu.memref_slice %arg4[%mul3A_17] : memref<51200xi32, #tpu.memory_space<hbm>> -> memref<3200xi32, #tpu.memory_space<hbm>>
      tpu.wait_dma2 semaphore(%run_scoped3A : memref<!tpu.dma_semaphore, #tpu.memory_space<semaphore_mem>>) src(%dma_wait3A_27 : memref<3200xi32, #tpu.memory_space<hbm>>) dst(%arg9 : memref<3200xi32, #tpu.memory_space<vmem>>)
      tpu.yield
    }) : () -> ()
    %scan3A_18 = arith.constant 0.999899983 : f32
    %scan3A_19 = arith.constant 0 : i32
    %scan3A_20 = arith.constant 0 : i32
    %scan3A_21 = arith.constant 10 : i32
    %scan3A_22 = arith.addi %scan3A_20, %scan3A_21 : i32
    %scan3A_23 = arith.constant 1 : i32
    %scan3A_24 = scf.for %scan3A_26 = %scan3A_20 to %scan3A_22 step %scan3A_23 iter_args(%scan3A_27 = %scan3A_19) -> (i32)  : i32 {
      %mul3A_28 = arith.constant 50000 : i32
      %mul3A_29 = arith.muli %arg0, %mul3A_28 : i32
      %mul3A_30 = arith.constant 5120 : i32
      %mul3A_31 = arith.muli %scan3A_26, %mul3A_30 : i32
      %add3A_32 = arith.addi %mul3A_29, %mul3A_31 : i32
      %scan3A_33 = arith.constant 0 : i32
      %scan3A_34 = arith.constant 0 : i32
      %scan3A_35 = arith.constant 8 : i32
      %scan3A_36 = arith.addi %scan3A_34, %scan3A_35 : i32
      %scan3A_37 = arith.constant 1 : i32
      %scan3A_38 = scf.for %scan3A_90 = %scan3A_34 to %scan3A_36 step %scan3A_37 iter_args(%scan3A_91 = %scan3A_33) -> (i32)  : i32 {
        %mul3A_92 = arith.constant 320 : i32
        %mul3A_93 = arith.muli %arg1, %mul3A_92 : i32
        %mul3A_94 = arith.constant 40 : i32
        %mul3A_95 = arith.muli %scan3A_90, %mul3A_94 : i32
        %add3A_96 = arith.addi %mul3A_93, %mul3A_95 : i32
        "tpu.region"() ({
          %run_scoped3A = tpu.sem_alloc : memref<!tpu.dma_semaphore, #tpu.memory_space<semaphore_mem>>
          %dma_start3A = arith.constant 0 : i32
          %dma_start3A_98 = tpu.memref_slice %arg7[%add3A_96, %dma_start3A] : memref<5128x128xf32, #tpu.memory_space<vmem_shared>> -> memref<40x128xf32, #tpu.memory_space<vmem_shared>>
          %dma_start3A_99 = arith.constant 0 : i32
          %dma_start3A_100 = tpu.memref_slice %arg7[%add3A_96, %dma_start3A_99] : memref<5128x128xf32, #tpu.memory_space<vmem_shared>> -> memref<40x128xf32, #tpu.memory_space<vmem_shared>>
          tpu.enqueue_dma source(%arg20 : memref<40x128xf32, #tpu.memory_space<vmem>>) target(%dma_start3A_100 : memref<40x128xf32, #tpu.memory_space<vmem_shared>>) target_semaphore(%run_scoped3A : memref<!tpu.dma_semaphore, #tpu.memory_space<semaphore_mem>>)
          %dma_wait3A = arith.constant 0 : i32
          %dma_wait3A_101 = tpu.memref_slice %arg7[%add3A_96, %dma_wait3A] : memref<5128x128xf32, #tpu.memory_space<vmem_shared>> -> memref<40x128xf32, #tpu.memory_space<vmem_shared>>
          %dma_wait3A_102 = arith.constant 0 : i32
          %dma_wait3A_103 = tpu.memref_slice %arg7[%add3A_96, %dma_wait3A_102] : memref<5128x128xf32, #tpu.memory_space<vmem_shared>> -> memref<40x128xf32, #tpu.memory_space<vmem_shared>>
          tpu.wait_dma2 semaphore(%run_scoped3A : memref<!tpu.dma_semaphore, #tpu.memory_space<semaphore_mem>>) src(%arg20 : memref<40x128xf32, #tpu.memory_space<vmem>>) dst(%dma_wait3A_103 : memref<40x128xf32, #tpu.memory_space<vmem_shared>>)
          tpu.yield
        }) : () -> ()
        %scan3A_97 = arith.constant 0 : i32
        scf.yield %scan3A_97 : i32
      }
      %scan3A_39 = arith.constant 8 : i32
      %eq3A = arith.constant 0 : i32
      %eq3A_40 = arith.cmpi eq, %arg1, %eq3A : i32
      %convert_element_type3A = arith.extui %eq3A_40 : i1 to i32
      %cond3A = arith.constant 0 : i32
      %cond3A_41 = arith.cmpi ne, %convert_element_type3A, %cond3A : i32
      scf.if %cond3A_41 {
        "tpu.region"() ({
          %run_scoped3A = tpu.sem_alloc : memref<!tpu.dma_semaphore, #tpu.memory_space<semaphore_mem>>
          %dma_start3A = arith.constant 0 : i32
          %dma_start3A_90 = arith.constant 0 : i32
          %dma_start3A_91 = tpu.memref_slice %arg20[%dma_start3A, %dma_start3A_90] : memref<40x128xf32, #tpu.memory_space<vmem>> -> memref<40x128xf32, #tpu.memory_space<vmem>>
          %dma_start3A_92 = arith.constant 0 : i32
          %dma_start3A_93 = arith.constant 0 : i32
          %dma_start3A_94 = tpu.memref_slice %arg8[%dma_start3A_92, %dma_start3A_93] : memref<48x128xf32, #tpu.memory_space<vmem_shared>> -> memref<40x128xf32, #tpu.memory_space<vmem_shared>>
          %dma_start3A_95 = arith.constant 0 : i32
          %dma_start3A_96 = arith.constant 0 : i32
          %dma_start3A_97 = tpu.memref_slice %arg8[%dma_start3A_95, %dma_start3A_96] : memref<48x128xf32, #tpu.memory_space<vmem_shared>> -> memref<40x128xf32, #tpu.memory_space<vmem_shared>>
          %dma_start3A_98 = arith.constant 0 : i32
          %dma_start3A_99 = arith.constant 0 : i32
          %dma_start3A_100 = tpu.memref_slice %arg20[%dma_start3A_98, %dma_start3A_99] : memref<40x128xf32, #tpu.memory_space<vmem>> -> memref<40x128xf32, #tpu.memory_space<vmem>>
          tpu.enqueue_dma source(%dma_start3A_100 : memref<40x128xf32, #tpu.memory_space<vmem>>) target(%dma_start3A_97 : memref<40x128xf32, #tpu.memory_space<vmem_shared>>) target_semaphore(%run_scoped3A : memref<!tpu.dma_semaphore, #tpu.memory_space<semaphore_mem>>)
          %dma_wait3A = arith.constant 0 : i32
          %dma_wait3A_101 = arith.constant 0 : i32
          %dma_wait3A_102 = tpu.memref_slice %arg20[%dma_wait3A, %dma_wait3A_101] : memref<40x128xf32, #tpu.memory_space<vmem>> -> memref<40x128xf32, #tpu.memory_space<vmem>>
          %dma_wait3A_103 = arith.constant 0 : i32
          %dma_wait3A_104 = arith.constant 0 : i32
          %dma_wait3A_105 = tpu.memref_slice %arg8[%dma_wait3A_103, %dma_wait3A_104] : memref<48x128xf32, #tpu.memory_space<vmem_shared>> -> memref<40x128xf32, #tpu.memory_space<vmem_shared>>
          %dma_wait3A_106 = arith.constant 0 : i32
          %dma_wait3A_107 = arith.constant 0 : i32
          %dma_wait3A_108 = tpu.memref_slice %arg8[%dma_wait3A_106, %dma_wait3A_107] : memref<48x128xf32, #tpu.memory_space<vmem_shared>> -> memref<40x128xf32, #tpu.memory_space<vmem_shared>>
          %dma_wait3A_109 = arith.constant 0 : i32
          %dma_wait3A_110 = arith.constant 0 : i32
          %dma_wait3A_111 = tpu.memref_slice %arg20[%dma_wait3A_109, %dma_wait3A_110] : memref<40x128xf32, #tpu.memory_space<vmem>> -> memref<40x128xf32, #tpu.memory_space<vmem>>
          tpu.wait_dma2 semaphore(%run_scoped3A : memref<!tpu.dma_semaphore, #tpu.memory_space<semaphore_mem>>) src(%dma_wait3A_111 : memref<40x128xf32, #tpu.memory_space<vmem>>) dst(%dma_wait3A_108 : memref<40x128xf32, #tpu.memory_space<vmem_shared>>)
          tpu.yield
        }) : () -> ()
        "tpu.region"() ({
          %run_scoped3A = tpu.sem_alloc : memref<!tpu.dma_semaphore, #tpu.memory_space<semaphore_mem>>
          %dma_start3A = arith.constant 0 : i32
          %dma_start3A_90 = arith.constant 0 : i32
          %dma_start3A_91 = tpu.memref_slice %arg20[%dma_start3A, %dma_start3A_90] : memref<40x128xf32, #tpu.memory_space<vmem>> -> memref<8x128xf32, #tpu.memory_space<vmem>>
          %dma_start3A_92 = arith.constant 40 : i32
          %dma_start3A_93 = arith.constant 0 : i32
          %dma_start3A_94 = tpu.memref_slice %arg8[%dma_start3A_92, %dma_start3A_93] : memref<48x128xf32, #tpu.memory_space<vmem_shared>> -> memref<8x128xf32, #tpu.memory_space<vmem_shared>>
          %dma_start3A_95 = arith.constant 40 : i32
          %dma_start3A_96 = arith.constant 0 : i32
          %dma_start3A_97 = tpu.memref_slice %arg8[%dma_start3A_95, %dma_start3A_96] : memref<48x128xf32, #tpu.memory_space<vmem_shared>> -> memref<8x128xf32, #tpu.memory_space<vmem_shared>>
          %dma_start3A_98 = arith.constant 0 : i32
          %dma_start3A_99 = arith.constant 0 : i32
          %dma_start3A_100 = tpu.memref_slice %arg20[%dma_start3A_98, %dma_start3A_99] : memref<40x128xf32, #tpu.memory_space<vmem>> -> memref<8x128xf32, #tpu.memory_space<vmem>>
          tpu.enqueue_dma source(%dma_start3A_100 : memref<8x128xf32, #tpu.memory_space<vmem>>) target(%dma_start3A_97 : memref<8x128xf32, #tpu.memory_space<vmem_shared>>) target_semaphore(%run_scoped3A : memref<!tpu.dma_semaphore, #tpu.memory_space<semaphore_mem>>)
          %dma_wait3A = arith.constant 0 : i32
          %dma_wait3A_101 = arith.constant 0 : i32
          %dma_wait3A_102 = tpu.memref_slice %arg20[%dma_wait3A, %dma_wait3A_101] : memref<40x128xf32, #tpu.memory_space<vmem>> -> memref<8x128xf32, #tpu.memory_space<vmem>>
          %dma_wait3A_103 = arith.constant 40 : i32
          %dma_wait3A_104 = arith.constant 0 : i32
          %dma_wait3A_105 = tpu.memref_slice %arg8[%dma_wait3A_103, %dma_wait3A_104] : memref<48x128xf32, #tpu.memory_space<vmem_shared>> -> memref<8x128xf32, #tpu.memory_space<vmem_shared>>
          %dma_wait3A_106 = arith.constant 40 : i32
          %dma_wait3A_107 = arith.constant 0 : i32
          %dma_wait3A_108 = tpu.memref_slice %arg8[%dma_wait3A_106, %dma_wait3A_107] : memref<48x128xf32, #tpu.memory_space<vmem_shared>> -> memref<8x128xf32, #tpu.memory_space<vmem_shared>>
          %dma_wait3A_109 = arith.constant 0 : i32
          %dma_wait3A_110 = arith.constant 0 : i32
          %dma_wait3A_111 = tpu.memref_slice %arg20[%dma_wait3A_109, %dma_wait3A_110] : memref<40x128xf32, #tpu.memory_space<vmem>> -> memref<8x128xf32, #tpu.memory_space<vmem>>
          tpu.wait_dma2 semaphore(%run_scoped3A : memref<!tpu.dma_semaphore, #tpu.memory_space<semaphore_mem>>) src(%dma_wait3A_111 : memref<8x128xf32, #tpu.memory_space<vmem>>) dst(%dma_wait3A_108 : memref<8x128xf32, #tpu.memory_space<vmem_shared>>)
          tpu.yield
        }) : () -> ()
      } else {
      }
      %scan3A_42 = arith.constant 0 : i32
      %scan3A_43 = arith.constant 0 : i32
      %scan3A_44 = arith.constant 48 : i32
      %scan3A_45 = arith.addi %scan3A_43, %scan3A_44 : i32
      %scan3A_46 = arith.constant 1 : i32
      %scan3A_47 = scf.for %scan3A_90 = %scan3A_43 to %scan3A_45 step %scan3A_46 iter_args(%scan3A_91 = %scan3A_42) -> (i32)  : i32 {
        %broadcast_in_dim3A_92 = arith.constant 0.000000e+00 : f32
        %broadcast_in_dim3A_93 = vector.broadcast %broadcast_in_dim3A_92 : f32 to vector<16xf32>
        %swap3A = arith.index_cast %scan3A_90 : i32 to index
        %swap3A_94 = arith.constant 0 : index
        %swap3A_95 = tpu.vector_load %arg15[%swap3A, %swap3A_94] {strides = array<i32>} : memref<48x128xf32, #tpu.memory_space<vmem>>, vector<16xf32>,
        tpu.vector_store %arg15[%swap3A, %swap3A_94], %broadcast_in_dim3A_93 {strides = array<i32>} : memref<48x128xf32, #tpu.memory_space<vmem>>, vector<16xf32>,
        %broadcast_in_dim3A_96 = arith.constant 0.000000e+00 : f32
        %broadcast_in_dim3A_97 = vector.broadcast %broadcast_in_dim3A_96 : f32 to vector<16xf32>
        %swap3A_98 = arith.index_cast %scan3A_90 : i32 to index
        %swap3A_99 = arith.constant 16 : index
        %swap3A_100 = tpu.vector_load %arg15[%swap3A_98, %swap3A_99] {strides = array<i32>} : memref<48x128xf32, #tpu.memory_space<vmem>>, vector<16xf32>,
        tpu.vector_store %arg15[%swap3A_98, %swap3A_99], %broadcast_in_dim3A_97 {strides = array<i32>} : memref<48x128xf32, #tpu.memory_space<vmem>>, vector<16xf32>,
        %broadcast_in_dim3A_101 = arith.constant 0.000000e+00 : f32
        %broadcast_in_dim3A_102 = vector.broadcast %broadcast_in_dim3A_101 : f32 to vector<16xf32>
        %swap3A_103 = arith.index_cast %scan3A_90 : i32 to index
        %swap3A_104 = arith.constant 32 : index
        %swap3A_105 = tpu.vector_load %arg15[%swap3A_103, %swap3A_104] {strides = array<i32>} : memref<48x128xf32, #tpu.memory_space<vmem>>, vector<16xf32>,
        tpu.vector_store %arg15[%swap3A_103, %swap3A_104], %broadcast_in_dim3A_102 {strides = array<i32>} : memref<48x128xf32, #tpu.memory_space<vmem>>, vector<16xf32>,
        %broadcast_in_dim3A_106 = arith.constant 0.000000e+00 : f32
        %broadcast_in_dim3A_107 = vector.broadcast %broadcast_in_dim3A_106 : f32 to vector<16xf32>
        %swap3A_108 = arith.index_cast %scan3A_90 : i32 to index
        %swap3A_109 = arith.constant 48 : index
        %swap3A_110 = tpu.vector_load %arg15[%swap3A_108, %swap3A_109] {strides = array<i32>} : memref<48x128xf32, #tpu.memory_space<vmem>>, vector<16xf32>,
        tpu.vector_store %arg15[%swap3A_108, %swap3A_109], %broadcast_in_dim3A_107 {strides = array<i32>} : memref<48x128xf32, #tpu.memory_space<vmem>>, vector<16xf32>,
        %broadcast_in_dim3A_111 = arith.constant 0.000000e+00 : f32
        %broadcast_in_dim3A_112 = vector.broadcast %broadcast_in_dim3A_111 : f32 to vector<16xf32>
        %swap3A_113 = arith.index_cast %scan3A_90 : i32 to index
        %swap3A_114 = arith.constant 64 : index
        %swap3A_115 = tpu.vector_load %arg15[%swap3A_113, %swap3A_114] {strides = array<i32>} : memref<48x128xf32, #tpu.memory_space<vmem>>, vector<16xf32>,
        tpu.vector_store %arg15[%swap3A_113, %swap3A_114], %broadcast_in_dim3A_112 {strides = array<i32>} : memref<48x128xf32, #tpu.memory_space<vmem>>, vector<16xf32>,
        %broadcast_in_dim3A_116 = arith.constant 0.000000e+00 : f32
        %broadcast_in_dim3A_117 = vector.broadcast %broadcast_in_dim3A_116 : f32 to vector<16xf32>
        %swap3A_118 = arith.index_cast %scan3A_90 : i32 to index
        %swap3A_119 = arith.constant 80 : index
        %swap3A_120 = tpu.vector_load %arg15[%swap3A_118, %swap3A_119] {strides = array<i32>} : memref<48x128xf32, #tpu.memory_space<vmem>>, vector<16xf32>,
        tpu.vector_store %arg15[%swap3A_118, %swap3A_119], %broadcast_in_dim3A_117 {strides = array<i32>} : memref<48x128xf32, #tpu.memory_space<vmem>>, vector<16xf32>,
        %broadcast_in_dim3A_121 = arith.constant 0.000000e+00 : f32
        %broadcast_in_dim3A_122 = vector.broadcast %broadcast_in_dim3A_121 : f32 to vector<16xf32>
        %swap3A_123 = arith.index_cast %scan3A_90 : i32 to index
        %swap3A_124 = arith.constant 96 : index
        %swap3A_125 = tpu.vector_load %arg15[%swap3A_123, %swap3A_124] {strides = array<i32>} : memref<48x128xf32, #tpu.memory_space<vmem>>, vector<16xf32>,
        tpu.vector_store %arg15[%swap3A_123, %swap3A_124], %broadcast_in_dim3A_122 {strides = array<i32>} : memref<48x128xf32, #tpu.memory_space<vmem>>, vector<16xf32>,
        %broadcast_in_dim3A_126 = arith.constant 0.000000e+00 : f32
        %broadcast_in_dim3A_127 = vector.broadcast %broadcast_in_dim3A_126 : f32 to vector<16xf32>
        %swap3A_128 = arith.index_cast %scan3A_90 : i32 to index
        %swap3A_129 = arith.constant 112 : index
        %swap3A_130 = tpu.vector_load %arg15[%swap3A_128, %swap3A_129] {strides = array<i32>} : memref<48x128xf32, #tpu.memory_space<vmem>>, vector<16xf32>,
        tpu.vector_store %arg15[%swap3A_128, %swap3A_129], %broadcast_in_dim3A_127 {strides = array<i32>} : memref<48x128xf32, #tpu.memory_space<vmem>>, vector<16xf32>,
        %scan3A_131 = arith.constant 0 : i32
        scf.yield %scan3A_131 : i32
      }
      %scan3A_48 = arith.constant 48 : i32
      %scan3A_49 = arith.constant 0 : i32
      %scan3A_50 = arith.constant 0 : i32
      %scan3A_51 = arith.constant 51 : i32
      %scan3A_52 = arith.addi %scan3A_50, %scan3A_51 : i32
      %scan3A_53 = arith.constant 1 : i32
      %scan3A_54 = scf.for %scan3A_90 = %scan3A_50 to %scan3A_52 step %scan3A_53 iter_args(%scan3A_91 = %scan3A_49) -> (i32)  : i32 {
        %broadcast_in_dim3A_92 = arith.constant 5120 : i32
        %broadcast_in_dim3A_93 = vector.broadcast %broadcast_in_dim3A_92 : i32 to vector<16xi32>
        %swap3A = arith.index_cast %scan3A_90 : i32 to index
        %swap3A_94 = arith.constant 0 : index
        %swap3A_95 = tpu.vector_load %arg11[%swap3A, %swap3A_94] {strides = array<i32>} : memref<51x64xi32, #tpu.memory_space<vmem>>, vector<16xi32>,
        tpu.vector_store %arg11[%swap3A, %swap3A_94], %broadcast_in_dim3A_93 {strides = array<i32>} : memref<51x64xi32, #tpu.memory_space<vmem>>, vector<16xi32>,
        %broadcast_in_dim3A_96 = arith.constant 0 : i32
        %broadcast_in_dim3A_97 = vector.broadcast %broadcast_in_dim3A_96 : i32 to vector<16xi32>
        %swap3A_98 = arith.index_cast %scan3A_90 : i32 to index
        %swap3A_99 = arith.constant 0 : index
        %swap3A_100 = tpu.vector_load %arg10[%swap3A_98, %swap3A_99] {strides = array<i32>} : memref<51x64xi32, #tpu.memory_space<vmem>>, vector<16xi32>,
        tpu.vector_store %arg10[%swap3A_98, %swap3A_99], %broadcast_in_dim3A_97 {strides = array<i32>} : memref<51x64xi32, #tpu.memory_space<vmem>>, vector<16xi32>,
        %broadcast_in_dim3A_101 = arith.constant 5120 : i32
        %broadcast_in_dim3A_102 = vector.broadcast %broadcast_in_dim3A_101 : i32 to vector<16xi32>
        %swap3A_103 = arith.index_cast %scan3A_90 : i32 to index
        %swap3A_104 = arith.constant 16 : index
        %swap3A_105 = tpu.vector_load %arg11[%swap3A_103, %swap3A_104] {strides = array<i32>} : memref<51x64xi32, #tpu.memory_space<vmem>>, vector<16xi32>,
        tpu.vector_store %arg11[%swap3A_103, %swap3A_104], %broadcast_in_dim3A_102 {strides = array<i32>} : memref<51x64xi32, #tpu.memory_space<vmem>>, vector<16xi32>,
        %broadcast_in_dim3A_106 = arith.constant 0 : i32
        %broadcast_in_dim3A_107 = vector.broadcast %broadcast_in_dim3A_106 : i32 to vector<16xi32>
        %swap3A_108 = arith.index_cast %scan3A_90 : i32 to index
        %swap3A_109 = arith.constant 16 : index
        %swap3A_110 = tpu.vector_load %arg10[%swap3A_108, %swap3A_109] {strides = array<i32>} : memref<51x64xi32, #tpu.memory_space<vmem>>, vector<16xi32>,
        tpu.vector_store %arg10[%swap3A_108, %swap3A_109], %broadcast_in_dim3A_107 {strides = array<i32>} : memref<51x64xi32, #tpu.memory_space<vmem>>, vector<16xi32>,
        %broadcast_in_dim3A_111 = arith.constant 5120 : i32
        %broadcast_in_dim3A_112 = vector.broadcast %broadcast_in_dim3A_111 : i32 to vector<16xi32>
        %swap3A_113 = arith.index_cast %scan3A_90 : i32 to index
        %swap3A_114 = arith.constant 32 : index
        %swap3A_115 = tpu.vector_load %arg11[%swap3A_113, %swap3A_114] {strides = array<i32>} : memref<51x64xi32, #tpu.memory_space<vmem>>, vector<16xi32>,
        tpu.vector_store %arg11[%swap3A_113, %swap3A_114], %broadcast_in_dim3A_112 {strides = array<i32>} : memref<51x64xi32, #tpu.memory_space<vmem>>, vector<16xi32>,
        %broadcast_in_dim3A_116 = arith.constant 0 : i32
        %broadcast_in_dim3A_117 = vector.broadcast %broadcast_in_dim3A_116 : i32 to vector<16xi32>
        %swap3A_118 = arith.index_cast %scan3A_90 : i32 to index
        %swap3A_119 = arith.constant 32 : index
        %swap3A_120 = tpu.vector_load %arg10[%swap3A_118, %swap3A_119] {strides = array<i32>} : memref<51x64xi32, #tpu.memory_space<vmem>>, vector<16xi32>,
        tpu.vector_store %arg10[%swap3A_118, %swap3A_119], %broadcast_in_dim3A_117 {strides = array<i32>} : memref<51x64xi32, #tpu.memory_space<vmem>>, vector<16xi32>,
        %broadcast_in_dim3A_121 = arith.constant 5120 : i32
        %broadcast_in_dim3A_122 = vector.broadcast %broadcast_in_dim3A_121 : i32 to vector<16xi32>
        %swap3A_123 = arith.index_cast %scan3A_90 : i32 to index
        %swap3A_124 = arith.constant 48 : index
        %swap3A_125 = tpu.vector_load %arg11[%swap3A_123, %swap3A_124] {strides = array<i32>} : memref<51x64xi32, #tpu.memory_space<vmem>>, vector<16xi32>,
        tpu.vector_store %arg11[%swap3A_123, %swap3A_124], %broadcast_in_dim3A_122 {strides = array<i32>} : memref<51x64xi32, #tpu.memory_space<vmem>>, vector<16xi32>,
        %broadcast_in_dim3A_126 = arith.constant 0 : i32
        %broadcast_in_dim3A_127 = vector.broadcast %broadcast_in_dim3A_126 : i32 to vector<16xi32>
        %swap3A_128 = arith.index_cast %scan3A_90 : i32 to index
        %swap3A_129 = arith.constant 48 : index
        %swap3A_130 = tpu.vector_load %arg10[%swap3A_128, %swap3A_129] {strides = array<i32>} : memref<51x64xi32, #tpu.memory_space<vmem>>, vector<16xi32>,
        tpu.vector_store %arg10[%swap3A_128, %swap3A_129], %broadcast_in_dim3A_127 {strides = array<i32>} : memref<51x64xi32, #tpu.memory_space<vmem>>, vector<16xi32>,
        %scan3A_131 = arith.constant 0 : i32
        scf.yield %scan3A_131 : i32
      }
      %scan3A_55 = arith.constant 51 : i32
      %barrier3A = arith.constant 0 : index
      tpu.barrier barrier_id(%barrier3A)
      %scan3A_56 = arith.constant 0 : i32
      %scan3A_57 = arith.constant 0 : i32
      %scan3A_58 = arith.constant 200 : i32
      %scan3A_59 = arith.addi %scan3A_57, %scan3A_58 : i32
      %scan3A_60 = arith.constant 1 : i32
      %scan3A_61 = scf.for %scan3A_90 = %scan3A_57 to %scan3A_59 step %scan3A_60 iter_args(%scan3A_91 = %scan3A_56) -> (i32)  : i32 {
        %mul3A_92 = arith.constant 16 : i32
        %mul3A_93 = arith.muli %scan3A_90, %mul3A_92 : i32
        %get3A_94 = arith.index_cast %mul3A_93 : i32 to index
        %get3A_95 = tpu.vector_load %arg9[%get3A_94] {strides = array<i32>} : memref<3200xi32, #tpu.memory_space<vmem>>, vector<16xi32>,
        %sub3A = vector.broadcast %add3A_32 : i32 to vector<16xi32>
        %sub3A_96 = arith.subi %get3A_95, %sub3A : vector<16xi32>
        %ge3A = arith.constant 0 : i32
        %ge3A_97 = vector.broadcast %ge3A : i32 to vector<16xi32>
        %ge3A_98 = arith.cmpi sge, %sub3A_96, %ge3A_97 : vector<16xi32>
        %lt3A = arith.constant 5120 : i32
        %lt3A_99 = vector.broadcast %lt3A : i32 to vector<16xi32>
        %lt3A_100 = arith.cmpi slt, %sub3A_96, %lt3A_99 : vector<16xi32>
        %and3A = arith.andi %ge3A_98, %lt3A_100 : vector<16xi1>
        %lt3A_101 = vector.broadcast %mul3A_2 : i32 to vector<16xi32>
        %lt3A_102 = arith.cmpi slt, %get3A_95, %lt3A_101 : vector<16xi32>
        %and3A_103 = arith.andi %and3A, %lt3A_102 : vector<16xi1>
        %convert_element_type3A_104 = arith.extui %and3A_103 : vector<16xi1> to vector<16xi32>
        %broadcast_in_dim3A_105 = arith.constant true
        %broadcast_in_dim3A_106 = vector.broadcast %broadcast_in_dim3A_105 : i1 to vector<16xi1>
        %masked_cumsum3A = tpu.scan <sum>, %convert_element_type3A_104 masked %broadcast_in_dim3A_106 : vector<16xi32>, vector<16xi1> -> vector<16xi32>
        %add3A_107 = vector.broadcast %scan3A_91 : i32 to vector<16xi32>
        %add3A_108 = arith.addi %add3A_107, %masked_cumsum3A : vector<16xi32>
        %sub3A_109 = arith.constant 1 : i32
        %sub3A_110 = vector.broadcast %sub3A_109 : i32 to vector<16xi32>
        %sub3A_111 = arith.subi %add3A_108, %sub3A_110 : vector<16xi32>
        %jit3A = arith.constant 3263 : i32
        %broadcast_in_dim3A_112 = vector.broadcast %jit3A : i32 to vector<16xi32>
        %select_n3A = arith.select %and3A_103, %sub3A_111, %broadcast_in_dim3A_112 : vector<16xi1>, vector<16xi32>
        %shift_right_arithmetic3A_113 = arith.constant 6 : i32
        %shift_right_arithmetic3A_114 = vector.broadcast %shift_right_arithmetic3A_113 : i32 to vector<16xi32>
        %shift_right_arithmetic3A_115 = arith.shrsi %select_n3A, %shift_right_arithmetic3A_114 : vector<16xi32>
        %and3A_116 = arith.constant 63 : i32
        %and3A_117 = vector.broadcast %and3A_116 : i32 to vector<16xi32>
        %and3A_118 = arith.andi %select_n3A, %and3A_117 : vector<16xi32>
        tpu.vector_store_idx %arg11[%shift_right_arithmetic3A_115, %and3A_118], %sub3A_96 : memref<51x64xi32, #tpu.memory_space<vmem>>[vector<16xi32>, vector<16xi32>], vector<16xi32>,
        %mul3A_119 = arith.constant 3200 : i32
        %mul3A_120 = arith.muli %arg1, %mul3A_119 : i32
        %mul3A_121 = arith.constant 16 : i32
        %mul3A_122 = arith.muli %scan3A_90, %mul3A_121 : i32
        %add3A_123 = arith.addi %mul3A_120, %mul3A_122 : i32
        %add3A_124 = vector.broadcast %add3A_123 : i32 to vector<16xi32>
        %add3A_125 = arith.addi %add3A_124, %iota3A : vector<16xi32>
        tpu.vector_store_idx %arg10[%shift_right_arithmetic3A_115, %and3A_118], %add3A_125 : memref<51x64xi32, #tpu.memory_space<vmem>>[vector<16xi32>, vector<16xi32>], vector<16xi32>,
        %reduce_sum3A = arith.constant true
        %reduce_sum3A_126 = vector.broadcast %reduce_sum3A : i1 to vector<16xi1>
        %reduce_sum3A_127 = tpu.scan <sum>, %convert_element_type3A_104 masked %reduce_sum3A_126 : vector<16xi32>, vector<16xi1> -> vector<16xi32>
        %reduce_sum3A_128 = vector.extract %reduce_sum3A_127[15] : i32 from vector<16xi32>
        %add3A_129 = arith.addi %scan3A_91, %reduce_sum3A_128 : i32
        scf.yield %add3A_129 : i32
      }
      %scan3A_62 = arith.constant 200 : i32
      %add3A_63 = arith.constant 63 : i32
      %add3A_64 = arith.addi %scan3A_61, %add3A_63 : i32
      %shift_right_arithmetic3A = arith.constant 6 : i32
      %shift_right_arithmetic3A_65 = arith.shrsi %add3A_64, %shift_right_arithmetic3A : i32
      %broadcast_in_dim3A = arith.constant 1.000000e+00 : f32
      %broadcast_in_dim3A_66 = vector.broadcast %broadcast_in_dim3A : f32 to vector<16xf32>
      %while3A = arith.constant 0 : i32
      %while3A_67 = arith.constant 0 : i32
      %while3A_68 = arith.subi %shift_right_arithmetic3A_65, %while3A : i32
      %while3A_69 = arith.addi %while3A, %while3A_68 : i32
      %while3A_70 = arith.constant 1 : i32
      %while3A_71 = arith.divsi %while3A_68, %while3A_70 : i32
      %while3A_72 = arith.muli %while3A_71, %while3A_70 : i32
      %while3A_73 = arith.addi %while3A, %while3A_72 : i32
      %while3A_74 = arith.constant 1 : i32
      %while3A_75 = scf.for %while3A_90 = %while3A to %while3A_73 step %while3A_74 iter_args(%while3A_91 = %while3A_67) -> (i32)  : i32 {
        %get3A_92 = arith.index_cast %while3A_90 : i32 to index
        %get3A_93 = arith.constant 0 : index
        %get3A_94 = tpu.vector_load %arg11[%get3A_92, %get3A_93] {strides = array<i32>} : memref<51x64xi32, #tpu.memory_space<vmem>>, vector<16xi32>,
        %get3A_95 = arith.index_cast %while3A_90 : i32 to index
        %get3A_96 = arith.constant 0 : index
        %get3A_97 = tpu.vector_load %arg10[%get3A_95, %get3A_96] {strides = array<i32>} : memref<51x64xi32, #tpu.memory_space<vmem>>, vector<16xi32>,
        %swap3A = arith.constant 0 : index
        %swap3A_98 = tpu.vector_load %arg12[%swap3A] {strides = array<i32>} : memref<64xi32, #tpu.memory_space<vmem>>, vector<16xi32>,
        tpu.vector_store %arg12[%swap3A], %get3A_97 {strides = array<i32>} : memref<64xi32, #tpu.memory_space<vmem>>, vector<16xi32>,
        %swap3A_99 = arith.constant 0 : index
        %swap3A_100 = tpu.vector_load %arg13[%swap3A_99] {strides = array<i32>} : memref<64xi32, #tpu.memory_space<vmem>>, vector<16xi32>,
        tpu.vector_store %arg13[%swap3A_99], %get3A_94 {strides = array<i32>} : memref<64xi32, #tpu.memory_space<vmem>>, vector<16xi32>,
        %shift_right_arithmetic3A_101 = arith.constant 7 : i32
        %shift_right_arithmetic3A_102 = vector.broadcast %shift_right_arithmetic3A_101 : i32 to vector<16xi32>
        %shift_right_arithmetic3A_103 = arith.shrsi %get3A_94, %shift_right_arithmetic3A_102 : vector<16xi32>
        %and3A = arith.constant 127 : i32
        %and3A_104 = vector.broadcast %and3A : i32 to vector<16xi32>
        %and3A_105 = arith.andi %get3A_94, %and3A_104 : vector<16xi32>
        tpu.vector_store_idx %arg15[%shift_right_arithmetic3A_103, %and3A_105], %broadcast_in_dim3A_66 {add = true} : memref<48x128xf32, #tpu.memory_space<vmem>>[vector<16xi32>, vector<16xi32>], vector<16xf32>,
        %get3A_106 = arith.index_cast %while3A_90 : i32 to index
        %get3A_107 = arith.constant 16 : index
        %get3A_108 = tpu.vector_load %arg11[%get3A_106, %get3A_107] {strides = array<i32>} : memref<51x64xi32, #tpu.memory_space<vmem>>, vector<16xi32>,
        %get3A_109 = arith.index_cast %while3A_90 : i32 to index
        %get3A_110 = arith.constant 16 : index
        %get3A_111 = tpu.vector_load %arg10[%get3A_109, %get3A_110] {strides = array<i32>} : memref<51x64xi32, #tpu.memory_space<vmem>>, vector<16xi32>,
        %swap3A_112 = arith.constant 16 : index
        %swap3A_113 = tpu.vector_load %arg12[%swap3A_112] {strides = array<i32>} : memref<64xi32, #tpu.memory_space<vmem>>, vector<16xi32>,
        tpu.vector_store %arg12[%swap3A_112], %get3A_111 {strides = array<i32>} : memref<64xi32, #tpu.memory_space<vmem>>, vector<16xi32>,
        %swap3A_114 = arith.constant 16 : index
        %swap3A_115 = tpu.vector_load %arg13[%swap3A_114] {strides = array<i32>} : memref<64xi32, #tpu.memory_space<vmem>>, vector<16xi32>,
        tpu.vector_store %arg13[%swap3A_114], %get3A_108 {strides = array<i32>} : memref<64xi32, #tpu.memory_space<vmem>>, vector<16xi32>,
        %shift_right_arithmetic3A_116 = arith.constant 7 : i32
        %shift_right_arithmetic3A_117 = vector.broadcast %shift_right_arithmetic3A_116 : i32 to vector<16xi32>
        %shift_right_arithmetic3A_118 = arith.shrsi %get3A_108, %shift_right_arithmetic3A_117 : vector<16xi32>
        %and3A_119 = arith.constant 127 : i32
        %and3A_120 = vector.broadcast %and3A_119 : i32 to vector<16xi32>
        %and3A_121 = arith.andi %get3A_108, %and3A_120 : vector<16xi32>
        tpu.vector_store_idx %arg15[%shift_right_arithmetic3A_118, %and3A_121], %broadcast_in_dim3A_66 {add = true} : memref<48x128xf32, #tpu.memory_space<vmem>>[vector<16xi32>, vector<16xi32>], vector<16xf32>,
        %get3A_122 = arith.index_cast %while3A_90 : i32 to index
        %get3A_123 = arith.constant 32 : index
        %get3A_124 = tpu.vector_load %arg11[%get3A_122, %get3A_123] {strides = array<i32>} : memref<51x64xi32, #tpu.memory_space<vmem>>, vector<16xi32>,
        %get3A_125 = arith.index_cast %while3A_90 : i32 to index
        %get3A_126 = arith.constant 32 : index
        %get3A_127 = tpu.vector_load %arg10[%get3A_125, %get3A_126] {strides = array<i32>} : memref<51x64xi32, #tpu.memory_space<vmem>>, vector<16xi32>,
        %swap3A_128 = arith.constant 32 : index
        %swap3A_129 = tpu.vector_load %arg12[%swap3A_128] {strides = array<i32>} : memref<64xi32, #tpu.memory_space<vmem>>, vector<16xi32>,
        tpu.vector_store %arg12[%swap3A_128], %get3A_127 {strides = array<i32>} : memref<64xi32, #tpu.memory_space<vmem>>, vector<16xi32>,
        %swap3A_130 = arith.constant 32 : index
        %swap3A_131 = tpu.vector_load %arg13[%swap3A_130] {strides = array<i32>} : memref<64xi32, #tpu.memory_space<vmem>>, vector<16xi32>,
        tpu.vector_store %arg13[%swap3A_130], %get3A_124 {strides = array<i32>} : memref<64xi32, #tpu.memory_space<vmem>>, vector<16xi32>,
        %shift_right_arithmetic3A_132 = arith.constant 7 : i32
        %shift_right_arithmetic3A_133 = vector.broadcast %shift_right_arithmetic3A_132 : i32 to vector<16xi32>
        %shift_right_arithmetic3A_134 = arith.shrsi %get3A_124, %shift_right_arithmetic3A_133 : vector<16xi32>
        %and3A_135 = arith.constant 127 : i32
        %and3A_136 = vector.broadcast %and3A_135 : i32 to vector<16xi32>
        %and3A_137 = arith.andi %get3A_124, %and3A_136 : vector<16xi32>
        tpu.vector_store_idx %arg15[%shift_right_arithmetic3A_134, %and3A_137], %broadcast_in_dim3A_66 {add = true} : memref<48x128xf32, #tpu.memory_space<vmem>>[vector<16xi32>, vector<16xi32>], vector<16xf32>,
        %get3A_138 = arith.index_cast %while3A_90 : i32 to index
        %get3A_139 = arith.constant 48 : index
        %get3A_140 = tpu.vector_load %arg11[%get3A_138, %get3A_139] {strides = array<i32>} : memref<51x64xi32, #tpu.memory_space<vmem>>, vector<16xi32>,
        %get3A_141 = arith.index_cast %while3A_90 : i32 to index
        %get3A_142 = arith.constant 48 : index
        %get3A_143 = tpu.vector_load %arg10[%get3A_141, %get3A_142] {strides = array<i32>} : memref<51x64xi32, #tpu.memory_space<vmem>>, vector<16xi32>,
        %swap3A_144 = arith.constant 48 : index
        %swap3A_145 = tpu.vector_load %arg12[%swap3A_144] {strides = array<i32>} : memref<64xi32, #tpu.memory_space<vmem>>, vector<16xi32>,
        tpu.vector_store %arg12[%swap3A_144], %get3A_143 {strides = array<i32>} : memref<64xi32, #tpu.memory_space<vmem>>, vector<16xi32>,
        %swap3A_146 = arith.constant 48 : index
        %swap3A_147 = tpu.vector_load %arg13[%swap3A_146] {strides = array<i32>} : memref<64xi32, #tpu.memory_space<vmem>>, vector<16xi32>,
        tpu.vector_store %arg13[%swap3A_146], %get3A_140 {strides = array<i32>} : memref<64xi32, #tpu.memory_space<vmem>>, vector<16xi32>,
        %shift_right_arithmetic3A_148 = arith.constant 7 : i32
        %shift_right_arithmetic3A_149 = vector.broadcast %shift_right_arithmetic3A_148 : i32 to vector<16xi32>
        %shift_right_arithmetic3A_150 = arith.shrsi %get3A_140, %shift_right_arithmetic3A_149 : vector<16xi32>
        %and3A_151 = arith.constant 127 : i32
        %and3A_152 = vector.broadcast %and3A_151 : i32 to vector<16xi32>
        %and3A_153 = arith.andi %get3A_140, %and3A_152 : vector<16xi32>
        tpu.vector_store_idx %arg15[%shift_right_arithmetic3A_150, %and3A_153], %broadcast_in_dim3A_66 {add = true} : memref<48x128xf32, #tpu.memory_space<vmem>>[vector<16xi32>, vector<16xi32>], vector<16xf32>,
        %dma_start3A = arith.constant 0 : i32
        %dma_start3A_154 = arith.constant 0 : i32
        %dma_start3A_155 = tpu.memref_slice %arg3[%dma_start3A, %dma_start3A_154] : memref<51200x128xf32, #tpu.memory_space<hbm>> -> memref<51200x128xf32, #tpu.memory_space<hbm>>
        tpu.enqueue_indirect_dma source(%dma_start3A_155 : memref<51200x128xf32, #tpu.memory_space<hbm>>) target(%arg14 : memref<64x128xf32, #tpu.memory_space<vmem>>) offsets(%arg12 : memref<64xi32, #tpu.memory_space<vmem>>) semaphore(%arg21 : memref<!tpu.dma_semaphore, #tpu.memory_space<semaphore_mem>>)
        %dma_wait3A = arith.constant 0 : i32
        %dma_wait3A_156 = arith.constant 0 : i32
        %dma_wait3A_157 = tpu.memref_slice %arg3[%dma_wait3A, %dma_wait3A_156] : memref<51200x128xf32, #tpu.memory_space<hbm>> -> memref<51200x128xf32, #tpu.memory_space<hbm>>
        tpu.wait_indirect_dma semaphore(%arg21 : memref<!tpu.dma_semaphore, #tpu.memory_space<semaphore_mem>>) src(%dma_wait3A_157 : memref<51200x128xf32, #tpu.memory_space<hbm>>) dst(%arg14 : memref<64x128xf32, #tpu.memory_space<vmem>>)
        "tpu.region"() ({
          %run_scoped3A = tpu.sem_alloc : memref<!tpu.dma_semaphore, #tpu.memory_space<semaphore_mem>>
          %dma_start3A_159 = arith.constant 0 : i32
          %dma_start3A_160 = arith.constant 0 : i32
          %dma_start3A_161 = tpu.memref_slice %arg7[%dma_start3A_159, %dma_start3A_160] : memref<5128x128xf32, #tpu.memory_space<vmem_shared>> -> memref<5128x128xf32, #tpu.memory_space<vmem_shared>>
          tpu.enqueue_indirect_dma source(%arg14 : memref<64x128xf32, #tpu.memory_space<vmem>>) target(%dma_start3A_161 : memref<5128x128xf32, #tpu.memory_space<vmem_shared>>) offsets(%arg13 : memref<64xi32, #tpu.memory_space<vmem>>) semaphore(%run_scoped3A : memref<!tpu.dma_semaphore, #tpu.memory_space<semaphore_mem>>) {add = true}
          %dma_wait3A_162 = arith.constant 0 : i32
          %dma_wait3A_163 = arith.constant 0 : i32
          %dma_wait3A_164 = tpu.memref_slice %arg7[%dma_wait3A_162, %dma_wait3A_163] : memref<5128x128xf32, #tpu.memory_space<vmem_shared>> -> memref<5128x128xf32, #tpu.memory_space<vmem_shared>>
          tpu.wait_indirect_dma semaphore(%run_scoped3A : memref<!tpu.dma_semaphore, #tpu.memory_space<semaphore_mem>>) src(%arg14 : memref<64x128xf32, #tpu.memory_space<vmem>>) dst(%dma_wait3A_164 : memref<5128x128xf32, #tpu.memory_space<vmem_shared>>)
          tpu.yield
        }) : () -> ()
        %while3A_158 = arith.constant 0 : i32
        scf.yield %while3A_158 : i32
      }
      %while3A_76 = arith.constant 1 : i32
      %while3A_77 = scf.for %while3A_90 = %while3A_73 to %while3A_69 step %while3A_76 iter_args(%while3A_91 = %while3A_75) -> (i32)  : i32 {
        %get3A_92 = arith.index_cast %while3A_90 : i32 to index
        %get3A_93 = arith.constant 0 : index
        %get3A_94 = tpu.vector_load %arg11[%get3A_92, %get3A_93] {strides = array<i32>} : memref<51x64xi32, #tpu.memory_space<vmem>>, vector<16xi32>,
        %get3A_95 = arith.index_cast %while3A_90 : i32 to index
        %get3A_96 = arith.constant 0 : index
        %get3A_97 = tpu.vector_load %arg10[%get3A_95, %get3A_96] {strides = array<i32>} : memref<51x64xi32, #tpu.memory_space<vmem>>, vector<16xi32>,
        %swap3A = arith.constant 0 : index
        %swap3A_98 = tpu.vector_load %arg12[%swap3A] {strides = array<i32>} : memref<64xi32, #tpu.memory_space<vmem>>, vector<16xi32>,
        tpu.vector_store %arg12[%swap3A], %get3A_97 {strides = array<i32>} : memref<64xi32, #tpu.memory_space<vmem>>, vector<16xi32>,
        %swap3A_99 = arith.constant 0 : index
        %swap3A_100 = tpu.vector_load %arg13[%swap3A_99] {strides = array<i32>} : memref<64xi32, #tpu.memory_space<vmem>>, vector<16xi32>,
        tpu.vector_store %arg13[%swap3A_99], %get3A_94 {strides = array<i32>} : memref<64xi32, #tpu.memory_space<vmem>>, vector<16xi32>,
        %shift_right_arithmetic3A_101 = arith.constant 7 : i32
        %shift_right_arithmetic3A_102 = vector.broadcast %shift_right_arithmetic3A_101 : i32 to vector<16xi32>
        %shift_right_arithmetic3A_103 = arith.shrsi %get3A_94, %shift_right_arithmetic3A_102 : vector<16xi32>
        %and3A = arith.constant 127 : i32
        %and3A_104 = vector.broadcast %and3A : i32 to vector<16xi32>
        %and3A_105 = arith.andi %get3A_94, %and3A_104 : vector<16xi32>
        tpu.vector_store_idx %arg15[%shift_right_arithmetic3A_103, %and3A_105], %broadcast_in_dim3A_66 {add = true} : memref<48x128xf32, #tpu.memory_space<vmem>>[vector<16xi32>, vector<16xi32>], vector<16xf32>,
        %get3A_106 = arith.index_cast %while3A_90 : i32 to index
        %get3A_107 = arith.constant 16 : index
        %get3A_108 = tpu.vector_load %arg11[%get3A_106, %get3A_107] {strides = array<i32>} : memref<51x64xi32, #tpu.memory_space<vmem>>, vector<16xi32>,
        %get3A_109 = arith.index_cast %while3A_90 : i32 to index
        %get3A_110 = arith.constant 16 : index
        %get3A_111 = tpu.vector_load %arg10[%get3A_109, %get3A_110] {strides = array<i32>} : memref<51x64xi32, #tpu.memory_space<vmem>>, vector<16xi32>,
        %swap3A_112 = arith.constant 16 : index
        %swap3A_113 = tpu.vector_load %arg12[%swap3A_112] {strides = array<i32>} : memref<64xi32, #tpu.memory_space<vmem>>, vector<16xi32>,
        tpu.vector_store %arg12[%swap3A_112], %get3A_111 {strides = array<i32>} : memref<64xi32, #tpu.memory_space<vmem>>, vector<16xi32>,
        %swap3A_114 = arith.constant 16 : index
        %swap3A_115 = tpu.vector_load %arg13[%swap3A_114] {strides = array<i32>} : memref<64xi32, #tpu.memory_space<vmem>>, vector<16xi32>,
        tpu.vector_store %arg13[%swap3A_114], %get3A_108 {strides = array<i32>} : memref<64xi32, #tpu.memory_space<vmem>>, vector<16xi32>,
        %shift_right_arithmetic3A_116 = arith.constant 7 : i32
        %shift_right_arithmetic3A_117 = vector.broadcast %shift_right_arithmetic3A_116 : i32 to vector<16xi32>
        %shift_right_arithmetic3A_118 = arith.shrsi %get3A_108, %shift_right_arithmetic3A_117 : vector<16xi32>
        %and3A_119 = arith.constant 127 : i32
        %and3A_120 = vector.broadcast %and3A_119 : i32 to vector<16xi32>
        %and3A_121 = arith.andi %get3A_108, %and3A_120 : vector<16xi32>
        tpu.vector_store_idx %arg15[%shift_right_arithmetic3A_118, %and3A_121], %broadcast_in_dim3A_66 {add = true} : memref<48x128xf32, #tpu.memory_space<vmem>>[vector<16xi32>, vector<16xi32>], vector<16xf32>,
        %get3A_122 = arith.index_cast %while3A_90 : i32 to index
        %get3A_123 = arith.constant 32 : index
        %get3A_124 = tpu.vector_load %arg11[%get3A_122, %get3A_123] {strides = array<i32>} : memref<51x64xi32, #tpu.memory_space<vmem>>, vector<16xi32>,
        %get3A_125 = arith.index_cast %while3A_90 : i32 to index
        %get3A_126 = arith.constant 32 : index
        %get3A_127 = tpu.vector_load %arg10[%get3A_125, %get3A_126] {strides = array<i32>} : memref<51x64xi32, #tpu.memory_space<vmem>>, vector<16xi32>,
        %swap3A_128 = arith.constant 32 : index
        %swap3A_129 = tpu.vector_load %arg12[%swap3A_128] {strides = array<i32>} : memref<64xi32, #tpu.memory_space<vmem>>, vector<16xi32>,
        tpu.vector_store %arg12[%swap3A_128], %get3A_127 {strides = array<i32>} : memref<64xi32, #tpu.memory_space<vmem>>, vector<16xi32>,
        %swap3A_130 = arith.constant 32 : index
        %swap3A_131 = tpu.vector_load %arg13[%swap3A_130] {strides = array<i32>} : memref<64xi32, #tpu.memory_space<vmem>>, vector<16xi32>,
        tpu.vector_store %arg13[%swap3A_130], %get3A_124 {strides = array<i32>} : memref<64xi32, #tpu.memory_space<vmem>>, vector<16xi32>,
        %shift_right_arithmetic3A_132 = arith.constant 7 : i32
        %shift_right_arithmetic3A_133 = vector.broadcast %shift_right_arithmetic3A_132 : i32 to vector<16xi32>
        %shift_right_arithmetic3A_134 = arith.shrsi %get3A_124, %shift_right_arithmetic3A_133 : vector<16xi32>
        %and3A_135 = arith.constant 127 : i32
        %and3A_136 = vector.broadcast %and3A_135 : i32 to vector<16xi32>
        %and3A_137 = arith.andi %get3A_124, %and3A_136 : vector<16xi32>
        tpu.vector_store_idx %arg15[%shift_right_arithmetic3A_134, %and3A_137], %broadcast_in_dim3A_66 {add = true} : memref<48x128xf32, #tpu.memory_space<vmem>>[vector<16xi32>, vector<16xi32>], vector<16xf32>,
        %get3A_138 = arith.index_cast %while3A_90 : i32 to index
        %get3A_139 = arith.constant 48 : index
        %get3A_140 = tpu.vector_load %arg11[%get3A_138, %get3A_139] {strides = array<i32>} : memref<51x64xi32, #tpu.memory_space<vmem>>, vector<16xi32>,
        %get3A_141 = arith.index_cast %while3A_90 : i32 to index
        %get3A_142 = arith.constant 48 : index
        %get3A_143 = tpu.vector_load %arg10[%get3A_141, %get3A_142] {strides = array<i32>} : memref<51x64xi32, #tpu.memory_space<vmem>>, vector<16xi32>,
        %swap3A_144 = arith.constant 48 : index
        %swap3A_145 = tpu.vector_load %arg12[%swap3A_144] {strides = array<i32>} : memref<64xi32, #tpu.memory_space<vmem>>, vector<16xi32>,
        tpu.vector_store %arg12[%swap3A_144], %get3A_143 {strides = array<i32>} : memref<64xi32, #tpu.memory_space<vmem>>, vector<16xi32>,
        %swap3A_146 = arith.constant 48 : index
        %swap3A_147 = tpu.vector_load %arg13[%swap3A_146] {strides = array<i32>} : memref<64xi32, #tpu.memory_space<vmem>>, vector<16xi32>,
        tpu.vector_store %arg13[%swap3A_146], %get3A_140 {strides = array<i32>} : memref<64xi32, #tpu.memory_space<vmem>>, vector<16xi32>,
        %shift_right_arithmetic3A_148 = arith.constant 7 : i32
        %shift_right_arithmetic3A_149 = vector.broadcast %shift_right_arithmetic3A_148 : i32 to vector<16xi32>
        %shift_right_arithmetic3A_150 = arith.shrsi %get3A_140, %shift_right_arithmetic3A_149 : vector<16xi32>
        %and3A_151 = arith.constant 127 : i32
        %and3A_152 = vector.broadcast %and3A_151 : i32 to vector<16xi32>
        %and3A_153 = arith.andi %get3A_140, %and3A_152 : vector<16xi32>
        tpu.vector_store_idx %arg15[%shift_right_arithmetic3A_150, %and3A_153], %broadcast_in_dim3A_66 {add = true} : memref<48x128xf32, #tpu.memory_space<vmem>>[vector<16xi32>, vector<16xi32>], vector<16xf32>,
        %dma_start3A = arith.constant 0 : i32
        %dma_start3A_154 = arith.constant 0 : i32
        %dma_start3A_155 = tpu.memref_slice %arg3[%dma_start3A, %dma_start3A_154] : memref<51200x128xf32, #tpu.memory_space<hbm>> -> memref<51200x128xf32, #tpu.memory_space<hbm>>
        tpu.enqueue_indirect_dma source(%dma_start3A_155 : memref<51200x128xf32, #tpu.memory_space<hbm>>) target(%arg14 : memref<64x128xf32, #tpu.memory_space<vmem>>) offsets(%arg12 : memref<64xi32, #tpu.memory_space<vmem>>) semaphore(%arg21 : memref<!tpu.dma_semaphore, #tpu.memory_space<semaphore_mem>>)
        %dma_wait3A = arith.constant 0 : i32
        %dma_wait3A_156 = arith.constant 0 : i32
        %dma_wait3A_157 = tpu.memref_slice %arg3[%dma_wait3A, %dma_wait3A_156] : memref<51200x128xf32, #tpu.memory_space<hbm>> -> memref<51200x128xf32, #tpu.memory_space<hbm>>
        tpu.wait_indirect_dma semaphore(%arg21 : memref<!tpu.dma_semaphore, #tpu.memory_space<semaphore_mem>>) src(%dma_wait3A_157 : memref<51200x128xf32, #tpu.memory_space<hbm>>) dst(%arg14 : memref<64x128xf32, #tpu.memory_space<vmem>>)
        "tpu.region"() ({
          %run_scoped3A = tpu.sem_alloc : memref<!tpu.dma_semaphore, #tpu.memory_space<semaphore_mem>>
          %dma_start3A_159 = arith.constant 0 : i32
          %dma_start3A_160 = arith.constant 0 : i32
          %dma_start3A_161 = tpu.memref_slice %arg7[%dma_start3A_159, %dma_start3A_160] : memref<5128x128xf32, #tpu.memory_space<vmem_shared>> -> memref<5128x128xf32, #tpu.memory_space<vmem_shared>>
          tpu.enqueue_indirect_dma source(%arg14 : memref<64x128xf32, #tpu.memory_space<vmem>>) target(%dma_start3A_161 : memref<5128x128xf32, #tpu.memory_space<vmem_shared>>) offsets(%arg13 : memref<64xi32, #tpu.memory_space<vmem>>) semaphore(%run_scoped3A : memref<!tpu.dma_semaphore, #tpu.memory_space<semaphore_mem>>) {add = true}
          %dma_wait3A_162 = arith.constant 0 : i32
          %dma_wait3A_163 = arith.constant 0 : i32
          %dma_wait3A_164 = tpu.memref_slice %arg7[%dma_wait3A_162, %dma_wait3A_163] : memref<5128x128xf32, #tpu.memory_space<vmem_shared>> -> memref<5128x128xf32, #tpu.memory_space<vmem_shared>>
          tpu.wait_indirect_dma semaphore(%run_scoped3A : memref<!tpu.dma_semaphore, #tpu.memory_space<semaphore_mem>>) src(%arg14 : memref<64x128xf32, #tpu.memory_space<vmem>>) dst(%dma_wait3A_164 : memref<5128x128xf32, #tpu.memory_space<vmem_shared>>)
          tpu.yield
        }) : () -> ()
        %while3A_158 = arith.constant 0 : i32
        scf.yield %while3A_158 : i32
      }
      "tpu.region"() ({
        %run_scoped3A = tpu.sem_alloc : memref<!tpu.dma_semaphore, #tpu.memory_space<semaphore_mem>>
        %dma_start3A = arith.constant 0 : i32
        %dma_start3A_90 = arith.constant 0 : i32
        %dma_start3A_91 = tpu.memref_slice %arg8[%dma_start3A, %dma_start3A_90] : memref<48x128xf32, #tpu.memory_space<vmem_shared>> -> memref<48x128xf32, #tpu.memory_space<vmem_shared>>
        tpu.enqueue_indirect_dma source(%arg15 : memref<48x128xf32, #tpu.memory_space<vmem>>) target(%dma_start3A_91 : memref<48x128xf32, #tpu.memory_space<vmem_shared>>) offsets(%arg16 : memref<48xi32, #tpu.memory_space<vmem>>) semaphore(%run_scoped3A : memref<!tpu.dma_semaphore, #tpu.memory_space<semaphore_mem>>) {add = true}
        %dma_wait3A = arith.constant 0 : i32
        %dma_wait3A_92 = arith.constant 0 : i32
        %dma_wait3A_93 = tpu.memref_slice %arg8[%dma_wait3A, %dma_wait3A_92] : memref<48x128xf32, #tpu.memory_space<vmem_shared>> -> memref<48x128xf32, #tpu.memory_space<vmem_shared>>
        tpu.wait_indirect_dma semaphore(%run_scoped3A : memref<!tpu.dma_semaphore, #tpu.memory_space<semaphore_mem>>) src(%arg15 : memref<48x128xf32, #tpu.memory_space<vmem>>) dst(%dma_wait3A_93 : memref<48x128xf32, #tpu.memory_space<vmem_shared>>)
        tpu.yield
      }) : () -> ()
      %barrier3A_78 = arith.constant 0 : index
      tpu.barrier barrier_id(%barrier3A_78)
      %mul3A_79 = arith.constant 320 : i32
      %mul3A_80 = arith.muli %arg1, %mul3A_79 : i32
      %add3A_81 = arith.addi %add3A_32, %mul3A_80 : i32
      "tpu.region"() ({
        %run_scoped3A = tpu.sem_alloc : memref<!tpu.dma_semaphore, #tpu.memory_space<semaphore_mem>>
        tpu.enqueue_dma source(%arg8 : memref<48x128xf32, #tpu.memory_space<vmem_shared>>) target(%arg19 : memref<48x128xf32, #tpu.memory_space<vmem>>) target_semaphore(%run_scoped3A : memref<!tpu.dma_semaphore, #tpu.memory_space<semaphore_mem>>)
        tpu.wait_dma2 semaphore(%run_scoped3A : memref<!tpu.dma_semaphore, #tpu.memory_space<semaphore_mem>>) src(%arg8 : memref<48x128xf32, #tpu.memory_space<vmem_shared>>) dst(%arg19 : memref<48x128xf32, #tpu.memory_space<vmem>>)
        tpu.yield
      }) : () -> ()
      %scan3A_82 = arith.constant 0 : i32
      %scan3A_83 = arith.constant 0 : i32
      %scan3A_84 = arith.constant 4 : i32
      %scan3A_85 = arith.addi %scan3A_83, %scan3A_84 : i32
      %scan3A_86 = arith.constant 1 : i32
      %scan3A_87 = scf.for %scan3A_90 = %scan3A_83 to %scan3A_85 step %scan3A_86 iter_args(%scan3A_91 = %scan3A_82) -> (i32)  : i32 {
        %mul3A_92 = arith.constant 80 : i32
        %mul3A_93 = arith.muli %scan3A_90, %mul3A_92 : i32
        %add3A_94 = arith.addi %add3A_81, %mul3A_93 : i32
        %lt3A = arith.cmpi slt, %add3A_94, %mul3A_2 : i32
        %convert_element_type3A_95 = arith.extui %lt3A : i1 to i32
        %cond3A_96 = arith.constant 0 : i32
        %cond3A_97 = arith.cmpi ne, %convert_element_type3A_95, %cond3A_96 : i32
        scf.if %cond3A_97 {
          %mul3A_99 = arith.constant 320 : i32
          %mul3A_100 = arith.muli %arg1, %mul3A_99 : i32
          %mul3A_101 = arith.constant 80 : i32
          %mul3A_102 = arith.muli %scan3A_90, %mul3A_101 : i32
          %add3A_103 = arith.addi %mul3A_100, %mul3A_102 : i32
          %mul3A_104 = arith.constant 80 : i32
          %mul3A_105 = arith.muli %scan3A_90, %mul3A_104 : i32
          %add3A_106 = arith.addi %add3A_81, %mul3A_105 : i32
          "tpu.region"() ({
            %run_scoped3A = tpu.sem_alloc : memref<!tpu.dma_semaphore, #tpu.memory_space<semaphore_mem>>
            %dma_start3A = arith.constant 0 : i32
            %dma_start3A_117 = tpu.memref_slice %arg2[%add3A_106, %dma_start3A] : memref<100000x128xf32, #tpu.memory_space<hbm>> -> memref<80x128xf32, #tpu.memory_space<hbm>>
            %dma_start3A_118 = arith.constant 0 : i32
            %dma_start3A_119 = tpu.memref_slice %arg2[%add3A_106, %dma_start3A_118] : memref<100000x128xf32, #tpu.memory_space<hbm>> -> memref<80x128xf32, #tpu.memory_space<hbm>>
            tpu.enqueue_dma source(%dma_start3A_119 : memref<80x128xf32, #tpu.memory_space<hbm>>) target(%arg17 : memref<80x128xf32, #tpu.memory_space<vmem>>) target_semaphore(%run_scoped3A : memref<!tpu.dma_semaphore, #tpu.memory_space<semaphore_mem>>)
            %dma_wait3A = arith.constant 0 : i32
            %dma_wait3A_120 = tpu.memref_slice %arg2[%add3A_106, %dma_wait3A] : memref<100000x128xf32, #tpu.memory_space<hbm>> -> memref<80x128xf32, #tpu.memory_space<hbm>>
            %dma_wait3A_121 = arith.constant 0 : i32
            %dma_wait3A_122 = tpu.memref_slice %arg2[%add3A_106, %dma_wait3A_121] : memref<100000x128xf32, #tpu.memory_space<hbm>> -> memref<80x128xf32, #tpu.memory_space<hbm>>
            tpu.wait_dma2 semaphore(%run_scoped3A : memref<!tpu.dma_semaphore, #tpu.memory_space<semaphore_mem>>) src(%dma_wait3A_122 : memref<80x128xf32, #tpu.memory_space<hbm>>) dst(%arg17 : memref<80x128xf32, #tpu.memory_space<vmem>>)
            tpu.yield
          }) : () -> ()
          "tpu.region"() ({
            %run_scoped3A = tpu.sem_alloc : memref<!tpu.dma_semaphore, #tpu.memory_space<semaphore_mem>>
            %dma_start3A = arith.constant 0 : i32
            %dma_start3A_117 = tpu.memref_slice %arg7[%add3A_103, %dma_start3A] : memref<5128x128xf32, #tpu.memory_space<vmem_shared>> -> memref<80x128xf32, #tpu.memory_space<vmem_shared>>
            %dma_start3A_118 = arith.constant 0 : i32
            %dma_start3A_119 = tpu.memref_slice %arg7[%add3A_103, %dma_start3A_118] : memref<5128x128xf32, #tpu.memory_space<vmem_shared>> -> memref<80x128xf32, #tpu.memory_space<vmem_shared>>
            tpu.enqueue_dma source(%dma_start3A_119 : memref<80x128xf32, #tpu.memory_space<vmem_shared>>) target(%arg18 : memref<80x128xf32, #tpu.memory_space<vmem>>) target_semaphore(%run_scoped3A : memref<!tpu.dma_semaphore, #tpu.memory_space<semaphore_mem>>)
            %dma_wait3A = arith.constant 0 : i32
            %dma_wait3A_120 = tpu.memref_slice %arg7[%add3A_103, %dma_wait3A] : memref<5128x128xf32, #tpu.memory_space<vmem_shared>> -> memref<80x128xf32, #tpu.memory_space<vmem_shared>>
            %dma_wait3A_121 = arith.constant 0 : i32
            %dma_wait3A_122 = tpu.memref_slice %arg7[%add3A_103, %dma_wait3A_121] : memref<5128x128xf32, #tpu.memory_space<vmem_shared>> -> memref<80x128xf32, #tpu.memory_space<vmem_shared>>
            tpu.wait_dma2 semaphore(%run_scoped3A : memref<!tpu.dma_semaphore, #tpu.memory_space<semaphore_mem>>) src(%dma_wait3A_122 : memref<80x128xf32, #tpu.memory_space<vmem_shared>>) dst(%arg18 : memref<80x128xf32, #tpu.memory_space<vmem>>)
            tpu.yield
          }) : () -> ()
          %scan3A_107 = arith.constant 0 : i32
          %scan3A_108 = arith.constant 0 : i32
          %scan3A_109 = arith.constant 40 : i32
          %scan3A_110 = arith.addi %scan3A_108, %scan3A_109 : i32
          %scan3A_111 = arith.constant 1 : i32
          %scan3A_112 = scf.for %scan3A_117 = %scan3A_108 to %scan3A_110 step %scan3A_111 iter_args(%scan3A_118 = %scan3A_107) -> (i32)  : i32 {
            %mul3A_119 = arith.constant 2 : i32
            %mul3A_120 = arith.muli %mul3A_119, %scan3A_117 : i32
            %add3A_121 = arith.constant 0 : i32
            %add3A_122 = arith.addi %mul3A_120, %add3A_121 : i32
            %add3A_123 = arith.addi %add3A_103, %add3A_122 : i32
            %shift_right_arithmetic3A_124 = arith.constant 7 : i32
            %shift_right_arithmetic3A_125 = arith.shrsi %add3A_123, %shift_right_arithmetic3A_124 : i32
            %broadcast_in_dim3A_126 = vector.broadcast %shift_right_arithmetic3A_125 : i32 to vector<16xi32>
            %and3A = arith.constant 127 : i32
            %and3A_127 = arith.andi %add3A_123, %and3A : i32
            %broadcast_in_dim3A_128 = vector.broadcast %and3A_127 : i32 to vector<16xi32>
            %gather3A = tpu.vector_load_idx %arg19[%broadcast_in_dim3A_126, %broadcast_in_dim3A_128] : memref<48x128xf32, #tpu.memory_space<vmem>>[vector<16xi32>, vector<16xi32>], vector<16xf32>,
            %gt3A = arith.constant 0.000000e+00 : f32
            %gt3A_129 = vector.broadcast %gt3A : f32 to vector<16xf32>
            %gt3A_130 = arith.cmpf ogt, %gather3A, %gt3A_129 : vector<16xf32>
            %max3A = arith.constant 1.000000e+00 : f32
            %max3A_131 = vector.broadcast %max3A : f32 to vector<16xf32>
            %max3A_132 = arith.maximumf %gather3A, %max3A_131 : vector<16xf32>
            %div3A = vector.broadcast %squeeze3A : f32 to vector<16xf32>
            %div3A_133 = arith.divf %div3A, %max3A_132 : vector<16xf32>
            %jit3A = arith.constant 0.000000e+00 : f32
            %broadcast_in_dim3A_134 = vector.broadcast %jit3A : f32 to vector<16xf32>
            %select_n3A = arith.select %gt3A_130, %div3A_133, %broadcast_in_dim3A_134 : vector<16xi1>, vector<16xf32>
            %jit3A_135 = arith.constant 1.000000e+00 : f32
            %broadcast_in_dim3A_136 = vector.broadcast %scan3A_18 : f32 to vector<16xf32>
            %broadcast_in_dim3A_137 = vector.broadcast %jit3A_135 : f32 to vector<16xf32>
            %select_n3A_138 = arith.select %gt3A_130, %broadcast_in_dim3A_136, %broadcast_in_dim3A_137 : vector<16xi1>, vector<16xf32>
            %get3A_139 = arith.index_cast %add3A_122 : i32 to index
            %get3A_140 = arith.constant 0 : index
            %get3A_141 = tpu.vector_load %arg17[%get3A_139, %get3A_140] {strides = array<i32>} : memref<80x128xf32, #tpu.memory_space<vmem>>, vector<16xf32>,
            %get3A_142 = arith.index_cast %add3A_122 : i32 to index
            %get3A_143 = arith.constant 0 : index
            %get3A_144 = tpu.vector_load %arg18[%get3A_142, %get3A_143] {strides = array<i32>} : memref<80x128xf32, #tpu.memory_space<vmem>>, vector<16xf32>,
            %mul3A_145 = arith.mulf %get3A_141, %select_n3A_138 : vector<16xf32>
            %mul3A_146 = arith.mulf %get3A_144, %select_n3A : vector<16xf32>
            %sub3A = arith.subf %mul3A_145, %mul3A_146 : vector<16xf32>
            %swap3A = arith.index_cast %add3A_122 : i32 to index
            %swap3A_147 = arith.constant 0 : index
            %swap3A_148 = tpu.vector_load %arg17[%swap3A, %swap3A_147] {strides = array<i32>} : memref<80x128xf32, #tpu.memory_space<vmem>>, vector<16xf32>,
            tpu.vector_store %arg17[%swap3A, %swap3A_147], %sub3A {strides = array<i32>} : memref<80x128xf32, #tpu.memory_space<vmem>>, vector<16xf32>,
            %get3A_149 = arith.index_cast %add3A_122 : i32 to index
            %get3A_150 = arith.constant 16 : index
            %get3A_151 = tpu.vector_load %arg17[%get3A_149, %get3A_150] {strides = array<i32>} : memref<80x128xf32, #tpu.memory_space<vmem>>, vector<16xf32>,
            %get3A_152 = arith.index_cast %add3A_122 : i32 to index
            %get3A_153 = arith.constant 16 : index
            %get3A_154 = tpu.vector_load %arg18[%get3A_152, %get3A_153] {strides = array<i32>} : memref<80x128xf32, #tpu.memory_space<vmem>>, vector<16xf32>,
            %mul3A_155 = arith.mulf %get3A_151, %select_n3A_138 : vector<16xf32>
            %mul3A_156 = arith.mulf %get3A_154, %select_n3A : vector<16xf32>
            %sub3A_157 = arith.subf %mul3A_155, %mul3A_156 : vector<16xf32>
            %swap3A_158 = arith.index_cast %add3A_122 : i32 to index
            %swap3A_159 = arith.constant 16 : index
            %swap3A_160 = tpu.vector_load %arg17[%swap3A_158, %swap3A_159] {strides = array<i32>} : memref<80x128xf32, #tpu.memory_space<vmem>>, vector<16xf32>,
            tpu.vector_store %arg17[%swap3A_158, %swap3A_159], %sub3A_157 {strides = array<i32>} : memref<80x128xf32, #tpu.memory_space<vmem>>, vector<16xf32>,
            %get3A_161 = arith.index_cast %add3A_122 : i32 to index
            %get3A_162 = arith.constant 32 : index
            %get3A_163 = tpu.vector_load %arg17[%get3A_161, %get3A_162] {strides = array<i32>} : memref<80x128xf32, #tpu.memory_space<vmem>>, vector<16xf32>,
            %get3A_164 = arith.index_cast %add3A_122 : i32 to index
            %get3A_165 = arith.constant 32 : index
            %get3A_166 = tpu.vector_load %arg18[%get3A_164, %get3A_165] {strides = array<i32>} : memref<80x128xf32, #tpu.memory_space<vmem>>, vector<16xf32>,
            %mul3A_167 = arith.mulf %get3A_163, %select_n3A_138 : vector<16xf32>
            %mul3A_168 = arith.mulf %get3A_166, %select_n3A : vector<16xf32>
            %sub3A_169 = arith.subf %mul3A_167, %mul3A_168 : vector<16xf32>
            %swap3A_170 = arith.index_cast %add3A_122 : i32 to index
            %swap3A_171 = arith.constant 32 : index
            %swap3A_172 = tpu.vector_load %arg17[%swap3A_170, %swap3A_171] {strides = array<i32>} : memref<80x128xf32, #tpu.memory_space<vmem>>, vector<16xf32>,
            tpu.vector_store %arg17[%swap3A_170, %swap3A_171], %sub3A_169 {strides = array<i32>} : memref<80x128xf32, #tpu.memory_space<vmem>>, vector<16xf32>,
            %get3A_173 = arith.index_cast %add3A_122 : i32 to index
            %get3A_174 = arith.constant 48 : index
            %get3A_175 = tpu.vector_load %arg17[%get3A_173, %get3A_174] {strides = array<i32>} : memref<80x128xf32, #tpu.memory_space<vmem>>, vector<16xf32>,
            %get3A_176 = arith.index_cast %add3A_122 : i32 to index
            %get3A_177 = arith.constant 48 : index
            %get3A_178 = tpu.vector_load %arg18[%get3A_176, %get3A_177] {strides = array<i32>} : memref<80x128xf32, #tpu.memory_space<vmem>>, vector<16xf32>,
            %mul3A_179 = arith.mulf %get3A_175, %select_n3A_138 : vector<16xf32>
            %mul3A_180 = arith.mulf %get3A_178, %select_n3A : vector<16xf32>
            %sub3A_181 = arith.subf %mul3A_179, %mul3A_180 : vector<16xf32>
            %swap3A_182 = arith.index_cast %add3A_122 : i32 to index
            %swap3A_183 = arith.constant 48 : index
            %swap3A_184 = tpu.vector_load %arg17[%swap3A_182, %swap3A_183] {strides = array<i32>} : memref<80x128xf32, #tpu.memory_space<vmem>>, vector<16xf32>,
            tpu.vector_store %arg17[%swap3A_182, %swap3A_183], %sub3A_181 {strides = array<i32>} : memref<80x128xf32, #tpu.memory_space<vmem>>, vector<16xf32>,
            %get3A_185 = arith.index_cast %add3A_122 : i32 to index
            %get3A_186 = arith.constant 64 : index
            %get3A_187 = tpu.vector_load %arg17[%get3A_185, %get3A_186] {strides = array<i32>} : memref<80x128xf32, #tpu.memory_space<vmem>>, vector<16xf32>,
            %get3A_188 = arith.index_cast %add3A_122 : i32 to index
            %get3A_189 = arith.constant 64 : index
            %get3A_190 = tpu.vector_load %arg18[%get3A_188, %get3A_189] {strides = array<i32>} : memref<80x128xf32, #tpu.memory_space<vmem>>, vector<16xf32>,
            %mul3A_191 = arith.mulf %get3A_187, %select_n3A_138 : vector<16xf32>
            %mul3A_192 = arith.mulf %get3A_190, %select_n3A : vector<16xf32>
            %sub3A_193 = arith.subf %mul3A_191, %mul3A_192 : vector<16xf32>
            %swap3A_194 = arith.index_cast %add3A_122 : i32 to index
            %swap3A_195 = arith.constant 64 : index
            %swap3A_196 = tpu.vector_load %arg17[%swap3A_194, %swap3A_195] {strides = array<i32>} : memref<80x128xf32, #tpu.memory_space<vmem>>, vector<16xf32>,
            tpu.vector_store %arg17[%swap3A_194, %swap3A_195], %sub3A_193 {strides = array<i32>} : memref<80x128xf32, #tpu.memory_space<vmem>>, vector<16xf32>,
            %get3A_197 = arith.index_cast %add3A_122 : i32 to index
            %get3A_198 = arith.constant 80 : index
            %get3A_199 = tpu.vector_load %arg17[%get3A_197, %get3A_198] {strides = array<i32>} : memref<80x128xf32, #tpu.memory_space<vmem>>, vector<16xf32>,
            %get3A_200 = arith.index_cast %add3A_122 : i32 to index
            %get3A_201 = arith.constant 80 : index
            %get3A_202 = tpu.vector_load %arg18[%get3A_200, %get3A_201] {strides = array<i32>} : memref<80x128xf32, #tpu.memory_space<vmem>>, vector<16xf32>,
            %mul3A_203 = arith.mulf %get3A_199, %select_n3A_138 : vector<16xf32>
            %mul3A_204 = arith.mulf %get3A_202, %select_n3A : vector<16xf32>
            %sub3A_205 = arith.subf %mul3A_203, %mul3A_204 : vector<16xf32>
            %swap3A_206 = arith.index_cast %add3A_122 : i32 to index
            %swap3A_207 = arith.constant 80 : index
            %swap3A_208 = tpu.vector_load %arg17[%swap3A_206, %swap3A_207] {strides = array<i32>} : memref<80x128xf32, #tpu.memory_space<vmem>>, vector<16xf32>,
            tpu.vector_store %arg17[%swap3A_206, %swap3A_207], %sub3A_205 {strides = array<i32>} : memref<80x128xf32, #tpu.memory_space<vmem>>, vector<16xf32>,
            %get3A_209 = arith.index_cast %add3A_122 : i32 to index
            %get3A_210 = arith.constant 96 : index
            %get3A_211 = tpu.vector_load %arg17[%get3A_209, %get3A_210] {strides = array<i32>} : memref<80x128xf32, #tpu.memory_space<vmem>>, vector<16xf32>,
            %get3A_212 = arith.index_cast %add3A_122 : i32 to index
            %get3A_213 = arith.constant 96 : index
            %get3A_214 = tpu.vector_load %arg18[%get3A_212, %get3A_213] {strides = array<i32>} : memref<80x128xf32, #tpu.memory_space<vmem>>, vector<16xf32>,
            %mul3A_215 = arith.mulf %get3A_211, %select_n3A_138 : vector<16xf32>
            %mul3A_216 = arith.mulf %get3A_214, %select_n3A : vector<16xf32>
            %sub3A_217 = arith.subf %mul3A_215, %mul3A_216 : vector<16xf32>
            %swap3A_218 = arith.index_cast %add3A_122 : i32 to index
            %swap3A_219 = arith.constant 96 : index
            %swap3A_220 = tpu.vector_load %arg17[%swap3A_218, %swap3A_219] {strides = array<i32>} : memref<80x128xf32, #tpu.memory_space<vmem>>, vector<16xf32>,
            tpu.vector_store %arg17[%swap3A_218, %swap3A_219], %sub3A_217 {strides = array<i32>} : memref<80x128xf32, #tpu.memory_space<vmem>>, vector<16xf32>,
            %get3A_221 = arith.index_cast %add3A_122 : i32 to index
            %get3A_222 = arith.constant 112 : index
            %get3A_223 = tpu.vector_load %arg17[%get3A_221, %get3A_222] {strides = array<i32>} : memref<80x128xf32, #tpu.memory_space<vmem>>, vector<16xf32>,
            %get3A_224 = arith.index_cast %add3A_122 : i32 to index
            %get3A_225 = arith.constant 112 : index
            %get3A_226 = tpu.vector_load %arg18[%get3A_224, %get3A_225] {strides = array<i32>} : memref<80x128xf32, #tpu.memory_space<vmem>>, vector<16xf32>,
            %mul3A_227 = arith.mulf %get3A_223, %select_n3A_138 : vector<16xf32>
            %mul3A_228 = arith.mulf %get3A_226, %select_n3A : vector<16xf32>
            %sub3A_229 = arith.subf %mul3A_227, %mul3A_228 : vector<16xf32>
            %swap3A_230 = arith.index_cast %add3A_122 : i32 to index
            %swap3A_231 = arith.constant 112 : index
            %swap3A_232 = tpu.vector_load %arg17[%swap3A_230, %swap3A_231] {strides = array<i32>} : memref<80x128xf32, #tpu.memory_space<vmem>>, vector<16xf32>,
            tpu.vector_store %arg17[%swap3A_230, %swap3A_231], %sub3A_229 {strides = array<i32>} : memref<80x128xf32, #tpu.memory_space<vmem>>, vector<16xf32>,
            %mul3A_233 = arith.constant 2 : i32
            %mul3A_234 = arith.muli %mul3A_233, %scan3A_117 : i32
            %add3A_235 = arith.constant 1 : i32
            %add3A_236 = arith.addi %mul3A_234, %add3A_235 : i32
            %add3A_237 = arith.addi %add3A_103, %add3A_236 : i32
            %shift_right_arithmetic3A_238 = arith.constant 7 : i32
            %shift_right_arithmetic3A_239 = arith.shrsi %add3A_237, %shift_right_arithmetic3A_238 : i32
            %broadcast_in_dim3A_240 = vector.broadcast %shift_right_arithmetic3A_239 : i32 to vector<16xi32>
            %and3A_241 = arith.constant 127 : i32
            %and3A_242 = arith.andi %add3A_237, %and3A_241 : i32
            %broadcast_in_dim3A_243 = vector.broadcast %and3A_242 : i32 to vector<16xi32>
            %gather3A_244 = tpu.vector_load_idx %arg19[%broadcast_in_dim3A_240, %broadcast_in_dim3A_243] : memref<48x128xf32, #tpu.memory_space<vmem>>[vector<16xi32>, vector<16xi32>], vector<16xf32>,
            %gt3A_245 = arith.constant 0.000000e+00 : f32
            %gt3A_246 = vector.broadcast %gt3A_245 : f32 to vector<16xf32>
            %gt3A_247 = arith.cmpf ogt, %gather3A_244, %gt3A_246 : vector<16xf32>
            %max3A_248 = arith.constant 1.000000e+00 : f32
            %max3A_249 = vector.broadcast %max3A_248 : f32 to vector<16xf32>
            %max3A_250 = arith.maximumf %gather3A_244, %max3A_249 : vector<16xf32>
            %div3A_251 = vector.broadcast %squeeze3A : f32 to vector<16xf32>
            %div3A_252 = arith.divf %div3A_251, %max3A_250 : vector<16xf32>
            %jit3A_253 = arith.constant 0.000000e+00 : f32
            %broadcast_in_dim3A_254 = vector.broadcast %jit3A_253 : f32 to vector<16xf32>
            %select_n3A_255 = arith.select %gt3A_247, %div3A_252, %broadcast_in_dim3A_254 : vector<16xi1>, vector<16xf32>
            %jit3A_256 = arith.constant 1.000000e+00 : f32
            %broadcast_in_dim3A_257 = vector.broadcast %scan3A_18 : f32 to vector<16xf32>
            %broadcast_in_dim3A_258 = vector.broadcast %jit3A_256 : f32 to vector<16xf32>
            %select_n3A_259 = arith.select %gt3A_247, %broadcast_in_dim3A_257, %broadcast_in_dim3A_258 : vector<16xi1>, vector<16xf32>
            %get3A_260 = arith.index_cast %add3A_236 : i32 to index
            %get3A_261 = arith.constant 0 : index
            %get3A_262 = tpu.vector_load %arg17[%get3A_260, %get3A_261] {strides = array<i32>} : memref<80x128xf32, #tpu.memory_space<vmem>>, vector<16xf32>,
            %get3A_263 = arith.index_cast %add3A_236 : i32 to index
            %get3A_264 = arith.constant 0 : index
            %get3A_265 = tpu.vector_load %arg18[%get3A_263, %get3A_264] {strides = array<i32>} : memref<80x128xf32, #tpu.memory_space<vmem>>, vector<16xf32>,
            %mul3A_266 = arith.mulf %get3A_262, %select_n3A_259 : vector<16xf32>
            %mul3A_267 = arith.mulf %get3A_265, %select_n3A_255 : vector<16xf32>
            %sub3A_268 = arith.subf %mul3A_266, %mul3A_267 : vector<16xf32>
            %swap3A_269 = arith.index_cast %add3A_236 : i32 to index
            %swap3A_270 = arith.constant 0 : index
            %swap3A_271 = tpu.vector_load %arg17[%swap3A_269, %swap3A_270] {strides = array<i32>} : memref<80x128xf32, #tpu.memory_space<vmem>>, vector<16xf32>,
            tpu.vector_store %arg17[%swap3A_269, %swap3A_270], %sub3A_268 {strides = array<i32>} : memref<80x128xf32, #tpu.memory_space<vmem>>, vector<16xf32>,
            %get3A_272 = arith.index_cast %add3A_236 : i32 to index
            %get3A_273 = arith.constant 16 : index
            %get3A_274 = tpu.vector_load %arg17[%get3A_272, %get3A_273] {strides = array<i32>} : memref<80x128xf32, #tpu.memory_space<vmem>>, vector<16xf32>,
            %get3A_275 = arith.index_cast %add3A_236 : i32 to index
            %get3A_276 = arith.constant 16 : index
            %get3A_277 = tpu.vector_load %arg18[%get3A_275, %get3A_276] {strides = array<i32>} : memref<80x128xf32, #tpu.memory_space<vmem>>, vector<16xf32>,
            %mul3A_278 = arith.mulf %get3A_274, %select_n3A_259 : vector<16xf32>
            %mul3A_279 = arith.mulf %get3A_277, %select_n3A_255 : vector<16xf32>
            %sub3A_280 = arith.subf %mul3A_278, %mul3A_279 : vector<16xf32>
            %swap3A_281 = arith.index_cast %add3A_236 : i32 to index
            %swap3A_282 = arith.constant 16 : index
            %swap3A_283 = tpu.vector_load %arg17[%swap3A_281, %swap3A_282] {strides = array<i32>} : memref<80x128xf32, #tpu.memory_space<vmem>>, vector<16xf32>,
            tpu.vector_store %arg17[%swap3A_281, %swap3A_282], %sub3A_280 {strides = array<i32>} : memref<80x128xf32, #tpu.memory_space<vmem>>, vector<16xf32>,
            %get3A_284 = arith.index_cast %add3A_236 : i32 to index
            %get3A_285 = arith.constant 32 : index
            %get3A_286 = tpu.vector_load %arg17[%get3A_284, %get3A_285] {strides = array<i32>} : memref<80x128xf32, #tpu.memory_space<vmem>>, vector<16xf32>,
            %get3A_287 = arith.index_cast %add3A_236 : i32 to index
            %get3A_288 = arith.constant 32 : index
            %get3A_289 = tpu.vector_load %arg18[%get3A_287, %get3A_288] {strides = array<i32>} : memref<80x128xf32, #tpu.memory_space<vmem>>, vector<16xf32>,
            %mul3A_290 = arith.mulf %get3A_286, %select_n3A_259 : vector<16xf32>
            %mul3A_291 = arith.mulf %get3A_289, %select_n3A_255 : vector<16xf32>
            %sub3A_292 = arith.subf %mul3A_290, %mul3A_291 : vector<16xf32>
            %swap3A_293 = arith.index_cast %add3A_236 : i32 to index
            %swap3A_294 = arith.constant 32 : index
            %swap3A_295 = tpu.vector_load %arg17[%swap3A_293, %swap3A_294] {strides = array<i32>} : memref<80x128xf32, #tpu.memory_space<vmem>>, vector<16xf32>,
            tpu.vector_store %arg17[%swap3A_293, %swap3A_294], %sub3A_292 {strides = array<i32>} : memref<80x128xf32, #tpu.memory_space<vmem>>, vector<16xf32>,
            %get3A_296 = arith.index_cast %add3A_236 : i32 to index
            %get3A_297 = arith.constant 48 : index
            %get3A_298 = tpu.vector_load %arg17[%get3A_296, %get3A_297] {strides = array<i32>} : memref<80x128xf32, #tpu.memory_space<vmem>>, vector<16xf32>,
            %get3A_299 = arith.index_cast %add3A_236 : i32 to index
            %get3A_300 = arith.constant 48 : index
            %get3A_301 = tpu.vector_load %arg18[%get3A_299, %get3A_300] {strides = array<i32>} : memref<80x128xf32, #tpu.memory_space<vmem>>, vector<16xf32>,
            %mul3A_302 = arith.mulf %get3A_298, %select_n3A_259 : vector<16xf32>
            %mul3A_303 = arith.mulf %get3A_301, %select_n3A_255 : vector<16xf32>
            %sub3A_304 = arith.subf %mul3A_302, %mul3A_303 : vector<16xf32>
            %swap3A_305 = arith.index_cast %add3A_236 : i32 to index
            %swap3A_306 = arith.constant 48 : index
            %swap3A_307 = tpu.vector_load %arg17[%swap3A_305, %swap3A_306] {strides = array<i32>} : memref<80x128xf32, #tpu.memory_space<vmem>>, vector<16xf32>,
            tpu.vector_store %arg17[%swap3A_305, %swap3A_306], %sub3A_304 {strides = array<i32>} : memref<80x128xf32, #tpu.memory_space<vmem>>, vector<16xf32>,
            %get3A_308 = arith.index_cast %add3A_236 : i32 to index
            %get3A_309 = arith.constant 64 : index
            %get3A_310 = tpu.vector_load %arg17[%get3A_308, %get3A_309] {strides = array<i32>} : memref<80x128xf32, #tpu.memory_space<vmem>>, vector<16xf32>,
            %get3A_311 = arith.index_cast %add3A_236 : i32 to index
            %get3A_312 = arith.constant 64 : index
            %get3A_313 = tpu.vector_load %arg18[%get3A_311, %get3A_312] {strides = array<i32>} : memref<80x128xf32, #tpu.memory_space<vmem>>, vector<16xf32>,
            %mul3A_314 = arith.mulf %get3A_310, %select_n3A_259 : vector<16xf32>
            %mul3A_315 = arith.mulf %get3A_313, %select_n3A_255 : vector<16xf32>
            %sub3A_316 = arith.subf %mul3A_314, %mul3A_315 : vector<16xf32>
            %swap3A_317 = arith.index_cast %add3A_236 : i32 to index
            %swap3A_318 = arith.constant 64 : index
            %swap3A_319 = tpu.vector_load %arg17[%swap3A_317, %swap3A_318] {strides = array<i32>} : memref<80x128xf32, #tpu.memory_space<vmem>>, vector<16xf32>,
            tpu.vector_store %arg17[%swap3A_317, %swap3A_318], %sub3A_316 {strides = array<i32>} : memref<80x128xf32, #tpu.memory_space<vmem>>, vector<16xf32>,
            %get3A_320 = arith.index_cast %add3A_236 : i32 to index
            %get3A_321 = arith.constant 80 : index
            %get3A_322 = tpu.vector_load %arg17[%get3A_320, %get3A_321] {strides = array<i32>} : memref<80x128xf32, #tpu.memory_space<vmem>>, vector<16xf32>,
            %get3A_323 = arith.index_cast %add3A_236 : i32 to index
            %get3A_324 = arith.constant 80 : index
            %get3A_325 = tpu.vector_load %arg18[%get3A_323, %get3A_324] {strides = array<i32>} : memref<80x128xf32, #tpu.memory_space<vmem>>, vector<16xf32>,
            %mul3A_326 = arith.mulf %get3A_322, %select_n3A_259 : vector<16xf32>
            %mul3A_327 = arith.mulf %get3A_325, %select_n3A_255 : vector<16xf32>
            %sub3A_328 = arith.subf %mul3A_326, %mul3A_327 : vector<16xf32>
            %swap3A_329 = arith.index_cast %add3A_236 : i32 to index
            %swap3A_330 = arith.constant 80 : index
            %swap3A_331 = tpu.vector_load %arg17[%swap3A_329, %swap3A_330] {strides = array<i32>} : memref<80x128xf32, #tpu.memory_space<vmem>>, vector<16xf32>,
            tpu.vector_store %arg17[%swap3A_329, %swap3A_330], %sub3A_328 {strides = array<i32>} : memref<80x128xf32, #tpu.memory_space<vmem>>, vector<16xf32>,
            %get3A_332 = arith.index_cast %add3A_236 : i32 to index
            %get3A_333 = arith.constant 96 : index
            %get3A_334 = tpu.vector_load %arg17[%get3A_332, %get3A_333] {strides = array<i32>} : memref<80x128xf32, #tpu.memory_space<vmem>>, vector<16xf32>,
            %get3A_335 = arith.index_cast %add3A_236 : i32 to index
            %get3A_336 = arith.constant 96 : index
            %get3A_337 = tpu.vector_load %arg18[%get3A_335, %get3A_336] {strides = array<i32>} : memref<80x128xf32, #tpu.memory_space<vmem>>, vector<16xf32>,
            %mul3A_338 = arith.mulf %get3A_334, %select_n3A_259 : vector<16xf32>
            %mul3A_339 = arith.mulf %get3A_337, %select_n3A_255 : vector<16xf32>
            %sub3A_340 = arith.subf %mul3A_338, %mul3A_339 : vector<16xf32>
            %swap3A_341 = arith.index_cast %add3A_236 : i32 to index
            %swap3A_342 = arith.constant 96 : index
            %swap3A_343 = tpu.vector_load %arg17[%swap3A_341, %swap3A_342] {strides = array<i32>} : memref<80x128xf32, #tpu.memory_space<vmem>>, vector<16xf32>,
            tpu.vector_store %arg17[%swap3A_341, %swap3A_342], %sub3A_340 {strides = array<i32>} : memref<80x128xf32, #tpu.memory_space<vmem>>, vector<16xf32>,
            %get3A_344 = arith.index_cast %add3A_236 : i32 to index
            %get3A_345 = arith.constant 112 : index
            %get3A_346 = tpu.vector_load %arg17[%get3A_344, %get3A_345] {strides = array<i32>} : memref<80x128xf32, #tpu.memory_space<vmem>>, vector<16xf32>,
            %get3A_347 = arith.index_cast %add3A_236 : i32 to index
            %get3A_348 = arith.constant 112 : index
            %get3A_349 = tpu.vector_load %arg18[%get3A_347, %get3A_348] {strides = array<i32>} : memref<80x128xf32, #tpu.memory_space<vmem>>, vector<16xf32>,
            %mul3A_350 = arith.mulf %get3A_346, %select_n3A_259 : vector<16xf32>
            %mul3A_351 = arith.mulf %get3A_349, %select_n3A_255 : vector<16xf32>
            %sub3A_352 = arith.subf %mul3A_350, %mul3A_351 : vector<16xf32>
            %swap3A_353 = arith.index_cast %add3A_236 : i32 to index
            %swap3A_354 = arith.constant 112 : index
            %swap3A_355 = tpu.vector_load %arg17[%swap3A_353, %swap3A_354] {strides = array<i32>} : memref<80x128xf32, #tpu.memory_space<vmem>>, vector<16xf32>,
            tpu.vector_store %arg17[%swap3A_353, %swap3A_354], %sub3A_352 {strides = array<i32>} : memref<80x128xf32, #tpu.memory_space<vmem>>, vector<16xf32>,
            %scan3A_356 = arith.constant 0 : i32
            scf.yield %scan3A_356 : i32
          }
          %scan3A_113 = arith.constant 40 : i32
          %mul3A_114 = arith.constant 80 : i32
          %mul3A_115 = arith.muli %scan3A_90, %mul3A_114 : i32
          %add3A_116 = arith.addi %add3A_81, %mul3A_115 : i32
          "tpu.region"() ({
            %run_scoped3A = tpu.sem_alloc : memref<!tpu.dma_semaphore, #tpu.memory_space<semaphore_mem>>
            %dma_start3A = arith.constant 0 : i32
            %dma_start3A_117 = tpu.memref_slice %arg6[%add3A_116, %dma_start3A] : memref<100000x128xf32, #tpu.memory_space<hbm>> -> memref<80x128xf32, #tpu.memory_space<hbm>>
            %dma_start3A_118 = arith.constant 0 : i32
            %dma_start3A_119 = tpu.memref_slice %arg6[%add3A_116, %dma_start3A_118] : memref<100000x128xf32, #tpu.memory_space<hbm>> -> memref<80x128xf32, #tpu.memory_space<hbm>>
            tpu.enqueue_dma source(%arg17 : memref<80x128xf32, #tpu.memory_space<vmem>>) target(%dma_start3A_119 : memref<80x128xf32, #tpu.memory_space<hbm>>) target_semaphore(%run_scoped3A : memref<!tpu.dma_semaphore, #tpu.memory_space<semaphore_mem>>)
            %dma_wait3A = arith.constant 0 : i32
            %dma_wait3A_120 = tpu.memref_slice %arg6[%add3A_116, %dma_wait3A] : memref<100000x128xf32, #tpu.memory_space<hbm>> -> memref<80x128xf32, #tpu.memory_space<hbm>>
            %dma_wait3A_121 = arith.constant 0 : i32
            %dma_wait3A_122 = tpu.memref_slice %arg6[%add3A_116, %dma_wait3A_121] : memref<100000x128xf32, #tpu.memory_space<hbm>> -> memref<80x128xf32, #tpu.memory_space<hbm>>
            tpu.wait_dma2 semaphore(%run_scoped3A : memref<!tpu.dma_semaphore, #tpu.memory_space<semaphore_mem>>) src(%arg17 : memref<80x128xf32, #tpu.memory_space<vmem>>) dst(%dma_wait3A_122 : memref<80x128xf32, #tpu.memory_space<hbm>>)
            tpu.yield
          }) : () -> ()
        } else {
        }
        %scan3A_98 = arith.constant 0 : i32
        scf.yield %scan3A_98 : i32
      }
      %scan3A_88 = arith.constant 4 : i32
      %scan3A_89 = arith.constant 0 : i32
      scf.yield %scan3A_89 : i32
    }
    %scan3A_25 = arith.constant 10 : i32
    return
  }
}

#map = affine_map<(d0, d1) -> (0, 0)>
#map1 = affine_map<(d0, d1) -> (0)>
module attributes {stable_mosaic.version = 14 : i64} {
  func.func @_rewritten_body(%arg0: i32, %arg1: i32, %arg2: memref<100000x128xf32, #tpu.memory_space<hbm>>, %arg3: memref<51200x128xf32, #tpu.memory_space<hbm>>, %arg4: memref<51200xi32, #tpu.memory_space<hbm>>, %arg5: memref<1xf32, #tpu.memory_space<hbm>>, %arg6: memref<100000x128xf32, #tpu.memory_space<hbm>>, %arg7: memref<5128x128xf32, #tpu.memory_space<vmem_shared>>, %arg8: memref<48x128xf32, #tpu.memory_space<vmem_shared>>, %arg9: memref<3200xi32, #tpu.memory_space<vmem>>, %arg10: memref<51x64xi32, #tpu.memory_space<vmem>>, %arg11: memref<51x64xi32, #tpu.memory_space<vmem>>, %arg12: memref<64xi32, #tpu.memory_space<vmem>>, %arg13: memref<64xi32, #tpu.memory_space<vmem>>, %arg14: memref<64x128xf32, #tpu.memory_space<vmem>>, %arg15: memref<48x128xf32, #tpu.memory_space<vmem>>, %arg16: memref<48xi32, #tpu.memory_space<vmem>>, %arg17: memref<80x128xf32, #tpu.memory_space<vmem>>, %arg18: memref<80x128xf32, #tpu.memory_space<vmem>>, %arg19: memref<48x128xf32, #tpu.memory_space<vmem>>, %arg20: memref<40x128xf32, #tpu.memory_space<vmem>>, %arg21: memref<!tpu.dma_semaphore, #tpu.memory_space<semaphore_mem>>) attributes {dimension_semantics = [#tpu.dimension_semantics<core_parallel>, #tpu.dimension_semantics<subcore_parallel>], iteration_bounds = array<i64: 2, 16>, scalar_prefetch = 0 : i64, scratch_operands = 15 : i64, tpu.core_type = #tpu.core_type<sc_vector_subcore>, window_params = [{transform_indices = #map}, {transform_indices = #map}, {transform_indices = #map1}, {transform_indices = #map1}, {transform_indices = #map}]} {
    %empty_ref3A = memref.alloca() : memref<16xf32, #tpu.memory_space<vmem>>
    "tpu.region"() ({
      %run_scoped3A = tpu.sem_alloc : memref<!tpu.dma_semaphore, #tpu.memory_space<semaphore_mem>>
      %dma_start3A = arith.constant 0 : i32
      %dma_start3A_26 = tpu.memref_slice %empty_ref3A[%dma_start3A] : memref<16xf32, #tpu.memory_space<vmem>> -> memref<1xf32, #tpu.memory_space<vmem>>
      %dma_start3A_27 = arith.constant 0 : i32
      %dma_start3A_28 = tpu.memref_slice %empty_ref3A[%dma_start3A_27] : memref<16xf32, #tpu.memory_space<vmem>> -> memref<1xf32, #tpu.memory_space<vmem>>
      tpu.enqueue_dma source(%arg5 : memref<1xf32, #tpu.memory_space<hbm>>) target(%dma_start3A_28 : memref<1xf32, #tpu.memory_space<vmem>>) target_semaphore(%run_scoped3A : memref<!tpu.dma_semaphore, #tpu.memory_space<semaphore_mem>>)
      %dma_wait3A = arith.constant 0 : i32
      %dma_wait3A_29 = tpu.memref_slice %empty_ref3A[%dma_wait3A] : memref<16xf32, #tpu.memory_space<vmem>> -> memref<1xf32, #tpu.memory_space<vmem>>
      %dma_wait3A_30 = arith.constant 0 : i32
      %dma_wait3A_31 = tpu.memref_slice %empty_ref3A[%dma_wait3A_30] : memref<16xf32, #tpu.memory_space<vmem>> -> memref<1xf32, #tpu.memory_space<vmem>>
      tpu.wait_dma2 semaphore(%run_scoped3A : memref<!tpu.dma_semaphore, #tpu.memory_space<semaphore_mem>>) src(%arg5 : memref<1xf32, #tpu.memory_space<hbm>>) dst(%dma_wait3A_31 : memref<1xf32, #tpu.memory_space<vmem>>)
      tpu.yield
    }) : () -> ()
    %get3A = arith.constant 0 : index
    %get3A_0 = tpu.vector_load %empty_ref3A[%get3A] {strides = array<i32>} : memref<16xf32, #tpu.memory_space<vmem>>, vector<16xf32>,
    %slice3A = vector.extract_strided_slice %get3A_0 {offsets = [0], sizes = [1], strides = [1]} : vector<16xf32> to vector<1xf32>
    %squeeze3A = vector.extract %slice3A[0] : f32 from vector<1xf32>
    %iota3A = tpu.iota {dimensions = array<i32: 0>} : vector<16xi32>
    %add3A = arith.constant 1 : i32
    %add3A_1 = arith.addi %arg0, %add3A : i32
    %mul3A = arith.constant 50000 : i32
    %mul3A_2 = arith.muli %add3A_1, %mul3A : i32
    %scan3A = arith.constant 0 : i32
    %scan3A_3 = arith.constant 0 : i32
    %scan3A_4 = arith.constant 40 : i32
    %scan3A_5 = arith.addi %scan3A_3, %scan3A_4 : i32
    %scan3A_6 = arith.constant 1 : i32
    %scan3A_7 = scf.for %scan3A_26 = %scan3A_3 to %scan3A_5 step %scan3A_6 iter_args(%scan3A_27 = %scan3A) -> (i32)  : i32 {
      %broadcast_in_dim3A = arith.constant 0.000000e+00 : f32
      %broadcast_in_dim3A_28 = vector.broadcast %broadcast_in_dim3A : f32 to vector<16xf32>
      %swap3A = arith.index_cast %scan3A_26 : i32 to index
      %swap3A_29 = arith.constant 0 : index
      %swap3A_30 = tpu.vector_load %arg20[%swap3A, %swap3A_29] {strides = array<i32>} : memref<40x128xf32, #tpu.memory_space<vmem>>, vector<16xf32>,
      tpu.vector_store %arg20[%swap3A, %swap3A_29], %broadcast_in_dim3A_28 {strides = array<i32>} : memref<40x128xf32, #tpu.memory_space<vmem>>, vector<16xf32>,
      %swap3A_31 = arith.index_cast %scan3A_26 : i32 to index
      %swap3A_32 = arith.constant 16 : index
      %swap3A_33 = tpu.vector_load %arg20[%swap3A_31, %swap3A_32] {strides = array<i32>} : memref<40x128xf32, #tpu.memory_space<vmem>>, vector<16xf32>,
      tpu.vector_store %arg20[%swap3A_31, %swap3A_32], %broadcast_in_dim3A_28 {strides = array<i32>} : memref<40x128xf32, #tpu.memory_space<vmem>>, vector<16xf32>,
      %swap3A_34 = arith.index_cast %scan3A_26 : i32 to index
      %swap3A_35 = arith.constant 32 : index
      %swap3A_36 = tpu.vector_load %arg20[%swap3A_34, %swap3A_35] {strides = array<i32>} : memref<40x128xf32, #tpu.memory_space<vmem>>, vector<16xf32>,
      tpu.vector_store %arg20[%swap3A_34, %swap3A_35], %broadcast_in_dim3A_28 {strides = array<i32>} : memref<40x128xf32, #tpu.memory_space<vmem>>, vector<16xf32>,
      %swap3A_37 = arith.index_cast %scan3A_26 : i32 to index
      %swap3A_38 = arith.constant 48 : index
      %swap3A_39 = tpu.vector_load %arg20[%swap3A_37, %swap3A_38] {strides = array<i32>} : memref<40x128xf32, #tpu.memory_space<vmem>>, vector<16xf32>,
      tpu.vector_store %arg20[%swap3A_37, %swap3A_38], %broadcast_in_dim3A_28 {strides = array<i32>} : memref<40x128xf32, #tpu.memory_space<vmem>>, vector<16xf32>,
      %swap3A_40 = arith.index_cast %scan3A_26 : i32 to index
      %swap3A_41 = arith.constant 64 : index
      %swap3A_42 = tpu.vector_load %arg20[%swap3A_40, %swap3A_41] {strides = array<i32>} : memref<40x128xf32, #tpu.memory_space<vmem>>, vector<16xf32>,
      tpu.vector_store %arg20[%swap3A_40, %swap3A_41], %broadcast_in_dim3A_28 {strides = array<i32>} : memref<40x128xf32, #tpu.memory_space<vmem>>, vector<16xf32>,
      %swap3A_43 = arith.index_cast %scan3A_26 : i32 to index
      %swap3A_44 = arith.constant 80 : index
      %swap3A_45 = tpu.vector_load %arg20[%swap3A_43, %swap3A_44] {strides = array<i32>} : memref<40x128xf32, #tpu.memory_space<vmem>>, vector<16xf32>,
      tpu.vector_store %arg20[%swap3A_43, %swap3A_44], %broadcast_in_dim3A_28 {strides = array<i32>} : memref<40x128xf32, #tpu.memory_space<vmem>>, vector<16xf32>,
      %swap3A_46 = arith.index_cast %scan3A_26 : i32 to index
      %swap3A_47 = arith.constant 96 : index
      %swap3A_48 = tpu.vector_load %arg20[%swap3A_46, %swap3A_47] {strides = array<i32>} : memref<40x128xf32, #tpu.memory_space<vmem>>, vector<16xf32>,
      tpu.vector_store %arg20[%swap3A_46, %swap3A_47], %broadcast_in_dim3A_28 {strides = array<i32>} : memref<40x128xf32, #tpu.memory_space<vmem>>, vector<16xf32>,
      %swap3A_49 = arith.index_cast %scan3A_26 : i32 to index
      %swap3A_50 = arith.constant 112 : index
      %swap3A_51 = tpu.vector_load %arg20[%swap3A_49, %swap3A_50] {strides = array<i32>} : memref<40x128xf32, #tpu.memory_space<vmem>>, vector<16xf32>,
      tpu.vector_store %arg20[%swap3A_49, %swap3A_50], %broadcast_in_dim3A_28 {strides = array<i32>} : memref<40x128xf32, #tpu.memory_space<vmem>>, vector<16xf32>,
      %scan3A_52 = arith.constant 0 : i32
      scf.yield %scan3A_52 : i32
    }
    %scan3A_8 = arith.constant 40 : i32
    %scan3A_9 = arith.constant 0 : i32
    %scan3A_10 = arith.constant 0 : i32
    %scan3A_11 = arith.constant 3 : i32
    %scan3A_12 = arith.addi %scan3A_10, %scan3A_11 : i32
    %scan3A_13 = arith.constant 1 : i32
    %scan3A_14 = scf.for %scan3A_26 = %scan3A_10 to %scan3A_12 step %scan3A_13 iter_args(%scan3A_27 = %scan3A_9) -> (i32)  : i32 {
      %mul3A_28 = arith.constant 16 : i32
      %mul3A_29 = arith.muli %scan3A_26, %mul3A_28 : i32
      %add3A_30 = vector.broadcast %mul3A_29 : i32 to vector<16xi32>
      %add3A_31 = arith.addi %add3A_30, %iota3A : vector<16xi32>
      %mul3A_32 = arith.constant 16 : i32
      %mul3A_33 = arith.muli %scan3A_26, %mul3A_32 : i32
      %swap3A = arith.index_cast %mul3A_33 : i32 to index
      %swap3A_34 = tpu.vector_load %arg16[%swap3A] {strides = array<i32>} : memref<48xi32, #tpu.memory_space<vmem>>, vector<16xi32>,
      tpu.vector_store %arg16[%swap3A], %add3A_31 {strides = array<i32>} : memref<48xi32, #tpu.memory_space<vmem>>, vector<16xi32>,
      %scan3A_35 = arith.constant 0 : i32
      scf.yield %scan3A_35 : i32
    }
    %scan3A_15 = arith.constant 3 : i32
    %mul3A_16 = arith.constant 3200 : i32
    %mul3A_17 = arith.muli %arg1, %mul3A_16 : i32
    "tpu.region"() ({
      %run_scoped3A = tpu.sem_alloc : memref<!tpu.dma_semaphore, #tpu.memory_space<semaphore_mem>>
      %dma_start3A = tpu.memref_slice %arg4[%mul3A_17] : memref<51200xi32, #tpu.memory_space<hbm>> -> memref<3200xi32, #tpu.memory_space<hbm>>
      %dma_start3A_26 = tpu.memref_slice %arg4[%mul3A_17] : memref<51200xi32, #tpu.memory_space<hbm>> -> memref<3200xi32, #tpu.memory_space<hbm>>
      tpu.enqueue_dma source(%dma_start3A_26 : memref<3200xi32, #tpu.memory_space<hbm>>) target(%arg9 : memref<3200xi32, #tpu.memory_space<vmem>>) target_semaphore(%run_scoped3A : memref<!tpu.dma_semaphore, #tpu.memory_space<semaphore_mem>>)
      %dma_wait3A = tpu.memref_slice %arg4[%mul3A_17] : memref<51200xi32, #tpu.memory_space<hbm>> -> memref<3200xi32, #tpu.memory_space<hbm>>
      %dma_wait3A_27 = tpu.memref_slice %arg4[%mul3A_17] : memref<51200xi32, #tpu.memory_space<hbm>> -> memref<3200xi32, #tpu.memory_space<hbm>>
      tpu.wait_dma2 semaphore(%run_scoped3A : memref<!tpu.dma_semaphore, #tpu.memory_space<semaphore_mem>>) src(%dma_wait3A_27 : memref<3200xi32, #tpu.memory_space<hbm>>) dst(%arg9 : memref<3200xi32, #tpu.memory_space<vmem>>)
      tpu.yield
    }) : () -> ()
    %scan3A_18 = arith.constant 0.999899983 : f32
    %scan3A_19 = arith.constant 0 : i32
    %scan3A_20 = arith.constant 0 : i32
    %scan3A_21 = arith.constant 10 : i32
    %scan3A_22 = arith.addi %scan3A_20, %scan3A_21 : i32
    %scan3A_23 = arith.constant 1 : i32
    %scan3A_24 = scf.for %scan3A_26 = %scan3A_20 to %scan3A_22 step %scan3A_23 iter_args(%scan3A_27 = %scan3A_19) -> (i32)  : i32 {
      %mul3A_28 = arith.constant 50000 : i32
      %mul3A_29 = arith.muli %arg0, %mul3A_28 : i32
      %mul3A_30 = arith.constant 5120 : i32
      %mul3A_31 = arith.muli %scan3A_26, %mul3A_30 : i32
      %add3A_32 = arith.addi %mul3A_29, %mul3A_31 : i32
      %scan3A_33 = arith.constant 0 : i32
      %scan3A_34 = arith.constant 0 : i32
      %scan3A_35 = arith.constant 8 : i32
      %scan3A_36 = arith.addi %scan3A_34, %scan3A_35 : i32
      %scan3A_37 = arith.constant 1 : i32
      %scan3A_38 = scf.for %scan3A_90 = %scan3A_34 to %scan3A_36 step %scan3A_37 iter_args(%scan3A_91 = %scan3A_33) -> (i32)  : i32 {
        %mul3A_92 = arith.constant 320 : i32
        %mul3A_93 = arith.muli %arg1, %mul3A_92 : i32
        %mul3A_94 = arith.constant 40 : i32
        %mul3A_95 = arith.muli %scan3A_90, %mul3A_94 : i32
        %add3A_96 = arith.addi %mul3A_93, %mul3A_95 : i32
        "tpu.region"() ({
          %run_scoped3A = tpu.sem_alloc : memref<!tpu.dma_semaphore, #tpu.memory_space<semaphore_mem>>
          %dma_start3A = arith.constant 0 : i32
          %dma_start3A_98 = tpu.memref_slice %arg7[%add3A_96, %dma_start3A] : memref<5128x128xf32, #tpu.memory_space<vmem_shared>> -> memref<40x128xf32, #tpu.memory_space<vmem_shared>>
          %dma_start3A_99 = arith.constant 0 : i32
          %dma_start3A_100 = tpu.memref_slice %arg7[%add3A_96, %dma_start3A_99] : memref<5128x128xf32, #tpu.memory_space<vmem_shared>> -> memref<40x128xf32, #tpu.memory_space<vmem_shared>>
          tpu.enqueue_dma source(%arg20 : memref<40x128xf32, #tpu.memory_space<vmem>>) target(%dma_start3A_100 : memref<40x128xf32, #tpu.memory_space<vmem_shared>>) target_semaphore(%run_scoped3A : memref<!tpu.dma_semaphore, #tpu.memory_space<semaphore_mem>>)
          %dma_wait3A = arith.constant 0 : i32
          %dma_wait3A_101 = tpu.memref_slice %arg7[%add3A_96, %dma_wait3A] : memref<5128x128xf32, #tpu.memory_space<vmem_shared>> -> memref<40x128xf32, #tpu.memory_space<vmem_shared>>
          %dma_wait3A_102 = arith.constant 0 : i32
          %dma_wait3A_103 = tpu.memref_slice %arg7[%add3A_96, %dma_wait3A_102] : memref<5128x128xf32, #tpu.memory_space<vmem_shared>> -> memref<40x128xf32, #tpu.memory_space<vmem_shared>>
          tpu.wait_dma2 semaphore(%run_scoped3A : memref<!tpu.dma_semaphore, #tpu.memory_space<semaphore_mem>>) src(%arg20 : memref<40x128xf32, #tpu.memory_space<vmem>>) dst(%dma_wait3A_103 : memref<40x128xf32, #tpu.memory_space<vmem_shared>>)
          tpu.yield
        }) : () -> ()
        %scan3A_97 = arith.constant 0 : i32
        scf.yield %scan3A_97 : i32
      }
      %scan3A_39 = arith.constant 8 : i32
      %eq3A = arith.constant 0 : i32
      %eq3A_40 = arith.cmpi eq, %arg1, %eq3A : i32
      %convert_element_type3A = arith.extui %eq3A_40 : i1 to i32
      %cond3A = arith.constant 0 : i32
      %cond3A_41 = arith.cmpi ne, %convert_element_type3A, %cond3A : i32
      scf.if %cond3A_41 {
        "tpu.region"() ({
          %run_scoped3A = tpu.sem_alloc : memref<!tpu.dma_semaphore, #tpu.memory_space<semaphore_mem>>
          %dma_start3A = arith.constant 0 : i32
          %dma_start3A_90 = arith.constant 0 : i32
          %dma_start3A_91 = tpu.memref_slice %arg20[%dma_start3A, %dma_start3A_90] : memref<40x128xf32, #tpu.memory_space<vmem>> -> memref<40x128xf32, #tpu.memory_space<vmem>>
          %dma_start3A_92 = arith.constant 0 : i32
          %dma_start3A_93 = arith.constant 0 : i32
          %dma_start3A_94 = tpu.memref_slice %arg8[%dma_start3A_92, %dma_start3A_93] : memref<48x128xf32, #tpu.memory_space<vmem_shared>> -> memref<40x128xf32, #tpu.memory_space<vmem_shared>>
          %dma_start3A_95 = arith.constant 0 : i32
          %dma_start3A_96 = arith.constant 0 : i32
          %dma_start3A_97 = tpu.memref_slice %arg8[%dma_start3A_95, %dma_start3A_96] : memref<48x128xf32, #tpu.memory_space<vmem_shared>> -> memref<40x128xf32, #tpu.memory_space<vmem_shared>>
          %dma_start3A_98 = arith.constant 0 : i32
          %dma_start3A_99 = arith.constant 0 : i32
          %dma_start3A_100 = tpu.memref_slice %arg20[%dma_start3A_98, %dma_start3A_99] : memref<40x128xf32, #tpu.memory_space<vmem>> -> memref<40x128xf32, #tpu.memory_space<vmem>>
          tpu.enqueue_dma source(%dma_start3A_100 : memref<40x128xf32, #tpu.memory_space<vmem>>) target(%dma_start3A_97 : memref<40x128xf32, #tpu.memory_space<vmem_shared>>) target_semaphore(%run_scoped3A : memref<!tpu.dma_semaphore, #tpu.memory_space<semaphore_mem>>)
          %dma_wait3A = arith.constant 0 : i32
          %dma_wait3A_101 = arith.constant 0 : i32
          %dma_wait3A_102 = tpu.memref_slice %arg20[%dma_wait3A, %dma_wait3A_101] : memref<40x128xf32, #tpu.memory_space<vmem>> -> memref<40x128xf32, #tpu.memory_space<vmem>>
          %dma_wait3A_103 = arith.constant 0 : i32
          %dma_wait3A_104 = arith.constant 0 : i32
          %dma_wait3A_105 = tpu.memref_slice %arg8[%dma_wait3A_103, %dma_wait3A_104] : memref<48x128xf32, #tpu.memory_space<vmem_shared>> -> memref<40x128xf32, #tpu.memory_space<vmem_shared>>
          %dma_wait3A_106 = arith.constant 0 : i32
          %dma_wait3A_107 = arith.constant 0 : i32
          %dma_wait3A_108 = tpu.memref_slice %arg8[%dma_wait3A_106, %dma_wait3A_107] : memref<48x128xf32, #tpu.memory_space<vmem_shared>> -> memref<40x128xf32, #tpu.memory_space<vmem_shared>>
          %dma_wait3A_109 = arith.constant 0 : i32
          %dma_wait3A_110 = arith.constant 0 : i32
          %dma_wait3A_111 = tpu.memref_slice %arg20[%dma_wait3A_109, %dma_wait3A_110] : memref<40x128xf32, #tpu.memory_space<vmem>> -> memref<40x128xf32, #tpu.memory_space<vmem>>
          tpu.wait_dma2 semaphore(%run_scoped3A : memref<!tpu.dma_semaphore, #tpu.memory_space<semaphore_mem>>) src(%dma_wait3A_111 : memref<40x128xf32, #tpu.memory_space<vmem>>) dst(%dma_wait3A_108 : memref<40x128xf32, #tpu.memory_space<vmem_shared>>)
          tpu.yield
        }) : () -> ()
        "tpu.region"() ({
          %run_scoped3A = tpu.sem_alloc : memref<!tpu.dma_semaphore, #tpu.memory_space<semaphore_mem>>
          %dma_start3A = arith.constant 0 : i32
          %dma_start3A_90 = arith.constant 0 : i32
          %dma_start3A_91 = tpu.memref_slice %arg20[%dma_start3A, %dma_start3A_90] : memref<40x128xf32, #tpu.memory_space<vmem>> -> memref<8x128xf32, #tpu.memory_space<vmem>>
          %dma_start3A_92 = arith.constant 40 : i32
          %dma_start3A_93 = arith.constant 0 : i32
          %dma_start3A_94 = tpu.memref_slice %arg8[%dma_start3A_92, %dma_start3A_93] : memref<48x128xf32, #tpu.memory_space<vmem_shared>> -> memref<8x128xf32, #tpu.memory_space<vmem_shared>>
          %dma_start3A_95 = arith.constant 40 : i32
          %dma_start3A_96 = arith.constant 0 : i32
          %dma_start3A_97 = tpu.memref_slice %arg8[%dma_start3A_95, %dma_start3A_96] : memref<48x128xf32, #tpu.memory_space<vmem_shared>> -> memref<8x128xf32, #tpu.memory_space<vmem_shared>>
          %dma_start3A_98 = arith.constant 0 : i32
          %dma_start3A_99 = arith.constant 0 : i32
          %dma_start3A_100 = tpu.memref_slice %arg20[%dma_start3A_98, %dma_start3A_99] : memref<40x128xf32, #tpu.memory_space<vmem>> -> memref<8x128xf32, #tpu.memory_space<vmem>>
          tpu.enqueue_dma source(%dma_start3A_100 : memref<8x128xf32, #tpu.memory_space<vmem>>) target(%dma_start3A_97 : memref<8x128xf32, #tpu.memory_space<vmem_shared>>) target_semaphore(%run_scoped3A : memref<!tpu.dma_semaphore, #tpu.memory_space<semaphore_mem>>)
          %dma_wait3A = arith.constant 0 : i32
          %dma_wait3A_101 = arith.constant 0 : i32
          %dma_wait3A_102 = tpu.memref_slice %arg20[%dma_wait3A, %dma_wait3A_101] : memref<40x128xf32, #tpu.memory_space<vmem>> -> memref<8x128xf32, #tpu.memory_space<vmem>>
          %dma_wait3A_103 = arith.constant 40 : i32
          %dma_wait3A_104 = arith.constant 0 : i32
          %dma_wait3A_105 = tpu.memref_slice %arg8[%dma_wait3A_103, %dma_wait3A_104] : memref<48x128xf32, #tpu.memory_space<vmem_shared>> -> memref<8x128xf32, #tpu.memory_space<vmem_shared>>
          %dma_wait3A_106 = arith.constant 40 : i32
          %dma_wait3A_107 = arith.constant 0 : i32
          %dma_wait3A_108 = tpu.memref_slice %arg8[%dma_wait3A_106, %dma_wait3A_107] : memref<48x128xf32, #tpu.memory_space<vmem_shared>> -> memref<8x128xf32, #tpu.memory_space<vmem_shared>>
          %dma_wait3A_109 = arith.constant 0 : i32
          %dma_wait3A_110 = arith.constant 0 : i32
          %dma_wait3A_111 = tpu.memref_slice %arg20[%dma_wait3A_109, %dma_wait3A_110] : memref<40x128xf32, #tpu.memory_space<vmem>> -> memref<8x128xf32, #tpu.memory_space<vmem>>
          tpu.wait_dma2 semaphore(%run_scoped3A : memref<!tpu.dma_semaphore, #tpu.memory_space<semaphore_mem>>) src(%dma_wait3A_111 : memref<8x128xf32, #tpu.memory_space<vmem>>) dst(%dma_wait3A_108 : memref<8x128xf32, #tpu.memory_space<vmem_shared>>)
          tpu.yield
        }) : () -> ()
      } else {
      }
      %scan3A_42 = arith.constant 0 : i32
      %scan3A_43 = arith.constant 0 : i32
      %scan3A_44 = arith.constant 48 : i32
      %scan3A_45 = arith.addi %scan3A_43, %scan3A_44 : i32
      %scan3A_46 = arith.constant 1 : i32
      %scan3A_47 = scf.for %scan3A_90 = %scan3A_43 to %scan3A_45 step %scan3A_46 iter_args(%scan3A_91 = %scan3A_42) -> (i32)  : i32 {
        %broadcast_in_dim3A_92 = arith.constant 0.000000e+00 : f32
        %broadcast_in_dim3A_93 = vector.broadcast %broadcast_in_dim3A_92 : f32 to vector<16xf32>
        %swap3A = arith.index_cast %scan3A_90 : i32 to index
        %swap3A_94 = arith.constant 0 : index
        %swap3A_95 = tpu.vector_load %arg15[%swap3A, %swap3A_94] {strides = array<i32>} : memref<48x128xf32, #tpu.memory_space<vmem>>, vector<16xf32>,
        tpu.vector_store %arg15[%swap3A, %swap3A_94], %broadcast_in_dim3A_93 {strides = array<i32>} : memref<48x128xf32, #tpu.memory_space<vmem>>, vector<16xf32>,
        %broadcast_in_dim3A_96 = arith.constant 0.000000e+00 : f32
        %broadcast_in_dim3A_97 = vector.broadcast %broadcast_in_dim3A_96 : f32 to vector<16xf32>
        %swap3A_98 = arith.index_cast %scan3A_90 : i32 to index
        %swap3A_99 = arith.constant 16 : index
        %swap3A_100 = tpu.vector_load %arg15[%swap3A_98, %swap3A_99] {strides = array<i32>} : memref<48x128xf32, #tpu.memory_space<vmem>>, vector<16xf32>,
        tpu.vector_store %arg15[%swap3A_98, %swap3A_99], %broadcast_in_dim3A_97 {strides = array<i32>} : memref<48x128xf32, #tpu.memory_space<vmem>>, vector<16xf32>,
        %broadcast_in_dim3A_101 = arith.constant 0.000000e+00 : f32
        %broadcast_in_dim3A_102 = vector.broadcast %broadcast_in_dim3A_101 : f32 to vector<16xf32>
        %swap3A_103 = arith.index_cast %scan3A_90 : i32 to index
        %swap3A_104 = arith.constant 32 : index
        %swap3A_105 = tpu.vector_load %arg15[%swap3A_103, %swap3A_104] {strides = array<i32>} : memref<48x128xf32, #tpu.memory_space<vmem>>, vector<16xf32>,
        tpu.vector_store %arg15[%swap3A_103, %swap3A_104], %broadcast_in_dim3A_102 {strides = array<i32>} : memref<48x128xf32, #tpu.memory_space<vmem>>, vector<16xf32>,
        %broadcast_in_dim3A_106 = arith.constant 0.000000e+00 : f32
        %broadcast_in_dim3A_107 = vector.broadcast %broadcast_in_dim3A_106 : f32 to vector<16xf32>
        %swap3A_108 = arith.index_cast %scan3A_90 : i32 to index
        %swap3A_109 = arith.constant 48 : index
        %swap3A_110 = tpu.vector_load %arg15[%swap3A_108, %swap3A_109] {strides = array<i32>} : memref<48x128xf32, #tpu.memory_space<vmem>>, vector<16xf32>,
        tpu.vector_store %arg15[%swap3A_108, %swap3A_109], %broadcast_in_dim3A_107 {strides = array<i32>} : memref<48x128xf32, #tpu.memory_space<vmem>>, vector<16xf32>,
        %broadcast_in_dim3A_111 = arith.constant 0.000000e+00 : f32
        %broadcast_in_dim3A_112 = vector.broadcast %broadcast_in_dim3A_111 : f32 to vector<16xf32>
        %swap3A_113 = arith.index_cast %scan3A_90 : i32 to index
        %swap3A_114 = arith.constant 64 : index
        %swap3A_115 = tpu.vector_load %arg15[%swap3A_113, %swap3A_114] {strides = array<i32>} : memref<48x128xf32, #tpu.memory_space<vmem>>, vector<16xf32>,
        tpu.vector_store %arg15[%swap3A_113, %swap3A_114], %broadcast_in_dim3A_112 {strides = array<i32>} : memref<48x128xf32, #tpu.memory_space<vmem>>, vector<16xf32>,
        %broadcast_in_dim3A_116 = arith.constant 0.000000e+00 : f32
        %broadcast_in_dim3A_117 = vector.broadcast %broadcast_in_dim3A_116 : f32 to vector<16xf32>
        %swap3A_118 = arith.index_cast %scan3A_90 : i32 to index
        %swap3A_119 = arith.constant 80 : index
        %swap3A_120 = tpu.vector_load %arg15[%swap3A_118, %swap3A_119] {strides = array<i32>} : memref<48x128xf32, #tpu.memory_space<vmem>>, vector<16xf32>,
        tpu.vector_store %arg15[%swap3A_118, %swap3A_119], %broadcast_in_dim3A_117 {strides = array<i32>} : memref<48x128xf32, #tpu.memory_space<vmem>>, vector<16xf32>,
        %broadcast_in_dim3A_121 = arith.constant 0.000000e+00 : f32
        %broadcast_in_dim3A_122 = vector.broadcast %broadcast_in_dim3A_121 : f32 to vector<16xf32>
        %swap3A_123 = arith.index_cast %scan3A_90 : i32 to index
        %swap3A_124 = arith.constant 96 : index
        %swap3A_125 = tpu.vector_load %arg15[%swap3A_123, %swap3A_124] {strides = array<i32>} : memref<48x128xf32, #tpu.memory_space<vmem>>, vector<16xf32>,
        tpu.vector_store %arg15[%swap3A_123, %swap3A_124], %broadcast_in_dim3A_122 {strides = array<i32>} : memref<48x128xf32, #tpu.memory_space<vmem>>, vector<16xf32>,
        %broadcast_in_dim3A_126 = arith.constant 0.000000e+00 : f32
        %broadcast_in_dim3A_127 = vector.broadcast %broadcast_in_dim3A_126 : f32 to vector<16xf32>
        %swap3A_128 = arith.index_cast %scan3A_90 : i32 to index
        %swap3A_129 = arith.constant 112 : index
        %swap3A_130 = tpu.vector_load %arg15[%swap3A_128, %swap3A_129] {strides = array<i32>} : memref<48x128xf32, #tpu.memory_space<vmem>>, vector<16xf32>,
        tpu.vector_store %arg15[%swap3A_128, %swap3A_129], %broadcast_in_dim3A_127 {strides = array<i32>} : memref<48x128xf32, #tpu.memory_space<vmem>>, vector<16xf32>,
        %scan3A_131 = arith.constant 0 : i32
        scf.yield %scan3A_131 : i32
      }
      %scan3A_48 = arith.constant 48 : i32
      %scan3A_49 = arith.constant 0 : i32
      %scan3A_50 = arith.constant 0 : i32
      %scan3A_51 = arith.constant 51 : i32
      %scan3A_52 = arith.addi %scan3A_50, %scan3A_51 : i32
      %scan3A_53 = arith.constant 1 : i32
      %scan3A_54 = scf.for %scan3A_90 = %scan3A_50 to %scan3A_52 step %scan3A_53 iter_args(%scan3A_91 = %scan3A_49) -> (i32)  : i32 {
        %broadcast_in_dim3A_92 = arith.constant 5120 : i32
        %broadcast_in_dim3A_93 = vector.broadcast %broadcast_in_dim3A_92 : i32 to vector<16xi32>
        %swap3A = arith.index_cast %scan3A_90 : i32 to index
        %swap3A_94 = arith.constant 0 : index
        %swap3A_95 = tpu.vector_load %arg11[%swap3A, %swap3A_94] {strides = array<i32>} : memref<51x64xi32, #tpu.memory_space<vmem>>, vector<16xi32>,
        tpu.vector_store %arg11[%swap3A, %swap3A_94], %broadcast_in_dim3A_93 {strides = array<i32>} : memref<51x64xi32, #tpu.memory_space<vmem>>, vector<16xi32>,
        %broadcast_in_dim3A_96 = arith.constant 0 : i32
        %broadcast_in_dim3A_97 = vector.broadcast %broadcast_in_dim3A_96 : i32 to vector<16xi32>
        %swap3A_98 = arith.index_cast %scan3A_90 : i32 to index
        %swap3A_99 = arith.constant 0 : index
        %swap3A_100 = tpu.vector_load %arg10[%swap3A_98, %swap3A_99] {strides = array<i32>} : memref<51x64xi32, #tpu.memory_space<vmem>>, vector<16xi32>,
        tpu.vector_store %arg10[%swap3A_98, %swap3A_99], %broadcast_in_dim3A_97 {strides = array<i32>} : memref<51x64xi32, #tpu.memory_space<vmem>>, vector<16xi32>,
        %broadcast_in_dim3A_101 = arith.constant 5120 : i32
        %broadcast_in_dim3A_102 = vector.broadcast %broadcast_in_dim3A_101 : i32 to vector<16xi32>
        %swap3A_103 = arith.index_cast %scan3A_90 : i32 to index
        %swap3A_104 = arith.constant 16 : index
        %swap3A_105 = tpu.vector_load %arg11[%swap3A_103, %swap3A_104] {strides = array<i32>} : memref<51x64xi32, #tpu.memory_space<vmem>>, vector<16xi32>,
        tpu.vector_store %arg11[%swap3A_103, %swap3A_104], %broadcast_in_dim3A_102 {strides = array<i32>} : memref<51x64xi32, #tpu.memory_space<vmem>>, vector<16xi32>,
        %broadcast_in_dim3A_106 = arith.constant 0 : i32
        %broadcast_in_dim3A_107 = vector.broadcast %broadcast_in_dim3A_106 : i32 to vector<16xi32>
        %swap3A_108 = arith.index_cast %scan3A_90 : i32 to index
        %swap3A_109 = arith.constant 16 : index
        %swap3A_110 = tpu.vector_load %arg10[%swap3A_108, %swap3A_109] {strides = array<i32>} : memref<51x64xi32, #tpu.memory_space<vmem>>, vector<16xi32>,
        tpu.vector_store %arg10[%swap3A_108, %swap3A_109], %broadcast_in_dim3A_107 {strides = array<i32>} : memref<51x64xi32, #tpu.memory_space<vmem>>, vector<16xi32>,
        %broadcast_in_dim3A_111 = arith.constant 5120 : i32
        %broadcast_in_dim3A_112 = vector.broadcast %broadcast_in_dim3A_111 : i32 to vector<16xi32>
        %swap3A_113 = arith.index_cast %scan3A_90 : i32 to index
        %swap3A_114 = arith.constant 32 : index
        %swap3A_115 = tpu.vector_load %arg11[%swap3A_113, %swap3A_114] {strides = array<i32>} : memref<51x64xi32, #tpu.memory_space<vmem>>, vector<16xi32>,
        tpu.vector_store %arg11[%swap3A_113, %swap3A_114], %broadcast_in_dim3A_112 {strides = array<i32>} : memref<51x64xi32, #tpu.memory_space<vmem>>, vector<16xi32>,
        %broadcast_in_dim3A_116 = arith.constant 0 : i32
        %broadcast_in_dim3A_117 = vector.broadcast %broadcast_in_dim3A_116 : i32 to vector<16xi32>
        %swap3A_118 = arith.index_cast %scan3A_90 : i32 to index
        %swap3A_119 = arith.constant 32 : index
        %swap3A_120 = tpu.vector_load %arg10[%swap3A_118, %swap3A_119] {strides = array<i32>} : memref<51x64xi32, #tpu.memory_space<vmem>>, vector<16xi32>,
        tpu.vector_store %arg10[%swap3A_118, %swap3A_119], %broadcast_in_dim3A_117 {strides = array<i32>} : memref<51x64xi32, #tpu.memory_space<vmem>>, vector<16xi32>,
        %broadcast_in_dim3A_121 = arith.constant 5120 : i32
        %broadcast_in_dim3A_122 = vector.broadcast %broadcast_in_dim3A_121 : i32 to vector<16xi32>
        %swap3A_123 = arith.index_cast %scan3A_90 : i32 to index
        %swap3A_124 = arith.constant 48 : index
        %swap3A_125 = tpu.vector_load %arg11[%swap3A_123, %swap3A_124] {strides = array<i32>} : memref<51x64xi32, #tpu.memory_space<vmem>>, vector<16xi32>,
        tpu.vector_store %arg11[%swap3A_123, %swap3A_124], %broadcast_in_dim3A_122 {strides = array<i32>} : memref<51x64xi32, #tpu.memory_space<vmem>>, vector<16xi32>,
        %broadcast_in_dim3A_126 = arith.constant 0 : i32
        %broadcast_in_dim3A_127 = vector.broadcast %broadcast_in_dim3A_126 : i32 to vector<16xi32>
        %swap3A_128 = arith.index_cast %scan3A_90 : i32 to index
        %swap3A_129 = arith.constant 48 : index
        %swap3A_130 = tpu.vector_load %arg10[%swap3A_128, %swap3A_129] {strides = array<i32>} : memref<51x64xi32, #tpu.memory_space<vmem>>, vector<16xi32>,
        tpu.vector_store %arg10[%swap3A_128, %swap3A_129], %broadcast_in_dim3A_127 {strides = array<i32>} : memref<51x64xi32, #tpu.memory_space<vmem>>, vector<16xi32>,
        %scan3A_131 = arith.constant 0 : i32
        scf.yield %scan3A_131 : i32
      }
      %scan3A_55 = arith.constant 51 : i32
      %barrier3A = arith.constant 0 : index
      tpu.barrier barrier_id(%barrier3A)
      %scan3A_56 = arith.constant 0 : i32
      %scan3A_57 = arith.constant 0 : i32
      %scan3A_58 = arith.constant 200 : i32
      %scan3A_59 = arith.addi %scan3A_57, %scan3A_58 : i32
      %scan3A_60 = arith.constant 1 : i32
      %scan3A_61 = scf.for %scan3A_90 = %scan3A_57 to %scan3A_59 step %scan3A_60 iter_args(%scan3A_91 = %scan3A_56) -> (i32)  : i32 {
        %mul3A_92 = arith.constant 16 : i32
        %mul3A_93 = arith.muli %scan3A_90, %mul3A_92 : i32
        %get3A_94 = arith.index_cast %mul3A_93 : i32 to index
        %get3A_95 = tpu.vector_load %arg9[%get3A_94] {strides = array<i32>} : memref<3200xi32, #tpu.memory_space<vmem>>, vector<16xi32>,
        %sub3A = vector.broadcast %add3A_32 : i32 to vector<16xi32>
        %sub3A_96 = arith.subi %get3A_95, %sub3A : vector<16xi32>
        %ge3A = arith.constant 0 : i32
        %ge3A_97 = vector.broadcast %ge3A : i32 to vector<16xi32>
        %ge3A_98 = arith.cmpi sge, %sub3A_96, %ge3A_97 : vector<16xi32>
        %lt3A = arith.constant 5120 : i32
        %lt3A_99 = vector.broadcast %lt3A : i32 to vector<16xi32>
        %lt3A_100 = arith.cmpi slt, %sub3A_96, %lt3A_99 : vector<16xi32>
        %and3A = arith.andi %ge3A_98, %lt3A_100 : vector<16xi1>
        %lt3A_101 = vector.broadcast %mul3A_2 : i32 to vector<16xi32>
        %lt3A_102 = arith.cmpi slt, %get3A_95, %lt3A_101 : vector<16xi32>
        %and3A_103 = arith.andi %and3A, %lt3A_102 : vector<16xi1>
        %convert_element_type3A_104 = arith.extui %and3A_103 : vector<16xi1> to vector<16xi32>
        %broadcast_in_dim3A_105 = arith.constant true
        %broadcast_in_dim3A_106 = vector.broadcast %broadcast_in_dim3A_105 : i1 to vector<16xi1>
        %masked_cumsum3A = tpu.scan <sum>, %convert_element_type3A_104 masked %broadcast_in_dim3A_106 : vector<16xi32>, vector<16xi1> -> vector<16xi32>
        %add3A_107 = vector.broadcast %scan3A_91 : i32 to vector<16xi32>
        %add3A_108 = arith.addi %add3A_107, %masked_cumsum3A : vector<16xi32>
        %sub3A_109 = arith.constant 1 : i32
        %sub3A_110 = vector.broadcast %sub3A_109 : i32 to vector<16xi32>
        %sub3A_111 = arith.subi %add3A_108, %sub3A_110 : vector<16xi32>
        %jit3A = arith.constant 3263 : i32
        %broadcast_in_dim3A_112 = vector.broadcast %jit3A : i32 to vector<16xi32>
        %select_n3A = arith.select %and3A_103, %sub3A_111, %broadcast_in_dim3A_112 : vector<16xi1>, vector<16xi32>
        %shift_right_arithmetic3A_113 = arith.constant 6 : i32
        %shift_right_arithmetic3A_114 = vector.broadcast %shift_right_arithmetic3A_113 : i32 to vector<16xi32>
        %shift_right_arithmetic3A_115 = arith.shrsi %select_n3A, %shift_right_arithmetic3A_114 : vector<16xi32>
        %and3A_116 = arith.constant 63 : i32
        %and3A_117 = vector.broadcast %and3A_116 : i32 to vector<16xi32>
        %and3A_118 = arith.andi %select_n3A, %and3A_117 : vector<16xi32>
        tpu.vector_store_idx %arg11[%shift_right_arithmetic3A_115, %and3A_118], %sub3A_96 : memref<51x64xi32, #tpu.memory_space<vmem>>[vector<16xi32>, vector<16xi32>], vector<16xi32>,
        %mul3A_119 = arith.constant 3200 : i32
        %mul3A_120 = arith.muli %arg1, %mul3A_119 : i32
        %mul3A_121 = arith.constant 16 : i32
        %mul3A_122 = arith.muli %scan3A_90, %mul3A_121 : i32
        %add3A_123 = arith.addi %mul3A_120, %mul3A_122 : i32
        %add3A_124 = vector.broadcast %add3A_123 : i32 to vector<16xi32>
        %add3A_125 = arith.addi %add3A_124, %iota3A : vector<16xi32>
        tpu.vector_store_idx %arg10[%shift_right_arithmetic3A_115, %and3A_118], %add3A_125 : memref<51x64xi32, #tpu.memory_space<vmem>>[vector<16xi32>, vector<16xi32>], vector<16xi32>,
        %reduce_sum3A = arith.constant true
        %reduce_sum3A_126 = vector.broadcast %reduce_sum3A : i1 to vector<16xi1>
        %reduce_sum3A_127 = tpu.scan <sum>, %convert_element_type3A_104 masked %reduce_sum3A_126 : vector<16xi32>, vector<16xi1> -> vector<16xi32>
        %reduce_sum3A_128 = vector.extract %reduce_sum3A_127[15] : i32 from vector<16xi32>
        %add3A_129 = arith.addi %scan3A_91, %reduce_sum3A_128 : i32
        scf.yield %add3A_129 : i32
      }
      %scan3A_62 = arith.constant 200 : i32
      %add3A_63 = arith.constant 63 : i32
      %add3A_64 = arith.addi %scan3A_61, %add3A_63 : i32
      %shift_right_arithmetic3A = arith.constant 6 : i32
      %shift_right_arithmetic3A_65 = arith.shrsi %add3A_64, %shift_right_arithmetic3A : i32
      %broadcast_in_dim3A = arith.constant 1.000000e+00 : f32
      %broadcast_in_dim3A_66 = vector.broadcast %broadcast_in_dim3A : f32 to vector<16xf32>
      %while3A = arith.constant 0 : i32
      %while3A_67 = arith.constant 0 : i32
      %while3A_68 = arith.subi %shift_right_arithmetic3A_65, %while3A : i32
      %while3A_69 = arith.addi %while3A, %while3A_68 : i32
      %while3A_70 = arith.constant 1 : i32
      %while3A_71 = arith.divsi %while3A_68, %while3A_70 : i32
      %while3A_72 = arith.muli %while3A_71, %while3A_70 : i32
      %while3A_73 = arith.addi %while3A, %while3A_72 : i32
      %while3A_74 = arith.constant 1 : i32
      %while3A_75 = scf.for %while3A_90 = %while3A to %while3A_73 step %while3A_74 iter_args(%while3A_91 = %while3A_67) -> (i32)  : i32 {
        %get3A_92 = arith.index_cast %while3A_90 : i32 to index
        %get3A_93 = arith.constant 0 : index
        %get3A_94 = tpu.vector_load %arg11[%get3A_92, %get3A_93] {strides = array<i32>} : memref<51x64xi32, #tpu.memory_space<vmem>>, vector<16xi32>,
        %get3A_95 = arith.index_cast %while3A_90 : i32 to index
        %get3A_96 = arith.constant 0 : index
        %get3A_97 = tpu.vector_load %arg10[%get3A_95, %get3A_96] {strides = array<i32>} : memref<51x64xi32, #tpu.memory_space<vmem>>, vector<16xi32>,
        %swap3A = arith.constant 0 : index
        %swap3A_98 = tpu.vector_load %arg12[%swap3A] {strides = array<i32>} : memref<64xi32, #tpu.memory_space<vmem>>, vector<16xi32>,
        tpu.vector_store %arg12[%swap3A], %get3A_97 {strides = array<i32>} : memref<64xi32, #tpu.memory_space<vmem>>, vector<16xi32>,
        %swap3A_99 = arith.constant 0 : index
        %swap3A_100 = tpu.vector_load %arg13[%swap3A_99] {strides = array<i32>} : memref<64xi32, #tpu.memory_space<vmem>>, vector<16xi32>,
        tpu.vector_store %arg13[%swap3A_99], %get3A_94 {strides = array<i32>} : memref<64xi32, #tpu.memory_space<vmem>>, vector<16xi32>,
        %shift_right_arithmetic3A_101 = arith.constant 7 : i32
        %shift_right_arithmetic3A_102 = vector.broadcast %shift_right_arithmetic3A_101 : i32 to vector<16xi32>
        %shift_right_arithmetic3A_103 = arith.shrsi %get3A_94, %shift_right_arithmetic3A_102 : vector<16xi32>
        %and3A = arith.constant 127 : i32
        %and3A_104 = vector.broadcast %and3A : i32 to vector<16xi32>
        %and3A_105 = arith.andi %get3A_94, %and3A_104 : vector<16xi32>
        tpu.vector_store_idx %arg15[%shift_right_arithmetic3A_103, %and3A_105], %broadcast_in_dim3A_66 {add = true} : memref<48x128xf32, #tpu.memory_space<vmem>>[vector<16xi32>, vector<16xi32>], vector<16xf32>,
        %get3A_106 = arith.index_cast %while3A_90 : i32 to index
        %get3A_107 = arith.constant 16 : index
        %get3A_108 = tpu.vector_load %arg11[%get3A_106, %get3A_107] {strides = array<i32>} : memref<51x64xi32, #tpu.memory_space<vmem>>, vector<16xi32>,
        %get3A_109 = arith.index_cast %while3A_90 : i32 to index
        %get3A_110 = arith.constant 16 : index
        %get3A_111 = tpu.vector_load %arg10[%get3A_109, %get3A_110] {strides = array<i32>} : memref<51x64xi32, #tpu.memory_space<vmem>>, vector<16xi32>,
        %swap3A_112 = arith.constant 16 : index
        %swap3A_113 = tpu.vector_load %arg12[%swap3A_112] {strides = array<i32>} : memref<64xi32, #tpu.memory_space<vmem>>, vector<16xi32>,
        tpu.vector_store %arg12[%swap3A_112], %get3A_111 {strides = array<i32>} : memref<64xi32, #tpu.memory_space<vmem>>, vector<16xi32>,
        %swap3A_114 = arith.constant 16 : index
        %swap3A_115 = tpu.vector_load %arg13[%swap3A_114] {strides = array<i32>} : memref<64xi32, #tpu.memory_space<vmem>>, vector<16xi32>,
        tpu.vector_store %arg13[%swap3A_114], %get3A_108 {strides = array<i32>} : memref<64xi32, #tpu.memory_space<vmem>>, vector<16xi32>,
        %shift_right_arithmetic3A_116 = arith.constant 7 : i32
        %shift_right_arithmetic3A_117 = vector.broadcast %shift_right_arithmetic3A_116 : i32 to vector<16xi32>
        %shift_right_arithmetic3A_118 = arith.shrsi %get3A_108, %shift_right_arithmetic3A_117 : vector<16xi32>
        %and3A_119 = arith.constant 127 : i32
        %and3A_120 = vector.broadcast %and3A_119 : i32 to vector<16xi32>
        %and3A_121 = arith.andi %get3A_108, %and3A_120 : vector<16xi32>
        tpu.vector_store_idx %arg15[%shift_right_arithmetic3A_118, %and3A_121], %broadcast_in_dim3A_66 {add = true} : memref<48x128xf32, #tpu.memory_space<vmem>>[vector<16xi32>, vector<16xi32>], vector<16xf32>,
        %get3A_122 = arith.index_cast %while3A_90 : i32 to index
        %get3A_123 = arith.constant 32 : index
        %get3A_124 = tpu.vector_load %arg11[%get3A_122, %get3A_123] {strides = array<i32>} : memref<51x64xi32, #tpu.memory_space<vmem>>, vector<16xi32>,
        %get3A_125 = arith.index_cast %while3A_90 : i32 to index
        %get3A_126 = arith.constant 32 : index
        %get3A_127 = tpu.vector_load %arg10[%get3A_125, %get3A_126] {strides = array<i32>} : memref<51x64xi32, #tpu.memory_space<vmem>>, vector<16xi32>,
        %swap3A_128 = arith.constant 32 : index
        %swap3A_129 = tpu.vector_load %arg12[%swap3A_128] {strides = array<i32>} : memref<64xi32, #tpu.memory_space<vmem>>, vector<16xi32>,
        tpu.vector_store %arg12[%swap3A_128], %get3A_127 {strides = array<i32>} : memref<64xi32, #tpu.memory_space<vmem>>, vector<16xi32>,
        %swap3A_130 = arith.constant 32 : index
        %swap3A_131 = tpu.vector_load %arg13[%swap3A_130] {strides = array<i32>} : memref<64xi32, #tpu.memory_space<vmem>>, vector<16xi32>,
        tpu.vector_store %arg13[%swap3A_130], %get3A_124 {strides = array<i32>} : memref<64xi32, #tpu.memory_space<vmem>>, vector<16xi32>,
        %shift_right_arithmetic3A_132 = arith.constant 7 : i32
        %shift_right_arithmetic3A_133 = vector.broadcast %shift_right_arithmetic3A_132 : i32 to vector<16xi32>
        %shift_right_arithmetic3A_134 = arith.shrsi %get3A_124, %shift_right_arithmetic3A_133 : vector<16xi32>
        %and3A_135 = arith.constant 127 : i32
        %and3A_136 = vector.broadcast %and3A_135 : i32 to vector<16xi32>
        %and3A_137 = arith.andi %get3A_124, %and3A_136 : vector<16xi32>
        tpu.vector_store_idx %arg15[%shift_right_arithmetic3A_134, %and3A_137], %broadcast_in_dim3A_66 {add = true} : memref<48x128xf32, #tpu.memory_space<vmem>>[vector<16xi32>, vector<16xi32>], vector<16xf32>,
        %get3A_138 = arith.index_cast %while3A_90 : i32 to index
        %get3A_139 = arith.constant 48 : index
        %get3A_140 = tpu.vector_load %arg11[%get3A_138, %get3A_139] {strides = array<i32>} : memref<51x64xi32, #tpu.memory_space<vmem>>, vector<16xi32>,
        %get3A_141 = arith.index_cast %while3A_90 : i32 to index
        %get3A_142 = arith.constant 48 : index
        %get3A_143 = tpu.vector_load %arg10[%get3A_141, %get3A_142] {strides = array<i32>} : memref<51x64xi32, #tpu.memory_space<vmem>>, vector<16xi32>,
        %swap3A_144 = arith.constant 48 : index
        %swap3A_145 = tpu.vector_load %arg12[%swap3A_144] {strides = array<i32>} : memref<64xi32, #tpu.memory_space<vmem>>, vector<16xi32>,
        tpu.vector_store %arg12[%swap3A_144], %get3A_143 {strides = array<i32>} : memref<64xi32, #tpu.memory_space<vmem>>, vector<16xi32>,
        %swap3A_146 = arith.constant 48 : index
        %swap3A_147 = tpu.vector_load %arg13[%swap3A_146] {strides = array<i32>} : memref<64xi32, #tpu.memory_space<vmem>>, vector<16xi32>,
        tpu.vector_store %arg13[%swap3A_146], %get3A_140 {strides = array<i32>} : memref<64xi32, #tpu.memory_space<vmem>>, vector<16xi32>,
        %shift_right_arithmetic3A_148 = arith.constant 7 : i32
        %shift_right_arithmetic3A_149 = vector.broadcast %shift_right_arithmetic3A_148 : i32 to vector<16xi32>
        %shift_right_arithmetic3A_150 = arith.shrsi %get3A_140, %shift_right_arithmetic3A_149 : vector<16xi32>
        %and3A_151 = arith.constant 127 : i32
        %and3A_152 = vector.broadcast %and3A_151 : i32 to vector<16xi32>
        %and3A_153 = arith.andi %get3A_140, %and3A_152 : vector<16xi32>
        tpu.vector_store_idx %arg15[%shift_right_arithmetic3A_150, %and3A_153], %broadcast_in_dim3A_66 {add = true} : memref<48x128xf32, #tpu.memory_space<vmem>>[vector<16xi32>, vector<16xi32>], vector<16xf32>,
        %dma_start3A = arith.constant 0 : i32
        %dma_start3A_154 = arith.constant 0 : i32
        %dma_start3A_155 = tpu.memref_slice %arg3[%dma_start3A, %dma_start3A_154] : memref<51200x128xf32, #tpu.memory_space<hbm>> -> memref<51200x128xf32, #tpu.memory_space<hbm>>
        tpu.enqueue_indirect_dma source(%dma_start3A_155 : memref<51200x128xf32, #tpu.memory_space<hbm>>) target(%arg14 : memref<64x128xf32, #tpu.memory_space<vmem>>) offsets(%arg12 : memref<64xi32, #tpu.memory_space<vmem>>) semaphore(%arg21 : memref<!tpu.dma_semaphore, #tpu.memory_space<semaphore_mem>>)
        %dma_wait3A = arith.constant 0 : i32
        %dma_wait3A_156 = arith.constant 0 : i32
        %dma_wait3A_157 = tpu.memref_slice %arg3[%dma_wait3A, %dma_wait3A_156] : memref<51200x128xf32, #tpu.memory_space<hbm>> -> memref<51200x128xf32, #tpu.memory_space<hbm>>
        tpu.wait_indirect_dma semaphore(%arg21 : memref<!tpu.dma_semaphore, #tpu.memory_space<semaphore_mem>>) src(%dma_wait3A_157 : memref<51200x128xf32, #tpu.memory_space<hbm>>) dst(%arg14 : memref<64x128xf32, #tpu.memory_space<vmem>>)
        "tpu.region"() ({
          %run_scoped3A = tpu.sem_alloc : memref<!tpu.dma_semaphore, #tpu.memory_space<semaphore_mem>>
          %dma_start3A_159 = arith.constant 0 : i32
          %dma_start3A_160 = arith.constant 0 : i32
          %dma_start3A_161 = tpu.memref_slice %arg7[%dma_start3A_159, %dma_start3A_160] : memref<5128x128xf32, #tpu.memory_space<vmem_shared>> -> memref<5128x128xf32, #tpu.memory_space<vmem_shared>>
          tpu.enqueue_indirect_dma source(%arg14 : memref<64x128xf32, #tpu.memory_space<vmem>>) target(%dma_start3A_161 : memref<5128x128xf32, #tpu.memory_space<vmem_shared>>) offsets(%arg13 : memref<64xi32, #tpu.memory_space<vmem>>) semaphore(%run_scoped3A : memref<!tpu.dma_semaphore, #tpu.memory_space<semaphore_mem>>) {add = true}
          %dma_wait3A_162 = arith.constant 0 : i32
          %dma_wait3A_163 = arith.constant 0 : i32
          %dma_wait3A_164 = tpu.memref_slice %arg7[%dma_wait3A_162, %dma_wait3A_163] : memref<5128x128xf32, #tpu.memory_space<vmem_shared>> -> memref<5128x128xf32, #tpu.memory_space<vmem_shared>>
          tpu.wait_indirect_dma semaphore(%run_scoped3A : memref<!tpu.dma_semaphore, #tpu.memory_space<semaphore_mem>>) src(%arg14 : memref<64x128xf32, #tpu.memory_space<vmem>>) dst(%dma_wait3A_164 : memref<5128x128xf32, #tpu.memory_space<vmem_shared>>)
          tpu.yield
        }) : () -> ()
        %while3A_158 = arith.constant 0 : i32
        scf.yield %while3A_158 : i32
      }
      %while3A_76 = arith.constant 1 : i32
      %while3A_77 = scf.for %while3A_90 = %while3A_73 to %while3A_69 step %while3A_76 iter_args(%while3A_91 = %while3A_75) -> (i32)  : i32 {
        %get3A_92 = arith.index_cast %while3A_90 : i32 to index
        %get3A_93 = arith.constant 0 : index
        %get3A_94 = tpu.vector_load %arg11[%get3A_92, %get3A_93] {strides = array<i32>} : memref<51x64xi32, #tpu.memory_space<vmem>>, vector<16xi32>,
        %get3A_95 = arith.index_cast %while3A_90 : i32 to index
        %get3A_96 = arith.constant 0 : index
        %get3A_97 = tpu.vector_load %arg10[%get3A_95, %get3A_96] {strides = array<i32>} : memref<51x64xi32, #tpu.memory_space<vmem>>, vector<16xi32>,
        %swap3A = arith.constant 0 : index
        %swap3A_98 = tpu.vector_load %arg12[%swap3A] {strides = array<i32>} : memref<64xi32, #tpu.memory_space<vmem>>, vector<16xi32>,
        tpu.vector_store %arg12[%swap3A], %get3A_97 {strides = array<i32>} : memref<64xi32, #tpu.memory_space<vmem>>, vector<16xi32>,
        %swap3A_99 = arith.constant 0 : index
        %swap3A_100 = tpu.vector_load %arg13[%swap3A_99] {strides = array<i32>} : memref<64xi32, #tpu.memory_space<vmem>>, vector<16xi32>,
        tpu.vector_store %arg13[%swap3A_99], %get3A_94 {strides = array<i32>} : memref<64xi32, #tpu.memory_space<vmem>>, vector<16xi32>,
        %shift_right_arithmetic3A_101 = arith.constant 7 : i32
        %shift_right_arithmetic3A_102 = vector.broadcast %shift_right_arithmetic3A_101 : i32 to vector<16xi32>
        %shift_right_arithmetic3A_103 = arith.shrsi %get3A_94, %shift_right_arithmetic3A_102 : vector<16xi32>
        %and3A = arith.constant 127 : i32
        %and3A_104 = vector.broadcast %and3A : i32 to vector<16xi32>
        %and3A_105 = arith.andi %get3A_94, %and3A_104 : vector<16xi32>
        tpu.vector_store_idx %arg15[%shift_right_arithmetic3A_103, %and3A_105], %broadcast_in_dim3A_66 {add = true} : memref<48x128xf32, #tpu.memory_space<vmem>>[vector<16xi32>, vector<16xi32>], vector<16xf32>,
        %get3A_106 = arith.index_cast %while3A_90 : i32 to index
        %get3A_107 = arith.constant 16 : index
        %get3A_108 = tpu.vector_load %arg11[%get3A_106, %get3A_107] {strides = array<i32>} : memref<51x64xi32, #tpu.memory_space<vmem>>, vector<16xi32>,
        %get3A_109 = arith.index_cast %while3A_90 : i32 to index
        %get3A_110 = arith.constant 16 : index
        %get3A_111 = tpu.vector_load %arg10[%get3A_109, %get3A_110] {strides = array<i32>} : memref<51x64xi32, #tpu.memory_space<vmem>>, vector<16xi32>,
        %swap3A_112 = arith.constant 16 : index
        %swap3A_113 = tpu.vector_load %arg12[%swap3A_112] {strides = array<i32>} : memref<64xi32, #tpu.memory_space<vmem>>, vector<16xi32>,
        tpu.vector_store %arg12[%swap3A_112], %get3A_111 {strides = array<i32>} : memref<64xi32, #tpu.memory_space<vmem>>, vector<16xi32>,
        %swap3A_114 = arith.constant 16 : index
        %swap3A_115 = tpu.vector_load %arg13[%swap3A_114] {strides = array<i32>} : memref<64xi32, #tpu.memory_space<vmem>>, vector<16xi32>,
        tpu.vector_store %arg13[%swap3A_114], %get3A_108 {strides = array<i32>} : memref<64xi32, #tpu.memory_space<vmem>>, vector<16xi32>,
        %shift_right_arithmetic3A_116 = arith.constant 7 : i32
        %shift_right_arithmetic3A_117 = vector.broadcast %shift_right_arithmetic3A_116 : i32 to vector<16xi32>
        %shift_right_arithmetic3A_118 = arith.shrsi %get3A_108, %shift_right_arithmetic3A_117 : vector<16xi32>
        %and3A_119 = arith.constant 127 : i32
        %and3A_120 = vector.broadcast %and3A_119 : i32 to vector<16xi32>
        %and3A_121 = arith.andi %get3A_108, %and3A_120 : vector<16xi32>
        tpu.vector_store_idx %arg15[%shift_right_arithmetic3A_118, %and3A_121], %broadcast_in_dim3A_66 {add = true} : memref<48x128xf32, #tpu.memory_space<vmem>>[vector<16xi32>, vector<16xi32>], vector<16xf32>,
        %get3A_122 = arith.index_cast %while3A_90 : i32 to index
        %get3A_123 = arith.constant 32 : index
        %get3A_124 = tpu.vector_load %arg11[%get3A_122, %get3A_123] {strides = array<i32>} : memref<51x64xi32, #tpu.memory_space<vmem>>, vector<16xi32>,
        %get3A_125 = arith.index_cast %while3A_90 : i32 to index
        %get3A_126 = arith.constant 32 : index
        %get3A_127 = tpu.vector_load %arg10[%get3A_125, %get3A_126] {strides = array<i32>} : memref<51x64xi32, #tpu.memory_space<vmem>>, vector<16xi32>,
        %swap3A_128 = arith.constant 32 : index
        %swap3A_129 = tpu.vector_load %arg12[%swap3A_128] {strides = array<i32>} : memref<64xi32, #tpu.memory_space<vmem>>, vector<16xi32>,
        tpu.vector_store %arg12[%swap3A_128], %get3A_127 {strides = array<i32>} : memref<64xi32, #tpu.memory_space<vmem>>, vector<16xi32>,
        %swap3A_130 = arith.constant 32 : index
        %swap3A_131 = tpu.vector_load %arg13[%swap3A_130] {strides = array<i32>} : memref<64xi32, #tpu.memory_space<vmem>>, vector<16xi32>,
        tpu.vector_store %arg13[%swap3A_130], %get3A_124 {strides = array<i32>} : memref<64xi32, #tpu.memory_space<vmem>>, vector<16xi32>,
        %shift_right_arithmetic3A_132 = arith.constant 7 : i32
        %shift_right_arithmetic3A_133 = vector.broadcast %shift_right_arithmetic3A_132 : i32 to vector<16xi32>
        %shift_right_arithmetic3A_134 = arith.shrsi %get3A_124, %shift_right_arithmetic3A_133 : vector<16xi32>
        %and3A_135 = arith.constant 127 : i32
        %and3A_136 = vector.broadcast %and3A_135 : i32 to vector<16xi32>
        %and3A_137 = arith.andi %get3A_124, %and3A_136 : vector<16xi32>
        tpu.vector_store_idx %arg15[%shift_right_arithmetic3A_134, %and3A_137], %broadcast_in_dim3A_66 {add = true} : memref<48x128xf32, #tpu.memory_space<vmem>>[vector<16xi32>, vector<16xi32>], vector<16xf32>,
        %get3A_138 = arith.index_cast %while3A_90 : i32 to index
        %get3A_139 = arith.constant 48 : index
        %get3A_140 = tpu.vector_load %arg11[%get3A_138, %get3A_139] {strides = array<i32>} : memref<51x64xi32, #tpu.memory_space<vmem>>, vector<16xi32>,
        %get3A_141 = arith.index_cast %while3A_90 : i32 to index
        %get3A_142 = arith.constant 48 : index
        %get3A_143 = tpu.vector_load %arg10[%get3A_141, %get3A_142] {strides = array<i32>} : memref<51x64xi32, #tpu.memory_space<vmem>>, vector<16xi32>,
        %swap3A_144 = arith.constant 48 : index
        %swap3A_145 = tpu.vector_load %arg12[%swap3A_144] {strides = array<i32>} : memref<64xi32, #tpu.memory_space<vmem>>, vector<16xi32>,
        tpu.vector_store %arg12[%swap3A_144], %get3A_143 {strides = array<i32>} : memref<64xi32, #tpu.memory_space<vmem>>, vector<16xi32>,
        %swap3A_146 = arith.constant 48 : index
        %swap3A_147 = tpu.vector_load %arg13[%swap3A_146] {strides = array<i32>} : memref<64xi32, #tpu.memory_space<vmem>>, vector<16xi32>,
        tpu.vector_store %arg13[%swap3A_146], %get3A_140 {strides = array<i32>} : memref<64xi32, #tpu.memory_space<vmem>>, vector<16xi32>,
        %shift_right_arithmetic3A_148 = arith.constant 7 : i32
        %shift_right_arithmetic3A_149 = vector.broadcast %shift_right_arithmetic3A_148 : i32 to vector<16xi32>
        %shift_right_arithmetic3A_150 = arith.shrsi %get3A_140, %shift_right_arithmetic3A_149 : vector<16xi32>
        %and3A_151 = arith.constant 127 : i32
        %and3A_152 = vector.broadcast %and3A_151 : i32 to vector<16xi32>
        %and3A_153 = arith.andi %get3A_140, %and3A_152 : vector<16xi32>
        tpu.vector_store_idx %arg15[%shift_right_arithmetic3A_150, %and3A_153], %broadcast_in_dim3A_66 {add = true} : memref<48x128xf32, #tpu.memory_space<vmem>>[vector<16xi32>, vector<16xi32>], vector<16xf32>,
        %dma_start3A = arith.constant 0 : i32
        %dma_start3A_154 = arith.constant 0 : i32
        %dma_start3A_155 = tpu.memref_slice %arg3[%dma_start3A, %dma_start3A_154] : memref<51200x128xf32, #tpu.memory_space<hbm>> -> memref<51200x128xf32, #tpu.memory_space<hbm>>
        tpu.enqueue_indirect_dma source(%dma_start3A_155 : memref<51200x128xf32, #tpu.memory_space<hbm>>) target(%arg14 : memref<64x128xf32, #tpu.memory_space<vmem>>) offsets(%arg12 : memref<64xi32, #tpu.memory_space<vmem>>) semaphore(%arg21 : memref<!tpu.dma_semaphore, #tpu.memory_space<semaphore_mem>>)
        %dma_wait3A = arith.constant 0 : i32
        %dma_wait3A_156 = arith.constant 0 : i32
        %dma_wait3A_157 = tpu.memref_slice %arg3[%dma_wait3A, %dma_wait3A_156] : memref<51200x128xf32, #tpu.memory_space<hbm>> -> memref<51200x128xf32, #tpu.memory_space<hbm>>
        tpu.wait_indirect_dma semaphore(%arg21 : memref<!tpu.dma_semaphore, #tpu.memory_space<semaphore_mem>>) src(%dma_wait3A_157 : memref<51200x128xf32, #tpu.memory_space<hbm>>) dst(%arg14 : memref<64x128xf32, #tpu.memory_space<vmem>>)
        "tpu.region"() ({
          %run_scoped3A = tpu.sem_alloc : memref<!tpu.dma_semaphore, #tpu.memory_space<semaphore_mem>>
          %dma_start3A_159 = arith.constant 0 : i32
          %dma_start3A_160 = arith.constant 0 : i32
          %dma_start3A_161 = tpu.memref_slice %arg7[%dma_start3A_159, %dma_start3A_160] : memref<5128x128xf32, #tpu.memory_space<vmem_shared>> -> memref<5128x128xf32, #tpu.memory_space<vmem_shared>>
          tpu.enqueue_indirect_dma source(%arg14 : memref<64x128xf32, #tpu.memory_space<vmem>>) target(%dma_start3A_161 : memref<5128x128xf32, #tpu.memory_space<vmem_shared>>) offsets(%arg13 : memref<64xi32, #tpu.memory_space<vmem>>) semaphore(%run_scoped3A : memref<!tpu.dma_semaphore, #tpu.memory_space<semaphore_mem>>) {add = true}
          %dma_wait3A_162 = arith.constant 0 : i32
          %dma_wait3A_163 = arith.constant 0 : i32
          %dma_wait3A_164 = tpu.memref_slice %arg7[%dma_wait3A_162, %dma_wait3A_163] : memref<5128x128xf32, #tpu.memory_space<vmem_shared>> -> memref<5128x128xf32, #tpu.memory_space<vmem_shared>>
          tpu.wait_indirect_dma semaphore(%run_scoped3A : memref<!tpu.dma_semaphore, #tpu.memory_space<semaphore_mem>>) src(%arg14 : memref<64x128xf32, #tpu.memory_space<vmem>>) dst(%dma_wait3A_164 : memref<5128x128xf32, #tpu.memory_space<vmem_shared>>)
          tpu.yield
        }) : () -> ()
        %while3A_158 = arith.constant 0 : i32
        scf.yield %while3A_158 : i32
      }
      "tpu.region"() ({
        %run_scoped3A = tpu.sem_alloc : memref<!tpu.dma_semaphore, #tpu.memory_space<semaphore_mem>>
        %dma_start3A = arith.constant 0 : i32
        %dma_start3A_90 = arith.constant 0 : i32
        %dma_start3A_91 = tpu.memref_slice %arg8[%dma_start3A, %dma_start3A_90] : memref<48x128xf32, #tpu.memory_space<vmem_shared>> -> memref<48x128xf32, #tpu.memory_space<vmem_shared>>
        tpu.enqueue_indirect_dma source(%arg15 : memref<48x128xf32, #tpu.memory_space<vmem>>) target(%dma_start3A_91 : memref<48x128xf32, #tpu.memory_space<vmem_shared>>) offsets(%arg16 : memref<48xi32, #tpu.memory_space<vmem>>) semaphore(%run_scoped3A : memref<!tpu.dma_semaphore, #tpu.memory_space<semaphore_mem>>) {add = true}
        %dma_wait3A = arith.constant 0 : i32
        %dma_wait3A_92 = arith.constant 0 : i32
        %dma_wait3A_93 = tpu.memref_slice %arg8[%dma_wait3A, %dma_wait3A_92] : memref<48x128xf32, #tpu.memory_space<vmem_shared>> -> memref<48x128xf32, #tpu.memory_space<vmem_shared>>
        tpu.wait_indirect_dma semaphore(%run_scoped3A : memref<!tpu.dma_semaphore, #tpu.memory_space<semaphore_mem>>) src(%arg15 : memref<48x128xf32, #tpu.memory_space<vmem>>) dst(%dma_wait3A_93 : memref<48x128xf32, #tpu.memory_space<vmem_shared>>)
        tpu.yield
      }) : () -> ()
      %barrier3A_78 = arith.constant 0 : index
      tpu.barrier barrier_id(%barrier3A_78)
      %mul3A_79 = arith.constant 320 : i32
      %mul3A_80 = arith.muli %arg1, %mul3A_79 : i32
      %add3A_81 = arith.addi %add3A_32, %mul3A_80 : i32
      "tpu.region"() ({
        %run_scoped3A = tpu.sem_alloc : memref<!tpu.dma_semaphore, #tpu.memory_space<semaphore_mem>>
        tpu.enqueue_dma source(%arg8 : memref<48x128xf32, #tpu.memory_space<vmem_shared>>) target(%arg19 : memref<48x128xf32, #tpu.memory_space<vmem>>) target_semaphore(%run_scoped3A : memref<!tpu.dma_semaphore, #tpu.memory_space<semaphore_mem>>)
        tpu.wait_dma2 semaphore(%run_scoped3A : memref<!tpu.dma_semaphore, #tpu.memory_space<semaphore_mem>>) src(%arg8 : memref<48x128xf32, #tpu.memory_space<vmem_shared>>) dst(%arg19 : memref<48x128xf32, #tpu.memory_space<vmem>>)
        tpu.yield
      }) : () -> ()
      %scan3A_82 = arith.constant 0 : i32
      %scan3A_83 = arith.constant 0 : i32
      %scan3A_84 = arith.constant 4 : i32
      %scan3A_85 = arith.addi %scan3A_83, %scan3A_84 : i32
      %scan3A_86 = arith.constant 1 : i32
      %scan3A_87 = scf.for %scan3A_90 = %scan3A_83 to %scan3A_85 step %scan3A_86 iter_args(%scan3A_91 = %scan3A_82) -> (i32)  : i32 {
        %mul3A_92 = arith.constant 80 : i32
        %mul3A_93 = arith.muli %scan3A_90, %mul3A_92 : i32
        %add3A_94 = arith.addi %add3A_81, %mul3A_93 : i32
        %lt3A = arith.cmpi slt, %add3A_94, %mul3A_2 : i32
        %convert_element_type3A_95 = arith.extui %lt3A : i1 to i32
        %cond3A_96 = arith.constant 0 : i32
        %cond3A_97 = arith.cmpi ne, %convert_element_type3A_95, %cond3A_96 : i32
        scf.if %cond3A_97 {
          %mul3A_99 = arith.constant 320 : i32
          %mul3A_100 = arith.muli %arg1, %mul3A_99 : i32
          %mul3A_101 = arith.constant 80 : i32
          %mul3A_102 = arith.muli %scan3A_90, %mul3A_101 : i32
          %add3A_103 = arith.addi %mul3A_100, %mul3A_102 : i32
          %mul3A_104 = arith.constant 80 : i32
          %mul3A_105 = arith.muli %scan3A_90, %mul3A_104 : i32
          %add3A_106 = arith.addi %add3A_81, %mul3A_105 : i32
          "tpu.region"() ({
            %run_scoped3A = tpu.sem_alloc : memref<!tpu.dma_semaphore, #tpu.memory_space<semaphore_mem>>
            %dma_start3A = arith.constant 0 : i32
            %dma_start3A_117 = tpu.memref_slice %arg2[%add3A_106, %dma_start3A] : memref<100000x128xf32, #tpu.memory_space<hbm>> -> memref<80x128xf32, #tpu.memory_space<hbm>>
            %dma_start3A_118 = arith.constant 0 : i32
            %dma_start3A_119 = tpu.memref_slice %arg2[%add3A_106, %dma_start3A_118] : memref<100000x128xf32, #tpu.memory_space<hbm>> -> memref<80x128xf32, #tpu.memory_space<hbm>>
            tpu.enqueue_dma source(%dma_start3A_119 : memref<80x128xf32, #tpu.memory_space<hbm>>) target(%arg17 : memref<80x128xf32, #tpu.memory_space<vmem>>) target_semaphore(%run_scoped3A : memref<!tpu.dma_semaphore, #tpu.memory_space<semaphore_mem>>)
            %dma_wait3A = arith.constant 0 : i32
            %dma_wait3A_120 = tpu.memref_slice %arg2[%add3A_106, %dma_wait3A] : memref<100000x128xf32, #tpu.memory_space<hbm>> -> memref<80x128xf32, #tpu.memory_space<hbm>>
            %dma_wait3A_121 = arith.constant 0 : i32
            %dma_wait3A_122 = tpu.memref_slice %arg2[%add3A_106, %dma_wait3A_121] : memref<100000x128xf32, #tpu.memory_space<hbm>> -> memref<80x128xf32, #tpu.memory_space<hbm>>
            tpu.wait_dma2 semaphore(%run_scoped3A : memref<!tpu.dma_semaphore, #tpu.memory_space<semaphore_mem>>) src(%dma_wait3A_122 : memref<80x128xf32, #tpu.memory_space<hbm>>) dst(%arg17 : memref<80x128xf32, #tpu.memory_space<vmem>>)
            tpu.yield
          }) : () -> ()
          "tpu.region"() ({
            %run_scoped3A = tpu.sem_alloc : memref<!tpu.dma_semaphore, #tpu.memory_space<semaphore_mem>>
            %dma_start3A = arith.constant 0 : i32
            %dma_start3A_117 = tpu.memref_slice %arg7[%add3A_103, %dma_start3A] : memref<5128x128xf32, #tpu.memory_space<vmem_shared>> -> memref<80x128xf32, #tpu.memory_space<vmem_shared>>
            %dma_start3A_118 = arith.constant 0 : i32
            %dma_start3A_119 = tpu.memref_slice %arg7[%add3A_103, %dma_start3A_118] : memref<5128x128xf32, #tpu.memory_space<vmem_shared>> -> memref<80x128xf32, #tpu.memory_space<vmem_shared>>
            tpu.enqueue_dma source(%dma_start3A_119 : memref<80x128xf32, #tpu.memory_space<vmem_shared>>) target(%arg18 : memref<80x128xf32, #tpu.memory_space<vmem>>) target_semaphore(%run_scoped3A : memref<!tpu.dma_semaphore, #tpu.memory_space<semaphore_mem>>)
            %dma_wait3A = arith.constant 0 : i32
            %dma_wait3A_120 = tpu.memref_slice %arg7[%add3A_103, %dma_wait3A] : memref<5128x128xf32, #tpu.memory_space<vmem_shared>> -> memref<80x128xf32, #tpu.memory_space<vmem_shared>>
            %dma_wait3A_121 = arith.constant 0 : i32
            %dma_wait3A_122 = tpu.memref_slice %arg7[%add3A_103, %dma_wait3A_121] : memref<5128x128xf32, #tpu.memory_space<vmem_shared>> -> memref<80x128xf32, #tpu.memory_space<vmem_shared>>
            tpu.wait_dma2 semaphore(%run_scoped3A : memref<!tpu.dma_semaphore, #tpu.memory_space<semaphore_mem>>) src(%dma_wait3A_122 : memref<80x128xf32, #tpu.memory_space<vmem_shared>>) dst(%arg18 : memref<80x128xf32, #tpu.memory_space<vmem>>)
            tpu.yield
          }) : () -> ()
          %scan3A_107 = arith.constant 0 : i32
          %scan3A_108 = arith.constant 0 : i32
          %scan3A_109 = arith.constant 40 : i32
          %scan3A_110 = arith.addi %scan3A_108, %scan3A_109 : i32
          %scan3A_111 = arith.constant 1 : i32
          %scan3A_112 = scf.for %scan3A_117 = %scan3A_108 to %scan3A_110 step %scan3A_111 iter_args(%scan3A_118 = %scan3A_107) -> (i32)  : i32 {
            %mul3A_119 = arith.constant 2 : i32
            %mul3A_120 = arith.muli %mul3A_119, %scan3A_117 : i32
            %add3A_121 = arith.constant 0 : i32
            %add3A_122 = arith.addi %mul3A_120, %add3A_121 : i32
            %add3A_123 = arith.addi %add3A_103, %add3A_122 : i32
            %shift_right_arithmetic3A_124 = arith.constant 7 : i32
            %shift_right_arithmetic3A_125 = arith.shrsi %add3A_123, %shift_right_arithmetic3A_124 : i32
            %broadcast_in_dim3A_126 = vector.broadcast %shift_right_arithmetic3A_125 : i32 to vector<16xi32>
            %and3A = arith.constant 127 : i32
            %and3A_127 = arith.andi %add3A_123, %and3A : i32
            %broadcast_in_dim3A_128 = vector.broadcast %and3A_127 : i32 to vector<16xi32>
            %gather3A = tpu.vector_load_idx %arg19[%broadcast_in_dim3A_126, %broadcast_in_dim3A_128] : memref<48x128xf32, #tpu.memory_space<vmem>>[vector<16xi32>, vector<16xi32>], vector<16xf32>,
            %gt3A = arith.constant 0.000000e+00 : f32
            %gt3A_129 = vector.broadcast %gt3A : f32 to vector<16xf32>
            %gt3A_130 = arith.cmpf ogt, %gather3A, %gt3A_129 : vector<16xf32>
            %max3A = arith.constant 1.000000e+00 : f32
            %max3A_131 = vector.broadcast %max3A : f32 to vector<16xf32>
            %max3A_132 = arith.maximumf %gather3A, %max3A_131 : vector<16xf32>
            %div3A = vector.broadcast %squeeze3A : f32 to vector<16xf32>
            %div3A_133 = arith.divf %div3A, %max3A_132 : vector<16xf32>
            %jit3A = arith.constant 0.000000e+00 : f32
            %broadcast_in_dim3A_134 = vector.broadcast %jit3A : f32 to vector<16xf32>
            %select_n3A = arith.select %gt3A_130, %div3A_133, %broadcast_in_dim3A_134 : vector<16xi1>, vector<16xf32>
            %jit3A_135 = arith.constant 1.000000e+00 : f32
            %broadcast_in_dim3A_136 = vector.broadcast %scan3A_18 : f32 to vector<16xf32>
            %broadcast_in_dim3A_137 = vector.broadcast %jit3A_135 : f32 to vector<16xf32>
            %select_n3A_138 = arith.select %gt3A_130, %broadcast_in_dim3A_136, %broadcast_in_dim3A_137 : vector<16xi1>, vector<16xf32>
            %get3A_139 = arith.index_cast %add3A_122 : i32 to index
            %get3A_140 = arith.constant 0 : index
            %get3A_141 = tpu.vector_load %arg17[%get3A_139, %get3A_140] {strides = array<i32>} : memref<80x128xf32, #tpu.memory_space<vmem>>, vector<16xf32>,
            %get3A_142 = arith.index_cast %add3A_122 : i32 to index
            %get3A_143 = arith.constant 0 : index
            %get3A_144 = tpu.vector_load %arg18[%get3A_142, %get3A_143] {strides = array<i32>} : memref<80x128xf32, #tpu.memory_space<vmem>>, vector<16xf32>,
            %mul3A_145 = arith.mulf %get3A_141, %select_n3A_138 : vector<16xf32>
            %mul3A_146 = arith.mulf %get3A_144, %select_n3A : vector<16xf32>
            %sub3A = arith.subf %mul3A_145, %mul3A_146 : vector<16xf32>
            %swap3A = arith.index_cast %add3A_122 : i32 to index
            %swap3A_147 = arith.constant 0 : index
            %swap3A_148 = tpu.vector_load %arg17[%swap3A, %swap3A_147] {strides = array<i32>} : memref<80x128xf32, #tpu.memory_space<vmem>>, vector<16xf32>,
            tpu.vector_store %arg17[%swap3A, %swap3A_147], %sub3A {strides = array<i32>} : memref<80x128xf32, #tpu.memory_space<vmem>>, vector<16xf32>,
            %get3A_149 = arith.index_cast %add3A_122 : i32 to index
            %get3A_150 = arith.constant 16 : index
            %get3A_151 = tpu.vector_load %arg17[%get3A_149, %get3A_150] {strides = array<i32>} : memref<80x128xf32, #tpu.memory_space<vmem>>, vector<16xf32>,
            %get3A_152 = arith.index_cast %add3A_122 : i32 to index
            %get3A_153 = arith.constant 16 : index
            %get3A_154 = tpu.vector_load %arg18[%get3A_152, %get3A_153] {strides = array<i32>} : memref<80x128xf32, #tpu.memory_space<vmem>>, vector<16xf32>,
            %mul3A_155 = arith.mulf %get3A_151, %select_n3A_138 : vector<16xf32>
            %mul3A_156 = arith.mulf %get3A_154, %select_n3A : vector<16xf32>
            %sub3A_157 = arith.subf %mul3A_155, %mul3A_156 : vector<16xf32>
            %swap3A_158 = arith.index_cast %add3A_122 : i32 to index
            %swap3A_159 = arith.constant 16 : index
            %swap3A_160 = tpu.vector_load %arg17[%swap3A_158, %swap3A_159] {strides = array<i32>} : memref<80x128xf32, #tpu.memory_space<vmem>>, vector<16xf32>,
            tpu.vector_store %arg17[%swap3A_158, %swap3A_159], %sub3A_157 {strides = array<i32>} : memref<80x128xf32, #tpu.memory_space<vmem>>, vector<16xf32>,
            %get3A_161 = arith.index_cast %add3A_122 : i32 to index
            %get3A_162 = arith.constant 32 : index
            %get3A_163 = tpu.vector_load %arg17[%get3A_161, %get3A_162] {strides = array<i32>} : memref<80x128xf32, #tpu.memory_space<vmem>>, vector<16xf32>,
            %get3A_164 = arith.index_cast %add3A_122 : i32 to index
            %get3A_165 = arith.constant 32 : index
            %get3A_166 = tpu.vector_load %arg18[%get3A_164, %get3A_165] {strides = array<i32>} : memref<80x128xf32, #tpu.memory_space<vmem>>, vector<16xf32>,
            %mul3A_167 = arith.mulf %get3A_163, %select_n3A_138 : vector<16xf32>
            %mul3A_168 = arith.mulf %get3A_166, %select_n3A : vector<16xf32>
            %sub3A_169 = arith.subf %mul3A_167, %mul3A_168 : vector<16xf32>
            %swap3A_170 = arith.index_cast %add3A_122 : i32 to index
            %swap3A_171 = arith.constant 32 : index
            %swap3A_172 = tpu.vector_load %arg17[%swap3A_170, %swap3A_171] {strides = array<i32>} : memref<80x128xf32, #tpu.memory_space<vmem>>, vector<16xf32>,
            tpu.vector_store %arg17[%swap3A_170, %swap3A_171], %sub3A_169 {strides = array<i32>} : memref<80x128xf32, #tpu.memory_space<vmem>>, vector<16xf32>,
            %get3A_173 = arith.index_cast %add3A_122 : i32 to index
            %get3A_174 = arith.constant 48 : index
            %get3A_175 = tpu.vector_load %arg17[%get3A_173, %get3A_174] {strides = array<i32>} : memref<80x128xf32, #tpu.memory_space<vmem>>, vector<16xf32>,
            %get3A_176 = arith.index_cast %add3A_122 : i32 to index
            %get3A_177 = arith.constant 48 : index
            %get3A_178 = tpu.vector_load %arg18[%get3A_176, %get3A_177] {strides = array<i32>} : memref<80x128xf32, #tpu.memory_space<vmem>>, vector<16xf32>,
            %mul3A_179 = arith.mulf %get3A_175, %select_n3A_138 : vector<16xf32>
            %mul3A_180 = arith.mulf %get3A_178, %select_n3A : vector<16xf32>
            %sub3A_181 = arith.subf %mul3A_179, %mul3A_180 : vector<16xf32>
            %swap3A_182 = arith.index_cast %add3A_122 : i32 to index
            %swap3A_183 = arith.constant 48 : index
            %swap3A_184 = tpu.vector_load %arg17[%swap3A_182, %swap3A_183] {strides = array<i32>} : memref<80x128xf32, #tpu.memory_space<vmem>>, vector<16xf32>,
            tpu.vector_store %arg17[%swap3A_182, %swap3A_183], %sub3A_181 {strides = array<i32>} : memref<80x128xf32, #tpu.memory_space<vmem>>, vector<16xf32>,
            %get3A_185 = arith.index_cast %add3A_122 : i32 to index
            %get3A_186 = arith.constant 64 : index
            %get3A_187 = tpu.vector_load %arg17[%get3A_185, %get3A_186] {strides = array<i32>} : memref<80x128xf32, #tpu.memory_space<vmem>>, vector<16xf32>,
            %get3A_188 = arith.index_cast %add3A_122 : i32 to index
            %get3A_189 = arith.constant 64 : index
            %get3A_190 = tpu.vector_load %arg18[%get3A_188, %get3A_189] {strides = array<i32>} : memref<80x128xf32, #tpu.memory_space<vmem>>, vector<16xf32>,
            %mul3A_191 = arith.mulf %get3A_187, %select_n3A_138 : vector<16xf32>
            %mul3A_192 = arith.mulf %get3A_190, %select_n3A : vector<16xf32>
            %sub3A_193 = arith.subf %mul3A_191, %mul3A_192 : vector<16xf32>
            %swap3A_194 = arith.index_cast %add3A_122 : i32 to index
            %swap3A_195 = arith.constant 64 : index
            %swap3A_196 = tpu.vector_load %arg17[%swap3A_194, %swap3A_195] {strides = array<i32>} : memref<80x128xf32, #tpu.memory_space<vmem>>, vector<16xf32>,
            tpu.vector_store %arg17[%swap3A_194, %swap3A_195], %sub3A_193 {strides = array<i32>} : memref<80x128xf32, #tpu.memory_space<vmem>>, vector<16xf32>,
            %get3A_197 = arith.index_cast %add3A_122 : i32 to index
            %get3A_198 = arith.constant 80 : index
            %get3A_199 = tpu.vector_load %arg17[%get3A_197, %get3A_198] {strides = array<i32>} : memref<80x128xf32, #tpu.memory_space<vmem>>, vector<16xf32>,
            %get3A_200 = arith.index_cast %add3A_122 : i32 to index
            %get3A_201 = arith.constant 80 : index
            %get3A_202 = tpu.vector_load %arg18[%get3A_200, %get3A_201] {strides = array<i32>} : memref<80x128xf32, #tpu.memory_space<vmem>>, vector<16xf32>,
            %mul3A_203 = arith.mulf %get3A_199, %select_n3A_138 : vector<16xf32>
            %mul3A_204 = arith.mulf %get3A_202, %select_n3A : vector<16xf32>
            %sub3A_205 = arith.subf %mul3A_203, %mul3A_204 : vector<16xf32>
            %swap3A_206 = arith.index_cast %add3A_122 : i32 to index
            %swap3A_207 = arith.constant 80 : index
            %swap3A_208 = tpu.vector_load %arg17[%swap3A_206, %swap3A_207] {strides = array<i32>} : memref<80x128xf32, #tpu.memory_space<vmem>>, vector<16xf32>,
            tpu.vector_store %arg17[%swap3A_206, %swap3A_207], %sub3A_205 {strides = array<i32>} : memref<80x128xf32, #tpu.memory_space<vmem>>, vector<16xf32>,
            %get3A_209 = arith.index_cast %add3A_122 : i32 to index
            %get3A_210 = arith.constant 96 : index
            %get3A_211 = tpu.vector_load %arg17[%get3A_209, %get3A_210] {strides = array<i32>} : memref<80x128xf32, #tpu.memory_space<vmem>>, vector<16xf32>,
            %get3A_212 = arith.index_cast %add3A_122 : i32 to index
            %get3A_213 = arith.constant 96 : index
            %get3A_214 = tpu.vector_load %arg18[%get3A_212, %get3A_213] {strides = array<i32>} : memref<80x128xf32, #tpu.memory_space<vmem>>, vector<16xf32>,
            %mul3A_215 = arith.mulf %get3A_211, %select_n3A_138 : vector<16xf32>
            %mul3A_216 = arith.mulf %get3A_214, %select_n3A : vector<16xf32>
            %sub3A_217 = arith.subf %mul3A_215, %mul3A_216 : vector<16xf32>
            %swap3A_218 = arith.index_cast %add3A_122 : i32 to index
            %swap3A_219 = arith.constant 96 : index
            %swap3A_220 = tpu.vector_load %arg17[%swap3A_218, %swap3A_219] {strides = array<i32>} : memref<80x128xf32, #tpu.memory_space<vmem>>, vector<16xf32>,
            tpu.vector_store %arg17[%swap3A_218, %swap3A_219], %sub3A_217 {strides = array<i32>} : memref<80x128xf32, #tpu.memory_space<vmem>>, vector<16xf32>,
            %get3A_221 = arith.index_cast %add3A_122 : i32 to index
            %get3A_222 = arith.constant 112 : index
            %get3A_223 = tpu.vector_load %arg17[%get3A_221, %get3A_222] {strides = array<i32>} : memref<80x128xf32, #tpu.memory_space<vmem>>, vector<16xf32>,
            %get3A_224 = arith.index_cast %add3A_122 : i32 to index
            %get3A_225 = arith.constant 112 : index
            %get3A_226 = tpu.vector_load %arg18[%get3A_224, %get3A_225] {strides = array<i32>} : memref<80x128xf32, #tpu.memory_space<vmem>>, vector<16xf32>,
            %mul3A_227 = arith.mulf %get3A_223, %select_n3A_138 : vector<16xf32>
            %mul3A_228 = arith.mulf %get3A_226, %select_n3A : vector<16xf32>
            %sub3A_229 = arith.subf %mul3A_227, %mul3A_228 : vector<16xf32>
            %swap3A_230 = arith.index_cast %add3A_122 : i32 to index
            %swap3A_231 = arith.constant 112 : index
            %swap3A_232 = tpu.vector_load %arg17[%swap3A_230, %swap3A_231] {strides = array<i32>} : memref<80x128xf32, #tpu.memory_space<vmem>>, vector<16xf32>,
            tpu.vector_store %arg17[%swap3A_230, %swap3A_231], %sub3A_229 {strides = array<i32>} : memref<80x128xf32, #tpu.memory_space<vmem>>, vector<16xf32>,
            %mul3A_233 = arith.constant 2 : i32
            %mul3A_234 = arith.muli %mul3A_233, %scan3A_117 : i32
            %add3A_235 = arith.constant 1 : i32
            %add3A_236 = arith.addi %mul3A_234, %add3A_235 : i32
            %add3A_237 = arith.addi %add3A_103, %add3A_236 : i32
            %shift_right_arithmetic3A_238 = arith.constant 7 : i32
            %shift_right_arithmetic3A_239 = arith.shrsi %add3A_237, %shift_right_arithmetic3A_238 : i32
            %broadcast_in_dim3A_240 = vector.broadcast %shift_right_arithmetic3A_239 : i32 to vector<16xi32>
            %and3A_241 = arith.constant 127 : i32
            %and3A_242 = arith.andi %add3A_237, %and3A_241 : i32
            %broadcast_in_dim3A_243 = vector.broadcast %and3A_242 : i32 to vector<16xi32>
            %gather3A_244 = tpu.vector_load_idx %arg19[%broadcast_in_dim3A_240, %broadcast_in_dim3A_243] : memref<48x128xf32, #tpu.memory_space<vmem>>[vector<16xi32>, vector<16xi32>], vector<16xf32>,
            %gt3A_245 = arith.constant 0.000000e+00 : f32
            %gt3A_246 = vector.broadcast %gt3A_245 : f32 to vector<16xf32>
            %gt3A_247 = arith.cmpf ogt, %gather3A_244, %gt3A_246 : vector<16xf32>
            %max3A_248 = arith.constant 1.000000e+00 : f32
            %max3A_249 = vector.broadcast %max3A_248 : f32 to vector<16xf32>
            %max3A_250 = arith.maximumf %gather3A_244, %max3A_249 : vector<16xf32>
            %div3A_251 = vector.broadcast %squeeze3A : f32 to vector<16xf32>
            %div3A_252 = arith.divf %div3A_251, %max3A_250 : vector<16xf32>
            %jit3A_253 = arith.constant 0.000000e+00 : f32
            %broadcast_in_dim3A_254 = vector.broadcast %jit3A_253 : f32 to vector<16xf32>
            %select_n3A_255 = arith.select %gt3A_247, %div3A_252, %broadcast_in_dim3A_254 : vector<16xi1>, vector<16xf32>
            %jit3A_256 = arith.constant 1.000000e+00 : f32
            %broadcast_in_dim3A_257 = vector.broadcast %scan3A_18 : f32 to vector<16xf32>
            %broadcast_in_dim3A_258 = vector.broadcast %jit3A_256 : f32 to vector<16xf32>
            %select_n3A_259 = arith.select %gt3A_247, %broadcast_in_dim3A_257, %broadcast_in_dim3A_258 : vector<16xi1>, vector<16xf32>
            %get3A_260 = arith.index_cast %add3A_236 : i32 to index
            %get3A_261 = arith.constant 0 : index
            %get3A_262 = tpu.vector_load %arg17[%get3A_260, %get3A_261] {strides = array<i32>} : memref<80x128xf32, #tpu.memory_space<vmem>>, vector<16xf32>,
            %get3A_263 = arith.index_cast %add3A_236 : i32 to index
            %get3A_264 = arith.constant 0 : index
            %get3A_265 = tpu.vector_load %arg18[%get3A_263, %get3A_264] {strides = array<i32>} : memref<80x128xf32, #tpu.memory_space<vmem>>, vector<16xf32>,
            %mul3A_266 = arith.mulf %get3A_262, %select_n3A_259 : vector<16xf32>
            %mul3A_267 = arith.mulf %get3A_265, %select_n3A_255 : vector<16xf32>
            %sub3A_268 = arith.subf %mul3A_266, %mul3A_267 : vector<16xf32>
            %swap3A_269 = arith.index_cast %add3A_236 : i32 to index
            %swap3A_270 = arith.constant 0 : index
            %swap3A_271 = tpu.vector_load %arg17[%swap3A_269, %swap3A_270] {strides = array<i32>} : memref<80x128xf32, #tpu.memory_space<vmem>>, vector<16xf32>,
            tpu.vector_store %arg17[%swap3A_269, %swap3A_270], %sub3A_268 {strides = array<i32>} : memref<80x128xf32, #tpu.memory_space<vmem>>, vector<16xf32>,
            %get3A_272 = arith.index_cast %add3A_236 : i32 to index
            %get3A_273 = arith.constant 16 : index
            %get3A_274 = tpu.vector_load %arg17[%get3A_272, %get3A_273] {strides = array<i32>} : memref<80x128xf32, #tpu.memory_space<vmem>>, vector<16xf32>,
            %get3A_275 = arith.index_cast %add3A_236 : i32 to index
            %get3A_276 = arith.constant 16 : index
            %get3A_277 = tpu.vector_load %arg18[%get3A_275, %get3A_276] {strides = array<i32>} : memref<80x128xf32, #tpu.memory_space<vmem>>, vector<16xf32>,
            %mul3A_278 = arith.mulf %get3A_274, %select_n3A_259 : vector<16xf32>
            %mul3A_279 = arith.mulf %get3A_277, %select_n3A_255 : vector<16xf32>
            %sub3A_280 = arith.subf %mul3A_278, %mul3A_279 : vector<16xf32>
            %swap3A_281 = arith.index_cast %add3A_236 : i32 to index
            %swap3A_282 = arith.constant 16 : index
            %swap3A_283 = tpu.vector_load %arg17[%swap3A_281, %swap3A_282] {strides = array<i32>} : memref<80x128xf32, #tpu.memory_space<vmem>>, vector<16xf32>,
            tpu.vector_store %arg17[%swap3A_281, %swap3A_282], %sub3A_280 {strides = array<i32>} : memref<80x128xf32, #tpu.memory_space<vmem>>, vector<16xf32>,
            %get3A_284 = arith.index_cast %add3A_236 : i32 to index
            %get3A_285 = arith.constant 32 : index
            %get3A_286 = tpu.vector_load %arg17[%get3A_284, %get3A_285] {strides = array<i32>} : memref<80x128xf32, #tpu.memory_space<vmem>>, vector<16xf32>,
            %get3A_287 = arith.index_cast %add3A_236 : i32 to index
            %get3A_288 = arith.constant 32 : index
            %get3A_289 = tpu.vector_load %arg18[%get3A_287, %get3A_288] {strides = array<i32>} : memref<80x128xf32, #tpu.memory_space<vmem>>, vector<16xf32>,
            %mul3A_290 = arith.mulf %get3A_286, %select_n3A_259 : vector<16xf32>
            %mul3A_291 = arith.mulf %get3A_289, %select_n3A_255 : vector<16xf32>
            %sub3A_292 = arith.subf %mul3A_290, %mul3A_291 : vector<16xf32>
            %swap3A_293 = arith.index_cast %add3A_236 : i32 to index
            %swap3A_294 = arith.constant 32 : index
            %swap3A_295 = tpu.vector_load %arg17[%swap3A_293, %swap3A_294] {strides = array<i32>} : memref<80x128xf32, #tpu.memory_space<vmem>>, vector<16xf32>,
            tpu.vector_store %arg17[%swap3A_293, %swap3A_294], %sub3A_292 {strides = array<i32>} : memref<80x128xf32, #tpu.memory_space<vmem>>, vector<16xf32>,
            %get3A_296 = arith.index_cast %add3A_236 : i32 to index
            %get3A_297 = arith.constant 48 : index
            %get3A_298 = tpu.vector_load %arg17[%get3A_296, %get3A_297] {strides = array<i32>} : memref<80x128xf32, #tpu.memory_space<vmem>>, vector<16xf32>,
            %get3A_299 = arith.index_cast %add3A_236 : i32 to index
            %get3A_300 = arith.constant 48 : index
            %get3A_301 = tpu.vector_load %arg18[%get3A_299, %get3A_300] {strides = array<i32>} : memref<80x128xf32, #tpu.memory_space<vmem>>, vector<16xf32>,
            %mul3A_302 = arith.mulf %get3A_298, %select_n3A_259 : vector<16xf32>
            %mul3A_303 = arith.mulf %get3A_301, %select_n3A_255 : vector<16xf32>
            %sub3A_304 = arith.subf %mul3A_302, %mul3A_303 : vector<16xf32>
            %swap3A_305 = arith.index_cast %add3A_236 : i32 to index
            %swap3A_306 = arith.constant 48 : index
            %swap3A_307 = tpu.vector_load %arg17[%swap3A_305, %swap3A_306] {strides = array<i32>} : memref<80x128xf32, #tpu.memory_space<vmem>>, vector<16xf32>,
            tpu.vector_store %arg17[%swap3A_305, %swap3A_306], %sub3A_304 {strides = array<i32>} : memref<80x128xf32, #tpu.memory_space<vmem>>, vector<16xf32>,
            %get3A_308 = arith.index_cast %add3A_236 : i32 to index
            %get3A_309 = arith.constant 64 : index
            %get3A_310 = tpu.vector_load %arg17[%get3A_308, %get3A_309] {strides = array<i32>} : memref<80x128xf32, #tpu.memory_space<vmem>>, vector<16xf32>,
            %get3A_311 = arith.index_cast %add3A_236 : i32 to index
            %get3A_312 = arith.constant 64 : index
            %get3A_313 = tpu.vector_load %arg18[%get3A_311, %get3A_312] {strides = array<i32>} : memref<80x128xf32, #tpu.memory_space<vmem>>, vector<16xf32>,
            %mul3A_314 = arith.mulf %get3A_310, %select_n3A_259 : vector<16xf32>
            %mul3A_315 = arith.mulf %get3A_313, %select_n3A_255 : vector<16xf32>
            %sub3A_316 = arith.subf %mul3A_314, %mul3A_315 : vector<16xf32>
            %swap3A_317 = arith.index_cast %add3A_236 : i32 to index
            %swap3A_318 = arith.constant 64 : index
            %swap3A_319 = tpu.vector_load %arg17[%swap3A_317, %swap3A_318] {strides = array<i32>} : memref<80x128xf32, #tpu.memory_space<vmem>>, vector<16xf32>,
            tpu.vector_store %arg17[%swap3A_317, %swap3A_318], %sub3A_316 {strides = array<i32>} : memref<80x128xf32, #tpu.memory_space<vmem>>, vector<16xf32>,
            %get3A_320 = arith.index_cast %add3A_236 : i32 to index
            %get3A_321 = arith.constant 80 : index
            %get3A_322 = tpu.vector_load %arg17[%get3A_320, %get3A_321] {strides = array<i32>} : memref<80x128xf32, #tpu.memory_space<vmem>>, vector<16xf32>,
            %get3A_323 = arith.index_cast %add3A_236 : i32 to index
            %get3A_324 = arith.constant 80 : index
            %get3A_325 = tpu.vector_load %arg18[%get3A_323, %get3A_324] {strides = array<i32>} : memref<80x128xf32, #tpu.memory_space<vmem>>, vector<16xf32>,
            %mul3A_326 = arith.mulf %get3A_322, %select_n3A_259 : vector<16xf32>
            %mul3A_327 = arith.mulf %get3A_325, %select_n3A_255 : vector<16xf32>
            %sub3A_328 = arith.subf %mul3A_326, %mul3A_327 : vector<16xf32>
            %swap3A_329 = arith.index_cast %add3A_236 : i32 to index
            %swap3A_330 = arith.constant 80 : index
            %swap3A_331 = tpu.vector_load %arg17[%swap3A_329, %swap3A_330] {strides = array<i32>} : memref<80x128xf32, #tpu.memory_space<vmem>>, vector<16xf32>,
            tpu.vector_store %arg17[%swap3A_329, %swap3A_330], %sub3A_328 {strides = array<i32>} : memref<80x128xf32, #tpu.memory_space<vmem>>, vector<16xf32>,
            %get3A_332 = arith.index_cast %add3A_236 : i32 to index
            %get3A_333 = arith.constant 96 : index
            %get3A_334 = tpu.vector_load %arg17[%get3A_332, %get3A_333] {strides = array<i32>} : memref<80x128xf32, #tpu.memory_space<vmem>>, vector<16xf32>,
            %get3A_335 = arith.index_cast %add3A_236 : i32 to index
            %get3A_336 = arith.constant 96 : index
            %get3A_337 = tpu.vector_load %arg18[%get3A_335, %get3A_336] {strides = array<i32>} : memref<80x128xf32, #tpu.memory_space<vmem>>, vector<16xf32>,
            %mul3A_338 = arith.mulf %get3A_334, %select_n3A_259 : vector<16xf32>
            %mul3A_339 = arith.mulf %get3A_337, %select_n3A_255 : vector<16xf32>
            %sub3A_340 = arith.subf %mul3A_338, %mul3A_339 : vector<16xf32>
            %swap3A_341 = arith.index_cast %add3A_236 : i32 to index
            %swap3A_342 = arith.constant 96 : index
            %swap3A_343 = tpu.vector_load %arg17[%swap3A_341, %swap3A_342] {strides = array<i32>} : memref<80x128xf32, #tpu.memory_space<vmem>>, vector<16xf32>,
            tpu.vector_store %arg17[%swap3A_341, %swap3A_342], %sub3A_340 {strides = array<i32>} : memref<80x128xf32, #tpu.memory_space<vmem>>, vector<16xf32>,
            %get3A_344 = arith.index_cast %add3A_236 : i32 to index
            %get3A_345 = arith.constant 112 : index
            %get3A_346 = tpu.vector_load %arg17[%get3A_344, %get3A_345] {strides = array<i32>} : memref<80x128xf32, #tpu.memory_space<vmem>>, vector<16xf32>,
            %get3A_347 = arith.index_cast %add3A_236 : i32 to index
            %get3A_348 = arith.constant 112 : index
            %get3A_349 = tpu.vector_load %arg18[%get3A_347, %get3A_348] {strides = array<i32>} : memref<80x128xf32, #tpu.memory_space<vmem>>, vector<16xf32>,
            %mul3A_350 = arith.mulf %get3A_346, %select_n3A_259 : vector<16xf32>
            %mul3A_351 = arith.mulf %get3A_349, %select_n3A_255 : vector<16xf32>
            %sub3A_352 = arith.subf %mul3A_350, %mul3A_351 : vector<16xf32>
            %swap3A_353 = arith.index_cast %add3A_236 : i32 to index
            %swap3A_354 = arith.constant 112 : index
            %swap3A_355 = tpu.vector_load %arg17[%swap3A_353, %swap3A_354] {strides = array<i32>} : memref<80x128xf32, #tpu.memory_space<vmem>>, vector<16xf32>,
            tpu.vector_store %arg17[%swap3A_353, %swap3A_354], %sub3A_352 {strides = array<i32>} : memref<80x128xf32, #tpu.memory_space<vmem>>, vector<16xf32>,
            %scan3A_356 = arith.constant 0 : i32
            scf.yield %scan3A_356 : i32
          }
          %scan3A_113 = arith.constant 40 : i32
          %mul3A_114 = arith.constant 80 : i32
          %mul3A_115 = arith.muli %scan3A_90, %mul3A_114 : i32
          %add3A_116 = arith.addi %add3A_81, %mul3A_115 : i32
          "tpu.region"() ({
            %run_scoped3A = tpu.sem_alloc : memref<!tpu.dma_semaphore, #tpu.memory_space<semaphore_mem>>
            %dma_start3A = arith.constant 0 : i32
            %dma_start3A_117 = tpu.memref_slice %arg6[%add3A_116, %dma_start3A] : memref<100000x128xf32, #tpu.memory_space<hbm>> -> memref<80x128xf32, #tpu.memory_space<hbm>>
            %dma_start3A_118 = arith.constant 0 : i32
            %dma_start3A_119 = tpu.memref_slice %arg6[%add3A_116, %dma_start3A_118] : memref<100000x128xf32, #tpu.memory_space<hbm>> -> memref<80x128xf32, #tpu.memory_space<hbm>>
            tpu.enqueue_dma source(%arg17 : memref<80x128xf32, #tpu.memory_space<vmem>>) target(%dma_start3A_119 : memref<80x128xf32, #tpu.memory_space<hbm>>) target_semaphore(%run_scoped3A : memref<!tpu.dma_semaphore, #tpu.memory_space<semaphore_mem>>)
            %dma_wait3A = arith.constant 0 : i32
            %dma_wait3A_120 = tpu.memref_slice %arg6[%add3A_116, %dma_wait3A] : memref<100000x128xf32, #tpu.memory_space<hbm>> -> memref<80x128xf32, #tpu.memory_space<hbm>>
            %dma_wait3A_121 = arith.constant 0 : i32
            %dma_wait3A_122 = tpu.memref_slice %arg6[%add3A_116, %dma_wait3A_121] : memref<100000x128xf32, #tpu.memory_space<hbm>> -> memref<80x128xf32, #tpu.memory_space<hbm>>
            tpu.wait_dma2 semaphore(%run_scoped3A : memref<!tpu.dma_semaphore, #tpu.memory_space<semaphore_mem>>) src(%arg17 : memref<80x128xf32, #tpu.memory_space<vmem>>) dst(%dma_wait3A_122 : memref<80x128xf32, #tpu.memory_space<hbm>>)
            tpu.yield
          }) : () -> ()
        } else {
        }
        %scan3A_98 = arith.constant 0 : i32
        scf.yield %scan3A_98 : i32
      }
      %scan3A_88 = arith.constant 4 : i32
      %scan3A_89 = arith.constant 0 : i32
      scf.yield %scan3A_89 : i32
    }
    %scan3A_25 = arith.constant 10 : i32
    return
  }
}

</mosaic_0001>

<sc_bundles>
// kernel: kernel.4.cloned.1.call-start
scs
__scs_entry_jumppad:
0x0: {  	(pc) =	sbr.rel $0x88, $3  }
0x1: {  	(tag) =	ssettag $0x0;
	lr =	simm.s32 $0x1  }
0x2: {  	[smem:$0x3F9B] =	sst lr;
	_ =	strace $0xD0000000  }
0x3: {  	_ = 	snop  }
0x4: {  	_ = 	snop  }
0x5: {  	_ = 	snop  }
0x6: {  	_ = 	snop  }
0x7: {  	_ = 	snop  }
__scs_overlays_trampoline_lowered:
0x8: {  	[smem:$0x3FAA] =	sst s0  }
0x9: {  	[smem:$0x3FAB] =	sst s1  }
0xa: {  	[smem:$0x3FAC] =	sst s2  }
0xb: {  	[smem:$0x3FAD] =	sst s3  }
0xc: {  	[smem:$0x3FAE] =	sst s4  }
0xd: {  	[smem:$0x3FAF] =	sst s5  }
0xe: {  	[smem:$0x3FB0] =	sst s6  }
0xf: {  	[smem:$0x3FB1] =	sst s7  }
0x10: {  	[smem:$0x3FB2] =	sst s8  }
0x11: {  	[smem:$0x3FB3] =	sst s9;
	s0 =	simm.s32 @!p0 $0x0  }
0x12: {  	s1 =	sld [smem:$0x3F99];
	s0 =	simm.s32 @p0 $0x1  }
0x13: {  	[smem:$0x3FB4] =	sst s0;
	s0 =	simm.s32 @!p1 $0x0  }
0x14: {  	s2 =	sld [smem:$0x3F98];
	s0 =	simm.s32 @p1 $0x1  }
0x15: {  	[smem:$0x3FB5] =	sst s0;
	s0 =	simm.s32 @!p2 $0x0  }
0x16: {  	s3 =	sld [smem:$0x3FDB];
	s0 =	simm.s32 @p2 $0x1  }
0x17: {  	s4 =	simm.s32 $0x1BF5;
	[smem:$0x3FB7] =	sst s0  }
0x18: {  	s0 =	sld [smem:$0x3F9A];
	_ =	swait.ge [sflag:s4], $0x0  }
0x19: {  	s7 =	sld [smem:$0x3F9B]  }
0x1a: {  	s8 =	sadd.s32 $0xFFFFE003, lr  }
0x1b: {  	s9 =	sadd.s32 $0xFFFFFEF7, lr;
	s5 =	simm.s32 $0xFFFFFFFF;
	p2 =	slt.u32 s8, $0xFFFFF086  }
0x1c: {  	p1 =	slt.u32 s9, $0xF7A;
	s5 =	simm.s32 @!p2 $0x0  }
0x1d: {  	s5 =	simm.s32 @p1 $0x1;
	p0 =	seq.s32 s7, s2  }
0x1e: {  	s7 =	smul.u32 @!p0 $0xF7A, s2;
	p2 =	seq.s32 @!p0 s5, $0x0  }
0x1f: {  	s9 =	smul.u32 $0xF7A, s1;
	s8 =	simm.s32 @!p0 $0x1BF5;
	p2 =	por !p2, p0  }
0x20: {  	[sflag:s8] =	ssyncset.s32 @!p0 $0xFFFFF086;
	s6 =	sadd.s32 @!p0 s3, s7;
	s7 =	simm.s32 @!p0 $0x108  }
0x21: {  	s3 =	sadd.s32 s3, s9;
	s6 =	sadd.s32 @!p0 $0x88, s6;
	s7 =	simm.s32 @p2 $0x1082  }
0x22: {  	[simem:s7], [sflag:s8] =	dma.local @!p0 [hbm:s6], $0xF7A  }
0x23: {  	s9 =	sor.u32 $0xD0000000, s2;
	s6 =	simm.s32 $0x108;
	_ =	swait.ge @!p0 [sflag:s8], $0x0  }
0x24: {  	s3 =	sadd.s32 $0x88, s3;
	s6 =	simm.s32 @!p1 $0x1082;
	[sflag:s4] =	ssyncset.s32 $0xFFFFF086  }
0x25: {  	[simem:s6], [sflag:s4] =	dma.local [hbm:s3], $0xF7A  }
0x26: {  	[smem:$0x3F9B] =	sst s1;
	(tag) =	ssettag s2;
	_ =	strace s9  }
0x27: {  	s1 =	sld [smem:$0x3FAB]  }
0x28: {  	s2 =	sld [smem:$0x3FAC]  }
0x29: {  	s4 =	sld [smem:$0x3FAE]  }
0x2a: {  	p0 =	seq.s32 s5, $0x0;
	s5 =	sld [smem:$0x3FAF]  }
0x2b: {  	s6 =	sld [smem:$0x3FB0]  }
0x2c: {  	s7 =	sld [smem:$0x3FB1]  }
0x2d: {  	s3 =	simm.s32 $0x108;
	s8 =	sld [smem:$0x3FB2]  }
0x2e: {  	s3 =	simm.s32 @!p0 $0x1082;
	s9 =	sld [smem:$0x3FB3]  }
0x2f: {  	lr =	sadd.s32 s0, s3;
	s0 =	sld [smem:$0x3FAA]  }
0x30: {  	s3 =	sld [smem:$0x3FAD]  }
0x31: {  	[smem:$0x3FB6] =	sst s10  }
0x32: {  	s10 =	sld [smem:$0x3FB4];
	_ =	sdelay $0x3  }
0x33: {  	p0 =	seq.s32 s10, $0x1;
	s10 =	sld [smem:$0x3FB6];
	_ =	sdelay $0x3  }
0x34: {  	[smem:$0x3FB6] =	sst s10  }
0x35: {  	s10 =	sld [smem:$0x3FB5];
	_ =	sdelay $0x3  }
0x36: {  	p1 =	seq.s32 s10, $0x1;
	s10 =	sld [smem:$0x3FB6];
	_ =	sdelay $0x3  }
0x37: {  	[smem:$0x3FB6] =	sst s10  }
0x38: {  	s10 =	sld [smem:$0x3FB7]  }
0x39: {  	_ = 	snop;
	(pc) =	sbr.ind lr, $3  }
0x3a: {  	_ = 	snop  }
0x3b: {  	_ = 	snop  }
0x3c: {  	p2 =	seq.s32 s10, $0x1;
	s10 =	sld [smem:$0x3FB6]  }
0x3d: {  	_ =	shalt  }
0x3e: {  	_ =	shalt  }
0x3f: {  	_ =	shalt  }
0x40: {  	_ =	shalt  }
0x41: {  	_ =	shalt  }
0x42: {  	_ =	shalt  }
0x43: {  	_ =	shalt  }
0x44: {  	_ =	shalt  }
0x45: {  	_ =	shalt  }
0x46: {  	_ =	shalt  }
0x47: {  	_ =	shalt  }
0x48: {  	_ =	shalt  }
0x49: {  	_ =	shalt  }
0x4a: {  	_ =	shalt  }
0x4b: {  	_ =	shalt  }
0x4c: {  	_ =	shalt  }
0x4d: {  	_ =	shalt  }
0x4e: {  	_ =	shalt  }
0x4f: {  	_ =	shalt  }
0x50: {  	_ =	shalt  }
0x51: {  	_ =	shalt  }
0x52: {  	_ =	shalt  }
0x53: {  	_ =	shalt  }
0x54: {  	_ =	shalt  }
0x55: {  	_ =	shalt  }
0x56: {  	_ =	shalt  }
0x57: {  	_ =	shalt  }
0x58: {  	_ =	shalt  }
0x59: {  	_ =	shalt  }
0x5a: {  	_ =	shalt  }
0x5b: {  	_ =	shalt  }
0x5c: {  	_ =	shalt  }
0x5d: {  	_ =	shalt  }
0x5e: {  	_ =	shalt  }
0x5f: {  	_ =	shalt  }
0x60: {  	_ =	shalt  }
0x61: {  	_ =	shalt  }
0x62: {  	_ =	shalt  }
0x63: {  	_ =	shalt  }
0x64: {  	_ =	shalt  }
0x65: {  	_ =	shalt  }
0x66: {  	_ =	shalt  }
0x67: {  	_ =	shalt  }
0x68: {  	_ =	shalt  }
0x69: {  	_ =	shalt  }
0x6a: {  	_ =	shalt  }
0x6b: {  	_ =	shalt  }
0x6c: {  	_ =	shalt  }
0x6d: {  	_ =	shalt  }
0x6e: {  	_ =	shalt  }
0x6f: {  	_ =	shalt  }
0x70: {  	_ =	shalt  }
0x71: {  	_ =	shalt  }
0x72: {  	_ =	shalt  }
0x73: {  	_ =	shalt  }
0x74: {  	_ =	shalt  }
0x75: {  	_ =	shalt  }
0x76: {  	_ =	shalt  }
0x77: {  	_ =	shalt  }
0x78: {  	_ =	shalt  }
0x79: {  	_ =	shalt  }
0x7a: {  	_ =	shalt  }
0x7b: {  	_ =	shalt  }
0x7c: {  	_ =	shalt  }
0x7d: {  	_ =	shalt  }
0x7e: {  	_ =	shalt  }
0x7f: {  	_ =	shalt  }
0x80: {  	_ =	shalt  }
0x81: {  	_ =	shalt  }
0x82: {  	_ =	shalt  }
0x83: {  	_ =	shalt  }
0x84: {  	_ =	shalt  }
0x85: {  	_ =	shalt  }
0x86: {  	_ =	shalt  }
0x87: {  	_ =	shalt  }
.Lfunc_end0:
.L_simem_size_0:
called_computation_lowered:
.L_overlay_start_0:
0x88: {  	s2 =	sld [smem:$0x3FD9]  }
0x89: {  	s3 =	sld [smem:$0x3FFE];
	_ =	sdelay $0x1  }
0x8a: {  	s1 =	srdreg.scid  }
0x8b: {  	s0 =	sand.u32 $0x1, s1  }
0x8c: {  	s15 =	sshll.u32 s0, $0xA;
	s2 =	sadd.s32 s3, s2  }
0x8d: {  	s2 =	sadd.s32 s2, s15  }
0x8e: {  	[smem:$0x3FC2] =	sst s2  }
0x8f: {  	_ = 	snop  }
0x90: {  	s2 =	sld [smem:$0x3FD0];
	_ =	sdelay $0x2  }
0x91: {  	s4 =	simm.s32 $0xB;
	s5 =	simm.s32 $0x10;
	s16 =	sld [smem:$0x3FC9]  }
0x92: {  	[smem:s5], [sflag:s4] =	dma.local [hbm:s2], $0x1  }
0x93: {  	_ =	swait.eq [sflag:s4], $0x1  }
0x94: {  	[sflag:s4] =	ssyncset.done $0x0  }
0x95: {  	[sflag:s4] =	ssyncadd.s32 $0xFFFFFFFF  }
0x96: {  	s17 =	sld [smem:$0x10];
	(tm) =	ssettm $0x1  }
0x97: {  	s18 =	sld [smem:$0x3FFB];
	_ =	sdelay $0x3  }
0x98: {  	_ =	strace s18  }
0x99: {  	s2 =	sld [smem:$0x3FFC];
	_ =	sdelay $0x3  }
0x9a: {  	_ =	strace s2  }
0x9b: {  	s2 =	sld [smem:$0x3FFD];
	_ =	sdelay $0x3  }
0x9c: {  	_ =	strace s2  }
0x9d: {  	_ =	strace $0x8FFFFFFF  }
0x9e: {  	s19 =	sld [smem:$0x3FDB];
	_ =	sdelay $0x1  }
0x9f: {  	s20 =	simm.s32 $_scs_section_size  }
0xa0: {  	s6 =	simm.s32 $_size__tile_overlayer_lowered;
	s7 =	simm.s32 $_tile_overlayer_lowered  }
0xa1: {  	s8 =	simm.s32 $0x1BFF;
	s21 =	sshll.u32 s7, $0x1;
	s5 =	sadd.s32 s20, s19  }
0xa2: {  	s22 =	simm.s32 $0x0;
	s6 =	sshll.u32 s6, $0x1;
	s7 =	sadd.s32 s21, s5  }
0xa3: {  	[timem:s22], [sflag:s8] =	dma.local [hbm:s7], s6  }
0xa4: {  	_ =	swait.ge [sflag:s8], s6  }
0xa5: {  	s6 =	ssub.s32 $0x0, s6;
	[sflag:s8] =	ssyncset.done $0x0  }
0xa6: {  	[sflag:s8] =	ssyncadd.s32 s6;
	_ =	sdelay $0x1  }
0xa7: {  	s23 =	simm.s32 $0x1B8B  }
0xa8: {  	_ =	swait.ge [sflag:s23], $0x1  }
0xa9: {  	[sflag:s23] =	ssyncset.done $0x0  }
0xaa: {  	[sflag:s23] =	ssyncadd.s32 $0xFFFFFFFF  }
0xab: {  	s6 =	sld [smem:$0x0]  }
0xac: {  	s7 =	sand.u32 $0xFFFFFFFE, s1  }
0xad: {  	p0 =	sne.s32 s1, s7  }
0xae: {  	s7 =	sshll.u32 @p0 s7, $0xE  }
0xaf: {  	s7 =	sadd.s32 @p0 $0x11B8D, s7;
	s8 =	sshll.u32 @p0 s6, $0x11  }
0xb0: {  	s7 =	sor.u32 @p0 s8, s7  }
0xb1: {  	[sflag:s7] =	ssyncadd.remote.s32 @p0 $0x1;
	_ =	sdelay $0x1  }
0xb2: {  	s7 =	simm.s32 @p0 $0x1B8D  }
0xb3: {  	_ =	swait.eq @p0 [sflag:s7], $0x1  }
0xb4: {  	[sflag:s7] =	ssyncadd.s32 @p0 $0xFFFFFFFF  }
0xb5: {  	s8 =	sshll.u32 @!p0 s1, $0xE  }
0xb6: {  	s8 =	sor.u32 @!p0 $0x4000, s8;
	s7 =	simm.s32 @!p0 $0x1B8D  }
0xb7: {  	s6 =	sshll.u32 @!p0 s6, $0x11;
	s8 =	sadd.s32 @!p0 $0x11B8D, s8;
	_ =	swait.eq @!p0 [sflag:s7], $0x1  }
0xb8: {  	s6 =	sor.u32 @!p0 s6, s8;
	[sflag:s7] =	ssyncadd.s32 @!p0 $0xFFFFFFFF  }
0xb9: {  	s25 =	simm.s32 $0x1B8E;
	s24 =	sld [smem:$0x3FFE];
	[sflag:s6] =	ssyncadd.remote.s32 @!p0 $0x1  }
0xba: {  	s26 =	simm.s32 $execute0_lowered;
	[smem:$0x3FD2] =	sst s25  }
0xbb: {  	s7 =	sshll.u32 s26, $0x1;
	_ =	strace $0x80000049;
	[dreg:$0x1] =	wrdreg $0xFFFFFFFF  }
0xbc: {  	s28 =	simm.s32 $_size_execute0_lowered;
	s5 =	sadd.s32 s5, s7;
	[dreg:$0x0] =	wrdreg $0x0  }
0xbd: {  	s7 =	sshll.u32 s28, $0x1;
	[dreg:$0x2] =	wrdreg s5  }
0xbe: {  	[dreg:$0x3] =	wrdreg s7  }
0xbf: {  	[dreg:$0x4] =	wrdreg $0xC0  }
0xc0: {  	_ =	task [dreg:s22], $0x5FFFF  }
0xc1: {  	[dreg:$0x1] =	wrdreg $0xFFFFFFFF  }
0xc2: {  	[dreg:$0x0] =	wrdreg $0x60  }
0xc3: {  	[dreg:$0x2] =	wrdreg s16  }
0xc4: {  	[dreg:$0x3] =	wrdreg s24  }
0xc5: {  	[dreg:$0x4] =	wrdreg s17  }
0xc6: {  	[dreg:$0x5] =	wrdreg $0x0  }
0xc7: {  	[dreg:$0x6] =	wrdreg $0xA0400  }
0xc8: {  	[dreg:$0x7] =	wrdreg $0x9  }
0xc9: {  	_ =	task.clear_ibuf [dreg:s22], $0x8FFFF;
	_ =	strace $0x90000049  }
0xca: {  	s29 =	simm.s32 $0x9;
	_ =	strace $0x8000004B  }
0xcb: {  	_ =	swait.ge [sflag:s29], $0x1  }
0xcc: {  	[sflag:s29] =	ssyncadd.s32 $0xFFFFFFFF  }
0xcd: {  	_ =	strace $0x9000004B  }
0xce: {  	_ =	sfence  }
0xcf: {  	s30 =	sld [smem:$0x0];
	_ =	sdelay $0x2  }
0xd0: {  	s31 =	sshll.u32 s1, $0xD;
	s1 =	sshrl.u32 s1, $0x2  }
0xd1: {  	s4 =	sand.u32 $0x4000, s31;
	s1 =	sadd.s32 s1, s30  }
0xd2: {  	s0 =	sor.u32 s4, s0;
	s1 =	sshll.u32 s1, $0x11  }
0xd3: {  	s0 =	sor.u32 s1, s0  }
0xd4: {  	s0 =	sadd.s32 $0x8F2B, s0  }
0xd5: {  	[sflag:s0] =	ssyncadd.remote.s32 $0x1  }
0xd6: {  	_ =	sfence.sel $0xFFFF  }
0xd7: {  	[dreg:$0x0] =	wrdreg $0xFFFFFFFF;
	(pc) =	sbr.abs _section_cstart, $3  }
0xd8: {  	[dreg:$0x1] =	wrdreg $0xFFFFFFFF  }
0xd9: {  	_ =	task.clear_ibuf [dreg:s22], $0x2FFFF;
	_ =	strace $0x9FFFFFFF  }
0xda: {  	(tm) =	ssettm $0x7FFFFFFF  }
0xdb: {  	_ =	shalt  }
tec
execute0_lowered:
.L_overlay_start_1:
0x0: {  	(tag) =	ssettag $0x1  }
0x1: {  	s1 =	rddreg [dreg:$0x0]  }
0x2: {  	s0 =	rddreg [dreg:$0x1]  }
0x3: {  	s2 =	rddreg [dreg:$0x2]  }
0x4: {  	s3 =	rddreg [dreg:$0x3]  }
0x5: {  	s19 =	rddreg [dreg:$0x4]  }
0x6: {  	s5 =	simm.s32 $0x0;
	s6 =	stileid.u32;
	s4 =	srdreg.scid  }
0x7: {  	s28 =	simm.s32 $0xCA40;
	s29 =	simm.s32 $0xAE40;
	s30 =	simm.s32 $0x10740  }
0x8: {  	s31 =	simm.s32 $0x40;
	s14 =	simm.s32 $0x11FC0;
	[smem:$0x7FF] =	sst s5  }
0x9: {  	s8 =	smul.u32 $0xC80, s6;
	s7 =	sadd.s32 $0xCC000, s0;
	s4 =	sand.u32 $0x1, s4  }
0xa: {  	s11 =	smul.u32 $0x28000, s6;
	s20 =	sadd.s32 $0x1400, s19;
	_ =	strace $0x8000004A  }
0xb: {  	s9 =	ssub.s32 $0x2, s4;
	s10 =	smul.u32 $0xC350, s4;
	[dreg:$0xa] =	wrdreg s20  }
0xc: {  	[dreg:$0x6] =	wrdreg s8;
	s8 =	sshrl.u32 s8, $0x3;
	s18 =	sshrl.u32 s11, $0x2  }
0xd: {  	s15 =	sadd.s32 s8, s0;
	s0 =	sadd.s32 $0x194000, s0;
	[dreg:$0x7] =	wrdreg s10  }
0xe: {  	s16 =	sshrl.u32 s9, $0x1;
	s21 =	sadd.s32 s18, s3;
	[dreg:$0x8] =	wrdreg s0  }
0xf: {  	s17 =	ssub.s32 s9, s16;
	s4 =	sadd.s32 $0xCA600, s15;
	[dreg:$0xc] =	wrdreg s21  }
0x10: {  	s13 =	simm.s32 $0x147C0;
	s0 =	smax.u32 s17, $0x1;
	[dreg:$0x9] =	wrdreg s4  }
0x11: {  	s12 =	simm.s32 $0x0;
	s8 =	sadd.s32 $0x1400, s21;
	[dreg:$0xb] =	wrdreg s0  }
0x12: {  	p0 =	sne.s32 s6, $0x0;
	s22 =	sadd.s32 $0x2800, s21;
	[dreg:$0xd] =	wrdreg s8  }
0x13: {  	s11 =	simm.s32 $0x16FC0;
	s23 =	sadd.s32 $0x3C00, s21;
	[dreg:$0xe] =	wrdreg s22  }
0x14: {  	s10 =	sadd.s32 $0xC350, s10;
	s24 =	sadd.s32 $0x5000, s21;
	[dreg:$0xf] =	wrdreg s23  }
.Ltmp0:
0x15: {  	s25 =	sadd.s32 $0x6400, s21;
	[dreg:$0x10] =	wrdreg s24;
	(pc) =	sbr.rel .LBB2_1-.Ltmp0, $4  }
0x16: {  	s9 =	simm.s32 $0xE6C0;
	s26 =	sadd.s32 $0x7800, s21;
	[dreg:$0x11] =	wrdreg s25  }
0x17: {  	v1 =	vlaneseq.u32;
	v2 =	vimm.f32 $0.0e+00;
	s4 =	smul.u32 $0x140, s6;
	[dreg:$0x12] =	wrdreg s26;
	s0 =	sadd.s32 $0x8C00, s21  }
0x18: {  	v5 =	vimm.s32 $0x1400;
	v6 =	vimm.s32 $0x0;
	v7 =	vimm.f32 $1.000000000e+00;
	s24 =	simm.s32 $0x2;
	s23 =	simm.s32 $0xE740;
	s25 =	simm.s32 $0x1  }
0x19: {  	v3 =	vor.u32 $0x10, v1;
	v4 =	vor.u32 $0x20, v1;
	v0 =	vmov s10;
	s8 =	simm.s32 $0x3;
	[dreg:$0x13] =	wrdreg s0;
	s0 =	simm.s32 $0xE640  }
.LBB2_21:
0x1a: {  	s12 =	rddreg [dreg:$0x14]  }
0x1b: {  	s6 =	rddreg [dreg:$0xb];
	s12 =	sadd.s32 $0x1, s12  }
0x1c: {  	p1 =	sne.s32 s12, s6  }
.Ltmp1:
0x1d: {  	_ = 	snop;
	(pc) =	sbr.rel @!p1 .LBB2_22-.Ltmp1, $1  }
0x1e: {  	_ =	sdelay $0x3  }
.LBB2_1:
0x1f: {  	[dreg:$0x14] =	wrdreg s12  }
0x20: {  	s6 =	rddreg [dreg:$0x8];
	s26 =	simm.s32 $0x19BC0  }
0x21: {  	[tilespmem:s26], [sflag:$0x2] =	stream.linear.gather [hbm4b:s6+s5], $0x1, $0x38;
	[tilespmem:$0x19C40] =	vst v63  }
0x22: {  	_ =	swait.ge [sflag:s24], $0x1  }
0x23: {  	[sflag:s24] =	ssyncset.done $0x0  }
0x24: {  	[sflag:s24] =	ssyncadd.s32 $0xFFFFFFFF  }
0x25: {  	s12 =	simm.s32 $0x200;
	s6 =	simm.s32 $0x0;
	v8 =	vld [tilespmem:$0x19BC0]  }
.LBB2_2:
0x26: {  	p1 =	sne.s32 s12, $0x4E00;
	[tilespmem:s6+$0x18830] =	vst v2  }
0x27: {  	[tilespmem:s6+$0x187C0] =	vst v2  }
0x28: {  	[tilespmem:s6+$0x187D0] =	vst v2  }
.Ltmp2:
0x29: {  	[tilespmem:s6+$0x187E0] =	vst v2;
	(pc) =	sbr.rel @p1 .LBB2_2-.Ltmp2, $4  }
0x2a: {  	[tilespmem:s6+$0x187F0] =	vst v2  }
0x2b: {  	[tilespmem:s6+$0x18800] =	vst v2  }
0x2c: {  	[tilespmem:s6+$0x18810] =	vst v2  }
0x2d: {  	[tilespmem:s6+$0x18820] =	vst v2;
	s6 =	sshra.s32 s12, $0x2;
	s12 =	sadd.s32 $0x200, s12  }
0x2e: {  	[tilespmem:s6+$0x18830] =	vst v2  }
0x2f: {  	[tilespmem:s6+$0x187C0] =	vst v2  }
0x30: {  	[tilespmem:s6+$0x187D0] =	vst v2  }
0x31: {  	[tilespmem:s6+$0x187E0] =	vst v2  }
0x32: {  	[tilespmem:s6+$0x187F0] =	vst v2  }
0x33: {  	[tilespmem:s6+$0x18800] =	vst v2  }
0x34: {  	[tilespmem:s6+$0x18810] =	vst v2  }
0x35: {  	[tilespmem:s6+$0x18820] =	vst v2  }
0x36: {  	[tilespmem:$0x11F40] =	vst v1  }
0x37: {  	s16 =	simm.s32 $0x0;
	[tilespmem:$0x11F50] =	vst v3  }
.Ltmp3:
0x38: {  	s26 =	rddreg [dreg:$0x9];
	s12 =	simm.s32 $0xA1C0;
	[tilespmem:$0x11F60] =	vst v4;
	(pc) =	sbr.rel .LBB2_4-.Ltmp3, $4  }
0x39: {  	[tilespmem:s12], [sflag:$0x2] =	stream.linear.gather [hbm4b:s26+s16], $0xC80, $0x38;
	[tilespmem:$0x19C40] =	vst v63  }
0x3a: {  	_ =	swait.ge [sflag:s24], $0xC80  }
0x3b: {  	[sflag:s24] =	ssyncset.done $0x0  }
0x3c: {  	v8 =	vbroadcast v8, $0x0;
	[sflag:s24] =	ssyncadd.s32 $0xFFFFF380  }
.LBB2_20:
0x3d: {  	s16 =	sadd.s32 $0x1, s16  }
0x3e: {  	p1 =	sne.s32 s16, $0xA  }
.Ltmp4:
0x3f: {  	_ = 	snop;
	(pc) =	sbr.rel @!p1 .LBB2_21-.Ltmp4, $2  }
0x40: {  	_ =	sdelay $0x2  }
0x41: {  	s19 =	rddreg [dreg:$0x4]  }
.LBB2_4:
0x42: {  	s6 =	rddreg [dreg:$0xc];
	s12 =	simm.s32 $0x187C0  }
0x43: {  	[spmem:s6] =	stream.linear.scatter [tilespmem:s12], [sflag:$0x2], $0x1400, $0x38;
	[tilespmem:$0x19C40] =	vst v63  }
0x44: {  	_ =	swait.ge [sflag:s24], $0x1400  }
0x45: {  	[sflag:s24] =	ssyncset.done $0x0  }
0x46: {  	s22 =	rddreg [dreg:$0xd];
	[sflag:s24] =	ssyncadd.s32 $0xFFFFEC00  }
0x47: {  	[spmem:s22] =	stream.linear.scatter [tilespmem:s12], [sflag:$0x2], $0x1400, $0x38;
	[tilespmem:$0x19C40] =	vst v63  }
0x48: {  	_ =	swait.ge [sflag:s24], $0x1400  }
0x49: {  	[sflag:s24] =	ssyncset.done $0x0  }
0x4a: {  	s26 =	rddreg [dreg:$0xe];
	[sflag:s24] =	ssyncadd.s32 $0xFFFFEC00  }
0x4b: {  	[spmem:s26] =	stream.linear.scatter [tilespmem:s12], [sflag:$0x2], $0x1400, $0x38;
	[tilespmem:$0x19C40] =	vst v63  }
0x4c: {  	_ =	swait.ge [sflag:s24], $0x1400  }
0x4d: {  	[sflag:s24] =	ssyncset.done $0x0  }
0x4e: {  	s15 =	rddreg [dreg:$0xf];
	[sflag:s24] =	ssyncadd.s32 $0xFFFFEC00  }
0x4f: {  	[spmem:s15] =	stream.linear.scatter [tilespmem:s12], [sflag:$0x2], $0x1400, $0x38;
	[tilespmem:$0x19C40] =	vst v63  }
0x50: {  	_ =	swait.ge [sflag:s24], $0x1400  }
0x51: {  	[sflag:s24] =	ssyncset.done $0x0  }
0x52: {  	s17 =	rddreg [dreg:$0x10];
	[sflag:s24] =	ssyncadd.s32 $0xFFFFEC00  }
0x53: {  	[spmem:s17] =	stream.linear.scatter [tilespmem:s12], [sflag:$0x2], $0x1400, $0x38;
	[tilespmem:$0x19C40] =	vst v63  }
0x54: {  	_ =	swait.ge [sflag:s24], $0x1400  }
0x55: {  	[sflag:s24] =	ssyncset.done $0x0  }
0x56: {  	s18 =	rddreg [dreg:$0x11];
	[sflag:s24] =	ssyncadd.s32 $0xFFFFEC00  }
0x57: {  	[spmem:s18] =	stream.linear.scatter [tilespmem:s12], [sflag:$0x2], $0x1400, $0x38;
	[tilespmem:$0x19C40] =	vst v63  }
0x58: {  	_ =	swait.ge [sflag:s24], $0x1400  }
0x59: {  	[sflag:s24] =	ssyncset.done $0x0  }
0x5a: {  	s20 =	rddreg [dreg:$0x12];
	[sflag:s24] =	ssyncadd.s32 $0xFFFFEC00  }
0x5b: {  	[spmem:s20] =	stream.linear.scatter [tilespmem:s12], [sflag:$0x2], $0x1400, $0x38;
	[tilespmem:$0x19C40] =	vst v63  }
0x5c: {  	_ =	swait.ge [sflag:s24], $0x1400  }
0x5d: {  	[sflag:s24] =	ssyncset.done $0x0  }
0x5e: {  	s21 =	rddreg [dreg:$0x13];
	[sflag:s24] =	ssyncadd.s32 $0xFFFFEC00  }
0x5f: {  	[spmem:s21] =	stream.linear.scatter [tilespmem:s12], [sflag:$0x2], $0x1400, $0x38;
	[tilespmem:$0x19C40] =	vst v63  }
0x60: {  	_ =	swait.ge [sflag:s24], $0x1400  }
0x61: {  	[sflag:s24] =	ssyncset.done $0x0  }
0x62: {  	s6 =	simm.s32 @!p0 $0x187C0;
	s15 =	simm.s32 @!p0 $0x2;
	[sflag:s24] =	ssyncadd.s32 $0xFFFFEC00  }
0x63: {  	[spmem:s19] =	stream.linear.scatter @!p0 [tilespmem:s6], [sflag:$0x2], $0x1400, $0x38;
	[tilespmem:$0x19C40] =	vst v63  }
0x64: {  	_ =	swait.ge @!p0 [sflag:s15], $0x1400  }
0x65: {  	[sflag:s15] =	ssyncset.done @!p0 $0x0  }
0x66: {  	s17 =	rddreg [dreg:$0xa];
	[sflag:s15] =	ssyncadd.s32 @!p0 $0xFFFFEC00  }
0x67: {  	[spmem:s17] =	stream.linear.scatter @!p0 [tilespmem:s6], [sflag:$0x2], $0x400, $0x38;
	[tilespmem:$0x19C40] =	vst v63  }
0x68: {  	s22 =	smul.u32 $0x1400, s16;
	_ =	swait.ge @!p0 [sflag:s15], $0x400  }
0x69: {  	s6 =	simm.s32 $0x0;
	s26 =	rddreg [dreg:$0x7];
	[sflag:s15] =	ssyncset.done @!p0 $0x0  }
0x6a: {  	s12 =	sadd.s32 s26, s22;
	[sflag:s15] =	ssyncadd.s32 @!p0 $0xFFFFFC00;
	s15 =	simm.s32 $0x200  }
.LBB2_5:
0x6b: {  	p1 =	sne.s32 s15, $0x5E00;
	[tilespmem:s6+$0x107B0] =	vst v2  }
0x6c: {  	[tilespmem:s6+$0x10740] =	vst v2  }
0x6d: {  	[tilespmem:s6+$0x10750] =	vst v2  }
.Ltmp5:
0x6e: {  	[tilespmem:s6+$0x10760] =	vst v2;
	(pc) =	sbr.rel @p1 .LBB2_5-.Ltmp5, $4  }
0x6f: {  	[tilespmem:s6+$0x10770] =	vst v2  }
0x70: {  	[tilespmem:s6+$0x10780] =	vst v2  }
0x71: {  	[tilespmem:s6+$0x10790] =	vst v2  }
0x72: {  	[tilespmem:s6+$0x107A0] =	vst v2;
	s6 =	sshra.s32 s15, $0x2;
	s15 =	sadd.s32 $0x200, s15  }
0x73: {  	[tilespmem:s6+$0x107B0] =	vst v2  }
0x74: {  	[tilespmem:s6+$0x10740] =	vst v2  }
0x75: {  	[tilespmem:s6+$0x10750] =	vst v2  }
0x76: {  	[tilespmem:s6+$0x10760] =	vst v2  }
0x77: {  	[tilespmem:s6+$0x10770] =	vst v2  }
0x78: {  	[tilespmem:s6+$0x10780] =	vst v2  }
0x79: {  	[tilespmem:s6+$0x10790] =	vst v2  }
0x7a: {  	[tilespmem:s6+$0x107A0] =	vst v2;
	s6 =	simm.s32 $0x0;
	s15 =	simm.s32 $0x200  }
.LBB2_7:
0x7b: {  	p1 =	sne.s32 s15, $0x6400;
	[tilespmem:s6+$0xAE70] =	vst v6  }
0x7c: {  	[tilespmem:s6+$0xCA40] =	vst v5  }
0x7d: {  	[tilespmem:s6+$0xAE40] =	vst v6  }
.Ltmp6:
0x7e: {  	[tilespmem:s6+$0xCA50] =	vst v5;
	(pc) =	sbr.rel @p1 .LBB2_7-.Ltmp6, $4  }
0x7f: {  	[tilespmem:s6+$0xAE50] =	vst v6  }
0x80: {  	[tilespmem:s6+$0xCA60] =	vst v5  }
0x81: {  	[tilespmem:s6+$0xAE60] =	vst v6  }
0x82: {  	[tilespmem:s6+$0xCA70] =	vst v5;
	s6 =	sshra.s32 s15, $0x2;
	s15 =	sadd.s32 $0x200, s15  }
0x83: {  	[tilespmem:s6+$0xAE70] =	vst v6  }
0x84: {  	[tilespmem:s6+$0xCA40] =	vst v5  }
0x85: {  	[tilespmem:s6+$0xAE40] =	vst v6  }
0x86: {  	[tilespmem:s6+$0xCA50] =	vst v5  }
0x87: {  	[tilespmem:s6+$0xAE50] =	vst v6  }
0x88: {  	[tilespmem:s6+$0xCA60] =	vst v5  }
0x89: {  	[tilespmem:s6+$0xAE60] =	vst v6  }
0x8a: {  	[tilespmem:s6+$0xCA70] =	vst v5  }
0x8b: {  	s26 =	simm.s32 $0x0;
	[bflag:$0x0] =	sbarrier.arrive $0xFFFF  }
0x8c: {  	v10 =	vld [tilespmem:s26+$0xA1C0];
	_ =	sdelay $0x3  }
0x8d: {  	v9 =	vmov s12  }
0x8e: {  	v11 =	vsub.s32 v10, v9  }
0x8f: {  	vm1 =	vlt.s32 v10, v0;
	vm0 =	vlt.u32 v11, $0x1400  }
0x90: {  	vm0 =	vmand vm1, vm0  }
0x91: {  	v10 =	vsel vm0, $0x1, v6  }
0x92: {  	(xrf0) =	vadd.scan.msk.s32 $0xffff, v10;
	_ =	sdelay $0x1  }
0x93: {  	s6 =	simm.s32 $0x0  }
0x94: {  	v10 =	vmov s6  }
0x95: {  	v10 =	vadd.s32 $0xFFFFFFFF, v10  }
0x96: {  	v10 =	vbroadcast v10, $0x0  }
0x97: {  	v12, _, _ =	vpop (xrf0)  }
0x98: {  	v10 =	vadd.s32 v12, v10;
	(v2sf) =	vpush v12, $0xF  }
0x99: {  	v10 =	vnsel vm0, $0xCBF, v10  }
0x9a: {  	v13 =	vshll.u32 v10, $0x1  }
0x9b: {  	v10 =	vand.u32 $0x3F, v10;
	v13 =	vand.u32 $0xFFFFFF80, v13  }
0x9c: {  	v10 =	vor.u32 v10, v13;
	_ =	sdelay $0x3  }
0x9d: {  	s15 =	rddreg [dreg:$0x6]  }
0x9e: {  	[tilespmem:v10+s28+$0x0] =	vst.idx.msk $0xffff, v11;
	v11 =	vor.u32 s15, v1  }
0x9f: {  	s18 =	simm.s32 $0x10;
	s17 =	simm.s32 $0x80;
	[tilespmem:v10+s29+$0x0] =	vst.idx.msk $0xffff, v11  }
.LBB2_9:
0xa0: {  	p1 =	sne.s32 s17, $0x31C0;
	v10 =	vld [tilespmem:s18+$0xA1C0];
	_ =	sdelay $0x3  }
0xa1: {  	s18 =	spop (v2sf)  }
0xa2: {  	v11 =	vsub.s32 v10, v9;
	s6 =	sadd.s32 s6, s18  }
0xa3: {  	vm1 =	vlt.s32 v10, v0;
	vm0 =	vlt.u32 v11, $0x1400;
	v10 =	vmov s6  }
0xa4: {  	vm0 =	vmand vm1, vm0;
	v10 =	vadd.s32 $0xFFFFFFFF, v10  }
0xa5: {  	v12 =	vsel vm0, $0x1, v6;
	v10 =	vbroadcast v10, $0x0  }
0xa6: {  	(xrf0) =	vadd.scan.msk.s32 $0xffff, v12;
	_ =	sdelay $0x5  }
0xa7: {  	v12, _, _ =	vpop (xrf0)  }
0xa8: {  	v10 =	vadd.s32 v12, v10;
	(v2sf) =	vpush v12, $0xF  }
0xa9: {  	v10 =	vnsel vm0, $0xCBF, v10  }
0xaa: {  	v12 =	vand.u32 $0x3F, v10;
	v10 =	vshll.u32 v10, $0x1  }
0xab: {  	v10 =	vand.u32 $0xFFFFFF80, v10  }
0xac: {  	v10 =	vor.u32 v12, v10;
	_ =	sdelay $0x1  }
.Ltmp7:
0xad: {  	(pc) =	sbr.rel @p1 .LBB2_9-.Ltmp7, $4  }
0xae: {  	_ = 	snop  }
0xaf: {  	s15 =	sadd.s32 $0x10, s15  }
0xb0: {  	[tilespmem:v10+s28+$0x0] =	vst.idx.msk $0xffff, v11;
	v11 =	vor.u32 s15, v1  }
0xb1: {  	s18 =	sshra.s32 s17, $0x2;
	s17 =	sadd.s32 $0x40, s17;
	[tilespmem:v10+s29+$0x0] =	vst.idx.msk $0xffff, v11  }
0xb2: {  	v10 =	vld [tilespmem:s18+$0xA1C0];
	_ =	sdelay $0x4  }
0xb3: {  	v9 =	vsub.s32 v10, v9  }
0xb4: {  	vm1 =	vlt.s32 v10, v0;
	vm0 =	vlt.u32 v9, $0x1400  }
0xb5: {  	vm0 =	vmand vm1, vm0  }
0xb6: {  	v10 =	vsel vm0, $0x1, v6  }
0xb7: {  	(xrf0) =	vadd.scan.msk.s32 $0xffff, v10;
	_ =	sdelay $0x5  }
0xb8: {  	v10, _, _ =	vpop (xrf0)  }
0xb9: {  	(v2sf) =	vpush v10, $0xF;
	_ =	sdelay $0x7  }
0xba: {  	s17 =	spop (v2sf)  }
0xbb: {  	s6 =	sadd.s32 s6, s17  }
0xbc: {  	v11 =	vmov s6  }
0xbd: {  	v11 =	vadd.s32 $0xFFFFFFFF, v11  }
0xbe: {  	v11 =	vbroadcast v11, $0x0;
	_ =	sdelay $0x1  }
0xbf: {  	v10 =	vadd.s32 v10, v11  }
0xc0: {  	v10 =	vnsel vm0, $0xCBF, v10;
	s26 =	spop (v2sf)  }
0xc1: {  	v11 =	vshll.u32 v10, $0x1;
	s6 =	sadd.s32 s6, s26  }
0xc2: {  	v10 =	vand.u32 $0x3F, v10;
	v11 =	vand.u32 $0xFFFFFF80, v11;
	s6 =	sadd.s32 $0x3F, s6  }
0xc3: {  	v10 =	vor.u32 v10, v11;
	s17 =	sshra.s32 s6, $0x6  }
0xc4: {  	p1 =	slt.s32 s17, $0x1  }
.Ltmp8:
0xc5: {  	_ = 	snop;
	(pc) =	sbr.rel @p1 .LBB2_14-.Ltmp8, $4  }
0xc6: {  	_ = 	snop  }
0xc7: {  	s15 =	sadd.s32 $0x10, s15  }
0xc8: {  	[tilespmem:v10+s28+$0x0] =	vst.idx.msk $0xffff, v9;
	v9 =	vor.u32 s15, v1  }
0xc9: {  	[tilespmem:v10+s29+$0x0] =	vst.idx.msk $0xffff, v9  }
0xca: {  	s6 =	simm.s32 $0xCA60  }
0xcb: {  	v9 =	vld [tilespmem:s6+$0xFFFFFFE0]  }
0xcc: {  	s15 =	simm.s32 $0xAE60  }
0xcd: {  	v10 =	vld [tilespmem:s15+$0xFFFFFFE0];
	_ =	sdelay $0x3  }
0xce: {  	[tilespmem:$0xE6C0] =	vst v9  }
0xcf: {  	[tilespmem:$0xE640] =	vst v10  }
0xd0: {  	[tilespmem:v9+s30+$0x0] =	vst.idx.add.f32.msk $0xffff, v7  }
0xd1: {  	v9 =	vld [tilespmem:s6+$0xFFFFFFF0];
	_ =	sdelay $0x1  }
0xd2: {  	v10 =	vld [tilespmem:s15+$0xFFFFFFF0];
	_ =	sdelay $0x3  }
0xd3: {  	[tilespmem:$0xE6D0] =	vst v9  }
0xd4: {  	[tilespmem:$0xE650] =	vst v10  }
0xd5: {  	[tilespmem:v9+s30+$0x0] =	vst.idx.add.f32.msk $0xffff, v7  }
0xd6: {  	v9 =	vld [tilespmem:s6+$0x0];
	_ =	sdelay $0x1  }
0xd7: {  	v10 =	vld [tilespmem:s15+$0x0];
	_ =	sdelay $0x3  }
0xd8: {  	[tilespmem:$0xE6E0] =	vst v9  }
0xd9: {  	[tilespmem:$0xE660] =	vst v10  }
0xda: {  	[tilespmem:v9+s30+$0x0] =	vst.idx.add.f32.msk $0xffff, v7  }
0xdb: {  	v9 =	vld [tilespmem:s6+$0x10];
	_ =	sdelay $0x1  }
0xdc: {  	v10 =	vld [tilespmem:s15+$0x10];
	_ =	sdelay $0x3  }
0xdd: {  	[tilespmem:$0xE6F0] =	vst v9  }
0xde: {  	[tilespmem:$0xE670] =	vst v10  }
0xdf: {  	[tilespmem:v9+s30+$0x0] =	vst.idx.add.f32.msk $0xffff, v7  }
0xe0: {  	[tilespmem:s23], [sflag:$0x1] =	stream.indirect.gather [hbm4b:s7+s31], $0x80, s0, s31, $0xb8;
	[tilespmem:$0x19C40] =	vst v63  }
0xe1: {  	p1 =	sne.s32 s17, $0x1;
	_ =	swait.ge [sflag:s25], $0x2000  }
.Ltmp9:
0xe2: {  	[sflag:s25] =	ssyncset.done $0x0;
	(pc) =	sbr.rel @!p1 .LBB2_13-.Ltmp9, $4  }
0xe3: {  	[sflag:s25] =	ssyncadd.s32 $0xFFFFE000  }
0xe4: {  	[spmem:s3] =	stream.indirect.scatter.add.f32 [tilespmem:s23], [sflag:$0x2], $0x80, s9, s31, $0xb8;
	[tilespmem:$0x19C40] =	vst v63  }
0xe5: {  	_ =	swait.ge [sflag:s24], $0x2000  }
0xe6: {  	s17 =	sadd.s32 $0xFFFFFFFF, s17;
	[sflag:s24] =	ssyncset.done $0x0  }
.LBB2_12:
0xe7: {  	[sflag:s24] =	ssyncadd.s32 $0xFFFFE000;
	s6 =	sadd.s32 $0x80, s6;
	s15 =	sadd.s32 $0x80, s15  }
0xe8: {  	p1 =	sne.s32 s17, $0x1;
	s17 =	sadd.s32 $0xFFFFFFFF, s17;
	v9 =	vld [tilespmem:s6+$0xFFFFFFE0];
	_ =	sdelay $0x1  }
0xe9: {  	v10 =	vld [tilespmem:s15+$0xFFFFFFE0];
	_ =	sdelay $0x3  }
0xea: {  	[tilespmem:$0xE6C0] =	vst v9  }
0xeb: {  	[tilespmem:$0xE640] =	vst v10  }
0xec: {  	[tilespmem:v9+s30+$0x0] =	vst.idx.add.f32.msk $0xffff, v7  }
0xed: {  	v9 =	vld [tilespmem:s6+$0xFFFFFFF0];
	_ =	sdelay $0x1  }
0xee: {  	v10 =	vld [tilespmem:s15+$0xFFFFFFF0];
	_ =	sdelay $0x3  }
0xef: {  	[tilespmem:$0xE6D0] =	vst v9  }
0xf0: {  	[tilespmem:$0xE650] =	vst v10  }
0xf1: {  	[tilespmem:v9+s30+$0x0] =	vst.idx.add.f32.msk $0xffff, v7  }
0xf2: {  	v9 =	vld [tilespmem:s6+$0x0]  }
0xf3: {  	v10 =	vld [tilespmem:s15+$0x0];
	_ =	sdelay $0x3  }
0xf4: {  	[tilespmem:$0xE6E0] =	vst v9  }
0xf5: {  	[tilespmem:$0xE660] =	vst v10;
	_ =	sdelay $0x1  }
0xf6: {  	[tilespmem:v9+s30+$0x0] =	vst.idx.add.f32.msk $0xffff, v7  }
0xf7: {  	v9 =	vld [tilespmem:s6+$0x10]  }
0xf8: {  	v10 =	vld [tilespmem:s15+$0x10];
	_ =	sdelay $0x3  }
0xf9: {  	[tilespmem:$0xE6F0] =	vst v9  }
0xfa: {  	[tilespmem:$0xE670] =	vst v10;
	_ =	sdelay $0x1  }
0xfb: {  	[tilespmem:v9+s30+$0x0] =	vst.idx.add.f32.msk $0xffff, v7  }
0xfc: {  	[tilespmem:s23], [sflag:$0x1] =	stream.indirect.gather [hbm4b:s7+s31], $0x80, s0, s31, $0xb8;
	[tilespmem:$0x19C40] =	vst v63  }
0xfd: {  	_ =	swait.ge [sflag:s25], $0x2000  }
.Ltmp10:
0xfe: {  	[sflag:s25] =	ssyncset.done $0x0;
	(pc) =	sbr.rel @p1 .LBB2_12-.Ltmp10, $4  }
0xff: {  	[sflag:s25] =	ssyncadd.s32 $0xFFFFE000  }
0x100: {  	[spmem:s3] =	stream.indirect.scatter.add.f32 [tilespmem:s23], [sflag:$0x2], $0x80, s9, s31, $0xb8;
	[tilespmem:$0x19C40] =	vst v63  }
0x101: {  	_ =	swait.ge [sflag:s24], $0x2000  }
0x102: {  	[sflag:s24] =	ssyncset.done $0x0  }
.LBB2_13:
0x103: {  	[sflag:s24] =	ssyncadd.s32 $0xFFFFE000  }
.LBB2_14:
0x104: {  	s6 =	simm.s32 $0x30;
	s15 =	simm.s32 $0x11F40  }
0x105: {  	[spmem:s19] =	stream.indirect.scatter.add.f32 [tilespmem:s30], [sflag:$0x2], $0x80, s15, s6, $0xb8;
	[tilespmem:$0x19C40] =	vst v63  }
0x106: {  	_ =	swait.ge [sflag:s24], $0x1800  }
0x107: {  	[sflag:s24] =	ssyncset.done $0x0  }
0x108: {  	[sflag:s24] =	ssyncadd.s32 $0xFFFFE800  }
.Ltmp11:
0x109: {  	[bflag:$0x0] =	sbarrier.arrive $0xFFFF;
	(pc) =	sbr.rel .LBB2_15-.Ltmp11, $4  }
0x10a: {  	[tilespmem:s11], [sflag:$0x2] =	stream.linear.gather [spmem:s19], $0x1800, $0x38;
	[tilespmem:$0x19C40] =	vst v63  }
0x10b: {  	_ =	swait.ge [sflag:s24], $0x1800  }
0x10c: {  	s17 =	sadd.s32 s4, s12;
	[sflag:s24] =	ssyncset.done $0x0  }
0x10d: {  	s18 =	simm.s32 $0x0;
	s19 =	smov.u32 s4;
	[sflag:s24] =	ssyncadd.s32 $0xFFFFE800  }
.LBB2_18:
0x10e: {  	[tilespmem:s15+$0x11FF0] =	vst v20  }
0x10f: {  	v15 =	vmul.f32 v17, v15;
	[tilespmem:s15+$0x11FE0] =	vst v21;
	v9 =	vsub.f32 v9, v22  }
0x110: {  	[tilespmem:s15+$0x11FC0] =	vst v19;
	v13 =	vsub.f32 v13, v18  }
0x111: {  	v10 =	vsub.f32 v10, v15;
	[tilespmem:s15+$0x12010] =	vst v9;
	v9 =	vmov s21  }
0x112: {  	v11 =	vsub.f32 v11, v16;
	[tilespmem:s15+$0x12020] =	vst v13  }
0x113: {  	[tilespmem:s15+$0x12000] =	vst v10;
	v10 =	vsub.f32 v12, v14  }
0x114: {  	[tilespmem:s15+$0x12030] =	vst v11  }
0x115: {  	[tilespmem:s15+$0x11FD0] =	vst v10  }
0x116: {  	v9 =	vld.idx.msk [tilespmem:v9+s11+$0x0], $0xffff;
	_ =	sdelay $0x4  }
0x117: {  	v10 =	vmax.f32 v9, $1.000000000e+00  }
0x118: {  	v46 =	vld [tilespmem:s15+$0x148A0];
	(erf) = vrcp.f32 v10  }
0x119: {  	v47 =	vld [tilespmem:s15+$0x14880]  }
0x11a: {  	v48 =	vld [tilespmem:s15+$0x120A0]  }
0x11b: {  	v49 =	vld [tilespmem:s15+$0x14840]  }
0x11c: {  	v50 =	vld [tilespmem:s15+$0x12050]  }
0x11d: {  	v51 =	vld [tilespmem:s15+$0x14860]  }
0x11e: {  	v52 =	vld [tilespmem:s15+$0x12080]  }
0x11f: {  	v54 =	vld [tilespmem:s15+$0x12060]  }
0x120: {  	v55 =	vld [tilespmem:s15+$0x120B0]  }
0x121: {  	v23 =	vld [tilespmem:s15+$0x12040];
	v53 =	vpop (erf)  }
0x122: {  	v11 =	vld [tilespmem:s15+$0x148B0];
	v19 =	vmul.f32 v53, v8  }
0x123: {  	vm0 =	vgt.f32 v9, $0.0e+00;
	v9 =	vld [tilespmem:s15+$0x14850]  }
0x124: {  	v24 =	vld [tilespmem:s15+$0x14890];
	v56 =	vsel vm0, $0x3F7FF972, v7;
	v19 =	vnsel vm0, $0x0, v19  }
0x125: {  	v25 =	vld [tilespmem:s15+$0x12090];
	v18 =	vmul.f32 v52, v56;
	v13 =	vmul.f32 v47, v19  }
0x126: {  	v26 =	vld [tilespmem:s15+$0x12070];
	v20 =	vmul.f32 v54, v56;
	v17 =	vmul.f32 v51, v19  }
0x127: {  	v10 =	vld [tilespmem:s15+$0x14870];
	v57 =	vmul.f32 v55, v56;
	v11 =	vmul.f32 v11, v19;
	v13 =	vsub.f32 v18, v13  }
0x128: {  	v16 =	vmul.f32 v50, v56;
	v9 =	vmul.f32 v9, v19;
	v17 =	vsub.f32 v20, v17  }
0x129: {  	v58 =	vmul.f32 v56, v23;
	v15 =	vmul.f32 v19, v49;
	v11 =	vsub.f32 v57, v11;
	[tilespmem:s15+$0x12080] =	vst v13  }
0x12a: {  	v61 =	vmul.f32 v25, v56;
	v62 =	vmul.f32 v24, v19;
	v9 =	vsub.f32 v16, v9;
	[tilespmem:s15+$0x12060] =	vst v17  }
0x12b: {  	v59 =	vmul.f32 v48, v56;
	v12 =	vmul.f32 v46, v19;
	v60 =	vsub.f32 v58, v15;
	[tilespmem:s15+$0x120B0] =	vst v11  }
0x12c: {  	v10 =	vmul.f32 v10, v19;
	v63 =	vsub.f32 v61, v62;
	[tilespmem:s15+$0x12050] =	vst v9;
	v9 =	vmul.f32 v26, v56  }
0x12d: {  	v11 =	vsub.f32 v59, v12;
	[tilespmem:s15+$0x12040] =	vst v60  }
0x12e: {  	[tilespmem:s15+$0x12090] =	vst v63;
	v9 =	vsub.f32 v9, v10  }
0x12f: {  	[tilespmem:s15+$0x120A0] =	vst v11  }
0x130: {  	s6 =	sadd.s32 s2, s20;
	[tilespmem:s15+$0x12070] =	vst v9  }
0x131: {  	[hbm4b:s6+s5] =	stream.linear.scatter [tilespmem:s14], [sflag:$0x2], $0x2800, $0x38;
	[tilespmem:$0x19C40] =	vst v63  }
0x132: {  	_ =	swait.ge [sflag:s24], $0x2800  }
0x133: {  	[sflag:s24] =	ssyncset.done $0x0  }
0x134: {  	[sflag:s24] =	ssyncadd.s32 $0xFFFFD800  }
.LBB2_19:
0x135: {  	s18 =	sadd.s32 $0x1, s18  }
0x136: {  	p1 =	sne.s32 s18, $0x4  }
.Ltmp12:
0x137: {  	_ = 	snop;
	(pc) =	sbr.rel @!p1 .LBB2_20-.Ltmp12, $2  }
0x138: {  	_ =	sdelay $0x2  }
0x139: {  	s19 =	sadd.s32 $0x50, s19  }
.LBB2_15:
0x13a: {  	s6 =	smul.u32 $0x50, s18;
	_ =	sdelay $0x1  }
0x13b: {  	s12 =	sadd.s32 s6, s17  }
0x13c: {  	p1 =	sge.u32 s12, s10  }
.Ltmp13:
0x13d: {  	_ = 	snop;
	(pc) =	sbr.rel @p1 .LBB2_19-.Ltmp13, $1  }
0x13e: {  	_ =	sdelay $0x3  }
0x13f: {  	s20 =	sshll.u32 s12, $0x4  }
0x140: {  	s6 =	sadd.s32 s4, s6;
	s15 =	simm.s32 $0x0;
	s12 =	sadd.s32 s1, s20  }
0x141: {  	[tilespmem:s14], [sflag:$0x3] =	stream.linear.gather [hbm4b:s12+s15], $0x2800, $0x38;
	[tilespmem:$0x19C40] =	vst v63  }
0x142: {  	s6 =	sshll.u32 s6, $0x7;
	_ =	swait.ge [sflag:s8], $0x2800  }
0x143: {  	s26 =	sand.u32 $0xFFFFFFFE, s19;
	s6 =	sand.u32 $0x3FFFFF80, s6;
	[sflag:s8] =	ssyncset.done $0x0  }
0x144: {  	v9 =	vmov s26;
	s6 =	sadd.s32 s6, s3;
	[sflag:s8] =	ssyncadd.s32 $0xFFFFD800  }
0x145: {  	[tilespmem:s13], [sflag:$0x3] =	stream.linear.gather [spmem:s6], $0x2800, $0x38;
	[tilespmem:$0x19C40] =	vst v63  }
0x146: {  	_ =	swait.ge [sflag:s8], $0x2800  }
0x147: {  	[sflag:s8] =	ssyncset.done $0x0  }
0x148: {  	[sflag:s8] =	ssyncadd.s32 $0xFFFFD800  }
0x149: {  	v9 =	vld.idx.msk [tilespmem:v9+s11+$0x0], $0xffff;
	_ =	sdelay $0x3  }
0x14a: {  	s15 =	simm.s32 $0x0  }
0x14b: {  	v10 =	vld [tilespmem:s15+$0x12010];
	v12 =	vmax.f32 v9, $1.000000000e+00  }
0x14c: {  	v11 =	vld [tilespmem:s15+$0x11FF0];
	(erf) = vrcp.f32 v12  }
0x14d: {  	v14 =	vld [tilespmem:s15+$0x147D0]  }
0x14e: {  	v16 =	vld [tilespmem:s15+$0x147E0]  }
0x14f: {  	v13 =	vld [tilespmem:s15+$0x11FD0]  }
0x150: {  	v12 =	vld [tilespmem:s15+$0x12000]  }
0x151: {  	v15 =	vld [tilespmem:s15+$0x11FC0]  }
0x152: {  	v17 =	vld [tilespmem:s15+$0x12030];
	vm0 =	vgt.f32 v9, $0.0e+00  }
0x153: {  	v19 =	vld [tilespmem:s15+$0x14830];
	v20 =	vsel vm0, $0x3F7FF972, v7  }
0x154: {  	v22 =	vld [tilespmem:s15+$0x147F0];
	v9 =	vmul.f32 v10, v20  }
0x155: {  	v18 =	vld [tilespmem:s15+$0x11FE0];
	v23 =	vmul.f32 v11, v20;
	v10 =	vmul.f32 v12, v20;
	v11 =	vpop (erf)  }
0x156: {  	v21 =	vld [tilespmem:s15+$0x12020];
	v12 =	vmul.f32 v13, v20;
	v13 =	vmul.f32 v11, v8  }
0x157: {  	v24 =	vld [tilespmem:s15+$0x147C0]  }
0x158: {  	v25 =	vld [tilespmem:s15+$0x14820];
	v26 =	vmul.f32 v20, v15;
	v15 =	vnsel vm0, $0x0, v13  }
0x159: {  	v27 =	vld [tilespmem:s15+$0x14810];
	v11 =	vmul.f32 v17, v20;
	v17 =	vmul.f32 v22, v15  }
0x15a: {  	v28 =	vmul.f32 v18, v20  }
0x15b: {  	v13 =	vmul.f32 v21, v20;
	v14 =	vmul.f32 v14, v15;
	v20 =	vsub.f32 v23, v17;
	v17 =	vld [tilespmem:s15+$0x14800]  }
0x15c: {  	v21 =	vmul.f32 v15, v24;
	v22 =	vmul.f32 v16, v15  }
0x15d: {  	v18 =	vmul.f32 v25, v15;
	v16 =	vmul.f32 v19, v15  }
0x15e: {  	s22 =	simm.s32 $0x400;
	s21 =	sadd.s32 $0x1, s19;
	s12 =	smov.u32 s19;
	v19 =	vsub.f32 v26, v21;
	v21 =	vsub.f32 v28, v22;
	v22 =	vmul.f32 v27, v15  }
.LBB2_17:
0x15f: {  	p1 =	sne.s32 s22, $0x9C00  }
0x160: {  	v12 =	vsub.f32 v12, v14;
	[tilespmem:s15+$0x11FF0] =	vst v20;
	v14 =	vmul.f32 v17, v15;
	v13 =	vsub.f32 v13, v18;
	s12 =	sadd.s32 $0x2, s12;
	s6 =	smov.u32 s22;
	s22 =	sadd.s32 $0x400, s22  }
0x161: {  	v9 =	vsub.f32 v9, v22;
	s26 =	sadd.s32 $0x1, s12;
	[tilespmem:s15+$0x11FE0] =	vst v21  }
0x162: {  	v11 =	vsub.f32 v11, v16;
	[tilespmem:s15+$0x11FC0] =	vst v19;
	v10 =	vsub.f32 v10, v14  }
0x163: {  	[tilespmem:s15+$0x12010] =	vst v9;
	v9 =	vmov s21;
	s21 =	smov.u32 s26  }
0x164: {  	[tilespmem:s15+$0x12000] =	vst v10  }
0x165: {  	[tilespmem:s15+$0x12020] =	vst v13  }
0x166: {  	[tilespmem:s15+$0x12030] =	vst v11  }
0x167: {  	[tilespmem:s15+$0x11FD0] =	vst v12  }
0x168: {  	v9 =	vld.idx.msk [tilespmem:v9+s11+$0x0], $0xffff;
	_ =	sdelay $0x2  }
0x169: {  	s26 =	sand.u32 $0xFFFFFFFE, s12  }
0x16a: {  	v10 =	vmov s26;
	_ =	sdelay $0x1  }
0x16b: {  	v11 =	vmax.f32 v9, $1.000000000e+00  }
0x16c: {  	(erf) = vrcp.f32 v11;
	_ =	sdelay $0x1  }
0x16d: {  	v11 =	vld [tilespmem:s15+$0x14870]  }
0x16e: {  	v12 =	vld [tilespmem:s15+$0x148B0]  }
0x16f: {  	v13 =	vld [tilespmem:s15+$0x148A0]  }
0x170: {  	v14 =	vld [tilespmem:s15+$0x14880]  }
0x171: {  	v15 =	vld [tilespmem:s15+$0x120A0]  }
0x172: {  	v16 =	vld [tilespmem:s15+$0x14840]  }
0x173: {  	v17 =	vld [tilespmem:s15+$0x12050]  }
0x174: {  	v18 =	vld [tilespmem:s15+$0x14860];
	v19 =	vpop (erf)  }
0x175: {  	v19 =	vmul.f32 v19, v8;
	v20 =	vld [tilespmem:s15+$0x12080]  }
0x176: {  	vm0 =	vgt.f32 v9, $0.0e+00;
	v9 =	vld [tilespmem:s15+$0x12060]  }
0x177: {  	v21 =	vsel vm0, $0x3F7FF972, v7;
	v19 =	vnsel vm0, $0x0, v19;
	v22 =	vld [tilespmem:s15+$0x120B0]  }
0x178: {  	v16 =	vmul.f32 v19, v16;
	v23 =	vld [tilespmem:s15+$0x14850];
	v17 =	vmul.f32 v17, v21  }
0x179: {  	v15 =	vmul.f32 v15, v21;
	v24 =	vld [tilespmem:s15+$0x12040];
	v18 =	vmul.f32 v18, v19  }
0x17a: {  	v14 =	vmul.f32 v14, v19;
	v20 =	vmul.f32 v20, v21;
	v25 =	vld [tilespmem:s15+$0x14890]  }
0x17b: {  	v13 =	vmul.f32 v13, v19;
	v9 =	vmul.f32 v9, v21;
	v26 =	vld [tilespmem:s15+$0x12090]  }
0x17c: {  	v12 =	vmul.f32 v12, v19;
	v27 =	vld [tilespmem:s15+$0x12070];
	v14 =	vsub.f32 v20, v14;
	v20 =	vmul.f32 v22, v21  }
0x17d: {  	v13 =	vsub.f32 v15, v13;
	v22 =	vmul.f32 v23, v19;
	v9 =	vsub.f32 v9, v18  }
0x17e: {  	v15 =	vmul.f32 v21, v24;
	[tilespmem:s15+$0x12080] =	vst v14;
	v12 =	vsub.f32 v20, v12  }
0x17f: {  	v14 =	vsub.f32 v17, v22;
	[tilespmem:s15+$0x12060] =	vst v9  }
0x180: {  	v9 =	vsub.f32 v15, v16;
	v15 =	vmul.f32 v26, v21;
	v16 =	vmul.f32 v25, v19;
	[tilespmem:s15+$0x120B0] =	vst v12  }
0x181: {  	v11 =	vmul.f32 v11, v19;
	[tilespmem:s15+$0x12050] =	vst v14;
	v12 =	vmul.f32 v27, v21  }
0x182: {  	[tilespmem:s15+$0x12040] =	vst v9;
	v9 =	vsub.f32 v15, v16  }
0x183: {  	v11 =	vsub.f32 v12, v11;
	[tilespmem:s15+$0x120A0] =	vst v13  }
0x184: {  	[tilespmem:s15+$0x12090] =	vst v9  }
0x185: {  	[tilespmem:s15+$0x12070] =	vst v11  }
0x186: {  	v9 =	vld.idx.msk [tilespmem:v10+s11+$0x0], $0xffff;
	_ =	sdelay $0x1  }
0x187: {  	s15 =	sshra.s32 s6, $0x2  }
0x188: {  	v10 =	vld [tilespmem:s15+$0x12010]  }
0x189: {  	v11 =	vld [tilespmem:s15+$0x11FF0];
	_ =	sdelay $0x1  }
0x18a: {  	vm0 =	vgt.f32 v9, $0.0e+00;
	v9 =	vmax.f32 v9, $1.000000000e+00;
	v14 =	vld [tilespmem:s15+$0x147D0]  }
0x18b: {  	v13 =	vsel vm0, $0x3F7FF972, v7;
	v16 =	vld [tilespmem:s15+$0x147E0];
	(erf) = vrcp.f32 v9  }
0x18c: {  	v12 =	vld [tilespmem:s15+$0x12000];
	v9 =	vmul.f32 v10, v13  }
0x18d: {  	v15 =	vld [tilespmem:s15+$0x11FD0];
	v18 =	vmul.f32 v11, v13  }
0x18e: {  	v11 =	vld [tilespmem:s15+$0x11FC0]  }
0x18f: {  	v17 =	vld [tilespmem:s15+$0x12030]  }
0x190: {  	v19 =	vld [tilespmem:s15+$0x14830]  }
0x191: {  	v20 =	vld [tilespmem:s15+$0x11FE0];
	v10 =	vmul.f32 v12, v13  }
0x192: {  	v12 =	vmul.f32 v15, v13;
	v21 =	vld [tilespmem:s15+$0x12020]  }
0x193: {  	v22 =	vmul.f32 v13, v11;
	v23 =	vld [tilespmem:s15+$0x147F0]  }
0x194: {  	v24 =	vld [tilespmem:s15+$0x147C0];
	v11 =	vmul.f32 v17, v13;
	v15 =	vpop (erf)  }
0x195: {  	v15 =	vmul.f32 v15, v8;
	v25 =	vld [tilespmem:s15+$0x14820]  }
0x196: {  	v26 =	vld [tilespmem:s15+$0x14810]  }
.Ltmp14:
0x197: {  	v27 =	vmul.f32 v20, v13;
	v15 =	vnsel vm0, $0x0, v15;
	v17 =	vld [tilespmem:s15+$0x14800];
	v13 =	vmul.f32 v21, v13;
	(pc) =	sbr.rel @p1 .LBB2_17-.Ltmp14, $4  }
0x198: {  	v14 =	vmul.f32 v14, v15;
	v20 =	vmul.f32 v23, v15  }
0x199: {  	v23 =	vmul.f32 v16, v15;
	v21 =	vmul.f32 v15, v24  }
0x19a: {  	v16 =	vmul.f32 v19, v15;
	v20 =	vsub.f32 v18, v20;
	v18 =	vmul.f32 v25, v15  }
0x19b: {  	v19 =	vsub.f32 v22, v21;
	v21 =	vsub.f32 v27, v23;
	v22 =	vmul.f32 v26, v15  }
.Ltmp15:
0x19c: {  	_ = 	snop;
	(pc) =	sbr.rel .LBB2_18-.Ltmp15, $1  }
0x19d: {  	_ =	sdelay $0x3  }
.LBB2_22:
0x19e: {  	_ =	sfence.sel $0x180000  }
0x19f: {  	[bflag:$0x0] =	sbarrier.arrive $0xFFFF  }
0x1a0: {  	_ =	strace $0x9000004A  }
0x1a1: {  	[bflag:$0x2] =	sbarrier.arrive $0xFFFF  }
0x1a2: {  	s0 =	rddreg [dreg:$0x5]  }
0x1a3: {  	s0 =	sadd.s32 @!p0 $0x100000, s0  }
0x1a4: {  	[sflag:s0] =	ssyncadd.tile.s32 @!p0 $0x1;
	_ =	shalt  }
.Lfunc_end2:
_tile_overlayer_lowered:
.L_overlay_start_2:
0x1a5: {  	(tag) =	ssettag $0x2  }
0x1a6: {  	s0 =	rddreg [dreg:$0x0];
	s2 =	stileid.u32  }
0x1a7: {  	s1 =	rddreg [dreg:$0x1];
	p0 =	sne.s32 s2, $0x0  }
0x1a8: {  	s3 =	rddreg [dreg:$0x2];
	[bflag:$0x3] =	sbarrier.arrive $0xFFFF;
	s2 =	simm.s32 @!p0 $0x1C02  }
0x1a9: {  	[timem:s3], [sflag:s2] =	dma.local @!p0 [hbm:s0], s1  }
0x1aa: {  	s0 =	simm.s32 @!p0 $0x2  }
0x1ab: {  	_ =	swait.ge @!p0 [sflag:s0], s1  }
0x1ac: {  	s1 =	ssub.s32 @!p0 $0x0, s1;
	[sflag:s0] =	ssyncset.done @!p0 $0x0  }
0x1ad: {  	[sflag:s0] =	ssyncadd.s32 @!p0 s1  }
0x1ae: {  	[bflag:$0x3] =	sbarrier.arrive $0xFFFF  }
0x1af: {  	_ =	shalt  }

// kernel: kernel.7.cloned.1.call-start
scs
__scs_entry_jumppad:
0x0: {  	(pc) =	sbr.rel $0x88, $3  }
0x1: {  	(tag) =	ssettag $0x0;
	lr =	simm.s32 $0x1  }
0x2: {  	[smem:$0x3F9B] =	sst lr;
	_ =	strace $0xD0000000  }
0x3: {  	_ = 	snop  }
0x4: {  	_ = 	snop  }
0x5: {  	_ = 	snop  }
0x6: {  	_ = 	snop  }
0x7: {  	_ = 	snop  }
__scs_overlays_trampoline_lowered:
0x8: {  	[smem:$0x3FAA] =	sst s0  }
0x9: {  	[smem:$0x3FAB] =	sst s1  }
0xa: {  	[smem:$0x3FAC] =	sst s2  }
0xb: {  	[smem:$0x3FAD] =	sst s3  }
0xc: {  	[smem:$0x3FAE] =	sst s4  }
0xd: {  	[smem:$0x3FAF] =	sst s5  }
0xe: {  	[smem:$0x3FB0] =	sst s6  }
0xf: {  	[smem:$0x3FB1] =	sst s7  }
0x10: {  	[smem:$0x3FB2] =	sst s8  }
0x11: {  	[smem:$0x3FB3] =	sst s9;
	s0 =	simm.s32 @!p0 $0x0  }
0x12: {  	s1 =	sld [smem:$0x3F99];
	s0 =	simm.s32 @p0 $0x1  }
0x13: {  	[smem:$0x3FB4] =	sst s0;
	s0 =	simm.s32 @!p1 $0x0  }
0x14: {  	s2 =	sld [smem:$0x3F98];
	s0 =	simm.s32 @p1 $0x1  }
0x15: {  	[smem:$0x3FB5] =	sst s0;
	s0 =	simm.s32 @!p2 $0x0  }
0x16: {  	s3 =	sld [smem:$0x3FDB];
	s0 =	simm.s32 @p2 $0x1  }
0x17: {  	s4 =	simm.s32 $0x1BF5;
	[smem:$0x3FB7] =	sst s0  }
0x18: {  	s0 =	sld [smem:$0x3F9A];
	_ =	swait.ge [sflag:s4], $0x0  }
0x19: {  	s7 =	sld [smem:$0x3F9B]  }
0x1a: {  	s8 =	sadd.s32 $0xFFFFE003, lr  }
0x1b: {  	s9 =	sadd.s32 $0xFFFFFEF7, lr;
	s5 =	simm.s32 $0xFFFFFFFF;
	p2 =	slt.u32 s8, $0xFFFFF086  }
0x1c: {  	p1 =	slt.u32 s9, $0xF7A;
	s5 =	simm.s32 @!p2 $0x0  }
0x1d: {  	s5 =	simm.s32 @p1 $0x1;
	p0 =	seq.s32 s7, s2  }
0x1e: {  	s7 =	smul.u32 @!p0 $0xF7A, s2;
	p2 =	seq.s32 @!p0 s5, $0x0  }
0x1f: {  	s9 =	smul.u32 $0xF7A, s1;
	s8 =	simm.s32 @!p0 $0x1BF5;
	p2 =	por !p2, p0  }
0x20: {  	[sflag:s8] =	ssyncset.s32 @!p0 $0xFFFFF086;
	s6 =	sadd.s32 @!p0 s3, s7;
	s7 =	simm.s32 @!p0 $0x108  }
0x21: {  	s3 =	sadd.s32 s3, s9;
	s6 =	sadd.s32 @!p0 $0x88, s6;
	s7 =	simm.s32 @p2 $0x1082  }
0x22: {  	[simem:s7], [sflag:s8] =	dma.local @!p0 [hbm:s6], $0xF7A  }
0x23: {  	s9 =	sor.u32 $0xD0000000, s2;
	s6 =	simm.s32 $0x108;
	_ =	swait.ge @!p0 [sflag:s8], $0x0  }
0x24: {  	s3 =	sadd.s32 $0x88, s3;
	s6 =	simm.s32 @!p1 $0x1082;
	[sflag:s4] =	ssyncset.s32 $0xFFFFF086  }
0x25: {  	[simem:s6], [sflag:s4] =	dma.local [hbm:s3], $0xF7A  }
0x26: {  	[smem:$0x3F9B] =	sst s1;
	(tag) =	ssettag s2;
	_ =	strace s9  }
0x27: {  	s1 =	sld [smem:$0x3FAB]  }
0x28: {  	s2 =	sld [smem:$0x3FAC]  }
0x29: {  	s4 =	sld [smem:$0x3FAE]  }
0x2a: {  	p0 =	seq.s32 s5, $0x0;
	s5 =	sld [smem:$0x3FAF]  }
0x2b: {  	s6 =	sld [smem:$0x3FB0]  }
0x2c: {  	s7 =	sld [smem:$0x3FB1]  }
0x2d: {  	s3 =	simm.s32 $0x108;
	s8 =	sld [smem:$0x3FB2]  }
0x2e: {  	s3 =	simm.s32 @!p0 $0x1082;
	s9 =	sld [smem:$0x3FB3]  }
0x2f: {  	lr =	sadd.s32 s0, s3;
	s0 =	sld [smem:$0x3FAA]  }
0x30: {  	s3 =	sld [smem:$0x3FAD]  }
0x31: {  	[smem:$0x3FB6] =	sst s10  }
0x32: {  	s10 =	sld [smem:$0x3FB4];
	_ =	sdelay $0x3  }
0x33: {  	p0 =	seq.s32 s10, $0x1;
	s10 =	sld [smem:$0x3FB6];
	_ =	sdelay $0x3  }
0x34: {  	[smem:$0x3FB6] =	sst s10  }
0x35: {  	s10 =	sld [smem:$0x3FB5];
	_ =	sdelay $0x3  }
0x36: {  	p1 =	seq.s32 s10, $0x1;
	s10 =	sld [smem:$0x3FB6];
	_ =	sdelay $0x3  }
0x37: {  	[smem:$0x3FB6] =	sst s10  }
0x38: {  	s10 =	sld [smem:$0x3FB7]  }
0x39: {  	_ = 	snop;
	(pc) =	sbr.ind lr, $3  }
0x3a: {  	_ = 	snop  }
0x3b: {  	_ = 	snop  }
0x3c: {  	p2 =	seq.s32 s10, $0x1;
	s10 =	sld [smem:$0x3FB6]  }
0x3d: {  	_ =	shalt  }
0x3e: {  	_ =	shalt  }
0x3f: {  	_ =	shalt  }
0x40: {  	_ =	shalt  }
0x41: {  	_ =	shalt  }
0x42: {  	_ =	shalt  }
0x43: {  	_ =	shalt  }
0x44: {  	_ =	shalt  }
0x45: {  	_ =	shalt  }
0x46: {  	_ =	shalt  }
0x47: {  	_ =	shalt  }
0x48: {  	_ =	shalt  }
0x49: {  	_ =	shalt  }
0x4a: {  	_ =	shalt  }
0x4b: {  	_ =	shalt  }
0x4c: {  	_ =	shalt  }
0x4d: {  	_ =	shalt  }
0x4e: {  	_ =	shalt  }
0x4f: {  	_ =	shalt  }
0x50: {  	_ =	shalt  }
0x51: {  	_ =	shalt  }
0x52: {  	_ =	shalt  }
0x53: {  	_ =	shalt  }
0x54: {  	_ =	shalt  }
0x55: {  	_ =	shalt  }
0x56: {  	_ =	shalt  }
0x57: {  	_ =	shalt  }
0x58: {  	_ =	shalt  }
0x59: {  	_ =	shalt  }
0x5a: {  	_ =	shalt  }
0x5b: {  	_ =	shalt  }
0x5c: {  	_ =	shalt  }
0x5d: {  	_ =	shalt  }
0x5e: {  	_ =	shalt  }
0x5f: {  	_ =	shalt  }
0x60: {  	_ =	shalt  }
0x61: {  	_ =	shalt  }
0x62: {  	_ =	shalt  }
0x63: {  	_ =	shalt  }
0x64: {  	_ =	shalt  }
0x65: {  	_ =	shalt  }
0x66: {  	_ =	shalt  }
0x67: {  	_ =	shalt  }
0x68: {  	_ =	shalt  }
0x69: {  	_ =	shalt  }
0x6a: {  	_ =	shalt  }
0x6b: {  	_ =	shalt  }
0x6c: {  	_ =	shalt  }
0x6d: {  	_ =	shalt  }
0x6e: {  	_ =	shalt  }
0x6f: {  	_ =	shalt  }
0x70: {  	_ =	shalt  }
0x71: {  	_ =	shalt  }
0x72: {  	_ =	shalt  }
0x73: {  	_ =	shalt  }
0x74: {  	_ =	shalt  }
0x75: {  	_ =	shalt  }
0x76: {  	_ =	shalt  }
0x77: {  	_ =	shalt  }
0x78: {  	_ =	shalt  }
0x79: {  	_ =	shalt  }
0x7a: {  	_ =	shalt  }
0x7b: {  	_ =	shalt  }
0x7c: {  	_ =	shalt  }
0x7d: {  	_ =	shalt  }
0x7e: {  	_ =	shalt  }
0x7f: {  	_ =	shalt  }
0x80: {  	_ =	shalt  }
0x81: {  	_ =	shalt  }
0x82: {  	_ =	shalt  }
0x83: {  	_ =	shalt  }
0x84: {  	_ =	shalt  }
0x85: {  	_ =	shalt  }
0x86: {  	_ =	shalt  }
0x87: {  	_ =	shalt  }
.Lfunc_end0:
.L_simem_size_0:
called_computation.1_lowered:
.L_overlay_start_0:
0x88: {  	s2 =	sld [smem:$0x3FD9]  }
0x89: {  	s3 =	sld [smem:$0x3FFE];
	_ =	sdelay $0x1  }
0x8a: {  	s1 =	srdreg.scid  }
0x8b: {  	s0 =	sand.u32 $0x1, s1  }
0x8c: {  	s14 =	sshll.u32 s0, $0xA;
	s2 =	sadd.s32 s3, s2  }
0x8d: {  	s2 =	sadd.s32 s2, s14  }
0x8e: {  	[smem:$0x3FC2] =	sst s2  }
0x8f: {  	_ = 	snop  }
0x90: {  	s2 =	sld [smem:$0x3FD0];
	_ =	sdelay $0x2  }
0x91: {  	s4 =	simm.s32 $0xB;
	s5 =	simm.s32 $0x10;
	s15 =	sld [smem:$0x3FC8]  }
0x92: {  	[smem:s5], [sflag:s4] =	dma.local [hbm:s2], $0x1  }
0x93: {  	_ =	swait.eq [sflag:s4], $0x1  }
0x94: {  	[sflag:s4] =	ssyncset.done $0x0  }
0x95: {  	[sflag:s4] =	ssyncadd.s32 $0xFFFFFFFF  }
0x96: {  	s16 =	sld [smem:$0x11];
	(tm) =	ssettm $0x1  }
0x97: {  	s17 =	sld [smem:$0x3FFB];
	_ =	sdelay $0x3  }
0x98: {  	_ =	strace s17  }
0x99: {  	s4 =	sld [smem:$0x3FFC];
	_ =	sdelay $0x3  }
0x9a: {  	_ =	strace s4  }
0x9b: {  	s4 =	sld [smem:$0x3FFD];
	_ =	sdelay $0x3  }
0x9c: {  	_ =	strace s4  }
0x9d: {  	_ =	strace $0x8FFFFFFF  }
0x9e: {  	s18 =	sld [smem:$0x3FDB];
	_ =	sdelay $0x1  }
0x9f: {  	s19 =	simm.s32 $_scs_section_size  }
0xa0: {  	s6 =	simm.s32 $_size__tile_overlayer_lowered;
	s7 =	simm.s32 $_tile_overlayer_lowered  }
0xa1: {  	s22 =	simm.s32 $0x1BFF;
	s21 =	sshll.u32 s7, $0x1;
	s4 =	sadd.s32 s19, s18  }
0xa2: {  	s8 =	simm.s32 $0x0;
	s20 =	sshll.u32 s6, $0x1;
	s6 =	sadd.s32 s21, s4  }
0xa3: {  	[timem:s8], [sflag:s22] =	dma.local [hbm:s6], s20  }
0xa4: {  	_ =	swait.ge [sflag:s22], s20  }
0xa5: {  	s5 =	ssub.s32 $0x0, s20;
	[sflag:s22] =	ssyncset.done $0x0  }
0xa6: {  	[sflag:s22] =	ssyncadd.s32 s5;
	_ =	sdelay $0x1  }
0xa7: {  	s23 =	simm.s32 $0x1B8B  }
0xa8: {  	_ =	swait.ge [sflag:s23], $0x1  }
0xa9: {  	[sflag:s23] =	ssyncset.done $0x0  }
0xaa: {  	s25 =	simm.s32 $0x1B8E;
	s24 =	sld [smem:$0x3FFE];
	[sflag:s23] =	ssyncadd.s32 $0xFFFFFFFF  }
0xab: {  	s26 =	simm.s32 $execute0_lowered;
	[smem:$0x3FD2] =	sst s25  }
0xac: {  	s6 =	sshll.u32 s26, $0x1;
	_ =	strace $0x80000046;
	[dreg:$0x1] =	wrdreg $0xFFFFFFFF  }
0xad: {  	s28 =	simm.s32 $_size_execute0_lowered;
	s4 =	sadd.s32 s4, s6;
	[dreg:$0x0] =	wrdreg $0x0  }
0xae: {  	s6 =	sshll.u32 s28, $0x1;
	[dreg:$0x2] =	wrdreg s4  }
0xaf: {  	[dreg:$0x3] =	wrdreg s6  }
0xb0: {  	[dreg:$0x4] =	wrdreg $0xC0  }
0xb1: {  	_ =	task [dreg:s8], $0x5FFFF  }
0xb2: {  	[dreg:$0x1] =	wrdreg $0xFFFFFFFF  }
0xb3: {  	[dreg:$0x0] =	wrdreg $0x60  }
0xb4: {  	[dreg:$0x2] =	wrdreg s15  }
0xb5: {  	[dreg:$0x3] =	wrdreg s24  }
0xb6: {  	[dreg:$0x4] =	wrdreg s16  }
0xb7: {  	[dreg:$0x5] =	wrdreg $0x0  }
0xb8: {  	[dreg:$0x6] =	wrdreg $0xA0400  }
0xb9: {  	[dreg:$0x7] =	wrdreg $0xA  }
0xba: {  	_ =	task.clear_ibuf [dreg:s8], $0x8FFFF;
	_ =	strace $0x90000046  }
0xbb: {  	s29 =	simm.s32 $0xA;
	_ =	strace $0x80000048  }
0xbc: {  	_ =	swait.ge [sflag:s29], $0x1  }
0xbd: {  	[sflag:s29] =	ssyncadd.s32 $0xFFFFFFFF  }
0xbe: {  	_ =	strace $0x90000048  }
0xbf: {  	_ =	sfence  }
0xc0: {  	s30 =	sld [smem:$0x0];
	_ =	sdelay $0x2  }
0xc1: {  	s31 =	sshll.u32 s1, $0xD;
	s1 =	sshrl.u32 s1, $0x2  }
0xc2: {  	s3 =	sand.u32 $0x4000, s31;
	s1 =	sadd.s32 s1, s30  }
0xc3: {  	s0 =	sor.u32 s3, s0;
	s1 =	sshll.u32 s1, $0x11  }
0xc4: {  	s0 =	sor.u32 s1, s0  }
0xc5: {  	s0 =	sadd.s32 $0x8F2B, s0  }
0xc6: {  	[sflag:s0] =	ssyncadd.remote.s32 $0x1  }
0xc7: {  	_ =	sfence.sel $0xFFFF  }
0xc8: {  	[dreg:$0x0] =	wrdreg $0xFFFFFFFF;
	(pc) =	sbr.abs _section_cstart, $3  }
0xc9: {  	[dreg:$0x1] =	wrdreg $0xFFFFFFFF  }
0xca: {  	_ =	task.clear_ibuf [dreg:s8], $0x2FFFF;
	_ =	strace $0x9FFFFFFF  }
0xcb: {  	(tm) =	ssettm $0x7FFFFFFF  }
tec
execute0_lowered:
.L_overlay_start_1:
0x0: {  	(tag) =	ssettag $0x1  }
0x1: {  	s1 =	rddreg [dreg:$0x0]  }
0x2: {  	s0 =	rddreg [dreg:$0x1]  }
0x3: {  	s2 =	rddreg [dreg:$0x2]  }
0x4: {  	s3 =	rddreg [dreg:$0x3]  }
0x5: {  	s19 =	rddreg [dreg:$0x4]  }
0x6: {  	s5 =	simm.s32 $0x0;
	s6 =	stileid.u32;
	s4 =	srdreg.scid  }
0x7: {  	s28 =	simm.s32 $0xCA40;
	s29 =	simm.s32 $0xAE40;
	s30 =	simm.s32 $0x10740  }
0x8: {  	s31 =	simm.s32 $0x40;
	s14 =	simm.s32 $0x11FC0;
	[smem:$0x7FF] =	sst s5  }
0x9: {  	s8 =	smul.u32 $0xC80, s6;
	s7 =	sadd.s32 $0x2400, s0;
	s4 =	sand.u32 $0x1, s4  }
0xa: {  	s11 =	smul.u32 $0x28000, s6;
	s20 =	sadd.s32 $0x1400, s19;
	_ =	strace $0x80000047  }
0xb: {  	s9 =	ssub.s32 $0x2, s4;
	s10 =	smul.u32 $0xC350, s4;
	[dreg:$0xa] =	wrdreg s20  }
0xc: {  	[dreg:$0x6] =	wrdreg s8;
	s8 =	sshrl.u32 s8, $0x3;
	s18 =	sshrl.u32 s11, $0x2  }
0xd: {  	s15 =	sadd.s32 s8, s0;
	s0 =	sadd.s32 $0xCA400, s0;
	[dreg:$0x7] =	wrdreg s10  }
0xe: {  	s16 =	sshrl.u32 s9, $0x1;
	s21 =	sadd.s32 s18, s3;
	[dreg:$0x8] =	wrdreg s0  }
0xf: {  	s17 =	ssub.s32 s9, s16;
	s4 =	sadd.s32 $0xA00, s15;
	[dreg:$0xc] =	wrdreg s21  }
0x10: {  	s13 =	simm.s32 $0x147C0;
	s0 =	smax.u32 s17, $0x1;
	[dreg:$0x9] =	wrdreg s4  }
0x11: {  	s12 =	simm.s32 $0x0;
	s8 =	sadd.s32 $0x1400, s21;
	[dreg:$0xb] =	wrdreg s0  }
0x12: {  	p0 =	sne.s32 s6, $0x0;
	s22 =	sadd.s32 $0x2800, s21;
	[dreg:$0xd] =	wrdreg s8  }
0x13: {  	s11 =	simm.s32 $0x16FC0;
	s23 =	sadd.s32 $0x3C00, s21;
	[dreg:$0xe] =	wrdreg s22  }
0x14: {  	s10 =	sadd.s32 $0xC350, s10;
	s24 =	sadd.s32 $0x5000, s21;
	[dreg:$0xf] =	wrdreg s23  }
.Ltmp0:
0x15: {  	s25 =	sadd.s32 $0x6400, s21;
	[dreg:$0x10] =	wrdreg s24;
	(pc) =	sbr.rel .LBB2_1-.Ltmp0, $4  }
0x16: {  	s9 =	simm.s32 $0xE6C0;
	s26 =	sadd.s32 $0x7800, s21;
	[dreg:$0x11] =	wrdreg s25  }
0x17: {  	v1 =	vlaneseq.u32;
	v2 =	vimm.f32 $0.0e+00;
	s4 =	smul.u32 $0x140, s6;
	[dreg:$0x12] =	wrdreg s26;
	s0 =	sadd.s32 $0x8C00, s21  }
0x18: {  	v5 =	vimm.s32 $0x1400;
	v6 =	vimm.s32 $0x0;
	v7 =	vimm.f32 $1.000000000e+00;
	s24 =	simm.s32 $0x2;
	s23 =	simm.s32 $0xE740;
	s25 =	simm.s32 $0x1  }
0x19: {  	v3 =	vor.u32 $0x10, v1;
	v4 =	vor.u32 $0x20, v1;
	v0 =	vmov s10;
	s8 =	simm.s32 $0x3;
	[dreg:$0x13] =	wrdreg s0;
	s0 =	simm.s32 $0xE640  }
.LBB2_21:
0x1a: {  	s12 =	rddreg [dreg:$0x14]  }
0x1b: {  	s6 =	rddreg [dreg:$0xb];
	s12 =	sadd.s32 $0x1, s12  }
0x1c: {  	p1 =	sne.s32 s12, s6  }
.Ltmp1:
0x1d: {  	_ = 	snop;
	(pc) =	sbr.rel @!p1 .LBB2_22-.Ltmp1, $1  }
0x1e: {  	_ =	sdelay $0x3  }
.LBB2_1:
0x1f: {  	[dreg:$0x14] =	wrdreg s12  }
0x20: {  	s6 =	rddreg [dreg:$0x8];
	s26 =	simm.s32 $0x19BC0  }
0x21: {  	[tilespmem:s26], [sflag:$0x2] =	stream.linear.gather [hbm4b:s6+s5], $0x1, $0x38;
	[tilespmem:$0x19C40] =	vst v63  }
0x22: {  	_ =	swait.ge [sflag:s24], $0x1  }
0x23: {  	[sflag:s24] =	ssyncset.done $0x0  }
0x24: {  	[sflag:s24] =	ssyncadd.s32 $0xFFFFFFFF  }
0x25: {  	s12 =	simm.s32 $0x200;
	s6 =	simm.s32 $0x0;
	v8 =	vld [tilespmem:$0x19BC0]  }
.LBB2_2:
0x26: {  	p1 =	sne.s32 s12, $0x4E00;
	[tilespmem:s6+$0x18830] =	vst v2  }
0x27: {  	[tilespmem:s6+$0x187C0] =	vst v2  }
0x28: {  	[tilespmem:s6+$0x187D0] =	vst v2  }
.Ltmp2:
0x29: {  	[tilespmem:s6+$0x187E0] =	vst v2;
	(pc) =	sbr.rel @p1 .LBB2_2-.Ltmp2, $4  }
0x2a: {  	[tilespmem:s6+$0x187F0] =	vst v2  }
0x2b: {  	[tilespmem:s6+$0x18800] =	vst v2  }
0x2c: {  	[tilespmem:s6+$0x18810] =	vst v2  }
0x2d: {  	[tilespmem:s6+$0x18820] =	vst v2;
	s6 =	sshra.s32 s12, $0x2;
	s12 =	sadd.s32 $0x200, s12  }
0x2e: {  	[tilespmem:s6+$0x18830] =	vst v2  }
0x2f: {  	[tilespmem:s6+$0x187C0] =	vst v2  }
0x30: {  	[tilespmem:s6+$0x187D0] =	vst v2  }
0x31: {  	[tilespmem:s6+$0x187E0] =	vst v2  }
0x32: {  	[tilespmem:s6+$0x187F0] =	vst v2  }
0x33: {  	[tilespmem:s6+$0x18800] =	vst v2  }
0x34: {  	[tilespmem:s6+$0x18810] =	vst v2  }
0x35: {  	[tilespmem:s6+$0x18820] =	vst v2  }
0x36: {  	[tilespmem:$0x11F40] =	vst v1  }
0x37: {  	s16 =	simm.s32 $0x0;
	[tilespmem:$0x11F50] =	vst v3  }
.Ltmp3:
0x38: {  	s26 =	rddreg [dreg:$0x9];
	s12 =	simm.s32 $0xA1C0;
	[tilespmem:$0x11F60] =	vst v4;
	(pc) =	sbr.rel .LBB2_4-.Ltmp3, $4  }
0x39: {  	[tilespmem:s12], [sflag:$0x2] =	stream.linear.gather [hbm4b:s26+s16], $0xC80, $0x38;
	[tilespmem:$0x19C40] =	vst v63  }
0x3a: {  	_ =	swait.ge [sflag:s24], $0xC80  }
0x3b: {  	[sflag:s24] =	ssyncset.done $0x0  }
0x3c: {  	v8 =	vbroadcast v8, $0x0;
	[sflag:s24] =	ssyncadd.s32 $0xFFFFF380  }
.LBB2_20:
0x3d: {  	s16 =	sadd.s32 $0x1, s16  }
0x3e: {  	p1 =	sne.s32 s16, $0xA  }
.Ltmp4:
0x3f: {  	_ = 	snop;
	(pc) =	sbr.rel @!p1 .LBB2_21-.Ltmp4, $2  }
0x40: {  	_ =	sdelay $0x2  }
0x41: {  	s19 =	rddreg [dreg:$0x4]  }
.LBB2_4:
0x42: {  	s6 =	rddreg [dreg:$0xc];
	s12 =	simm.s32 $0x187C0  }
0x43: {  	[spmem:s6] =	stream.linear.scatter [tilespmem:s12], [sflag:$0x2], $0x1400, $0x38;
	[tilespmem:$0x19C40] =	vst v63  }
0x44: {  	_ =	swait.ge [sflag:s24], $0x1400  }
0x45: {  	[sflag:s24] =	ssyncset.done $0x0  }
0x46: {  	s22 =	rddreg [dreg:$0xd];
	[sflag:s24] =	ssyncadd.s32 $0xFFFFEC00  }
0x47: {  	[spmem:s22] =	stream.linear.scatter [tilespmem:s12], [sflag:$0x2], $0x1400, $0x38;
	[tilespmem:$0x19C40] =	vst v63  }
0x48: {  	_ =	swait.ge [sflag:s24], $0x1400  }
0x49: {  	[sflag:s24] =	ssyncset.done $0x0  }
0x4a: {  	s26 =	rddreg [dreg:$0xe];
	[sflag:s24] =	ssyncadd.s32 $0xFFFFEC00  }
0x4b: {  	[spmem:s26] =	stream.linear.scatter [tilespmem:s12], [sflag:$0x2], $0x1400, $0x38;
	[tilespmem:$0x19C40] =	vst v63  }
0x4c: {  	_ =	swait.ge [sflag:s24], $0x1400  }
0x4d: {  	[sflag:s24] =	ssyncset.done $0x0  }
0x4e: {  	s15 =	rddreg [dreg:$0xf];
	[sflag:s24] =	ssyncadd.s32 $0xFFFFEC00  }
0x4f: {  	[spmem:s15] =	stream.linear.scatter [tilespmem:s12], [sflag:$0x2], $0x1400, $0x38;
	[tilespmem:$0x19C40] =	vst v63  }
0x50: {  	_ =	swait.ge [sflag:s24], $0x1400  }
0x51: {  	[sflag:s24] =	ssyncset.done $0x0  }
0x52: {  	s17 =	rddreg [dreg:$0x10];
	[sflag:s24] =	ssyncadd.s32 $0xFFFFEC00  }
0x53: {  	[spmem:s17] =	stream.linear.scatter [tilespmem:s12], [sflag:$0x2], $0x1400, $0x38;
	[tilespmem:$0x19C40] =	vst v63  }
0x54: {  	_ =	swait.ge [sflag:s24], $0x1400  }
0x55: {  	[sflag:s24] =	ssyncset.done $0x0  }
0x56: {  	s18 =	rddreg [dreg:$0x11];
	[sflag:s24] =	ssyncadd.s32 $0xFFFFEC00  }
0x57: {  	[spmem:s18] =	stream.linear.scatter [tilespmem:s12], [sflag:$0x2], $0x1400, $0x38;
	[tilespmem:$0x19C40] =	vst v63  }
0x58: {  	_ =	swait.ge [sflag:s24], $0x1400  }
0x59: {  	[sflag:s24] =	ssyncset.done $0x0  }
0x5a: {  	s20 =	rddreg [dreg:$0x12];
	[sflag:s24] =	ssyncadd.s32 $0xFFFFEC00  }
0x5b: {  	[spmem:s20] =	stream.linear.scatter [tilespmem:s12], [sflag:$0x2], $0x1400, $0x38;
	[tilespmem:$0x19C40] =	vst v63  }
0x5c: {  	_ =	swait.ge [sflag:s24], $0x1400  }
0x5d: {  	[sflag:s24] =	ssyncset.done $0x0  }
0x5e: {  	s21 =	rddreg [dreg:$0x13];
	[sflag:s24] =	ssyncadd.s32 $0xFFFFEC00  }
0x5f: {  	[spmem:s21] =	stream.linear.scatter [tilespmem:s12], [sflag:$0x2], $0x1400, $0x38;
	[tilespmem:$0x19C40] =	vst v63  }
0x60: {  	_ =	swait.ge [sflag:s24], $0x1400  }
0x61: {  	[sflag:s24] =	ssyncset.done $0x0  }
0x62: {  	s6 =	simm.s32 @!p0 $0x187C0;
	s15 =	simm.s32 @!p0 $0x2;
	[sflag:s24] =	ssyncadd.s32 $0xFFFFEC00  }
0x63: {  	[spmem:s19] =	stream.linear.scatter @!p0 [tilespmem:s6], [sflag:$0x2], $0x1400, $0x38;
	[tilespmem:$0x19C40] =	vst v63  }
0x64: {  	_ =	swait.ge @!p0 [sflag:s15], $0x1400  }
0x65: {  	[sflag:s15] =	ssyncset.done @!p0 $0x0  }
0x66: {  	s17 =	rddreg [dreg:$0xa];
	[sflag:s15] =	ssyncadd.s32 @!p0 $0xFFFFEC00  }
0x67: {  	[spmem:s17] =	stream.linear.scatter @!p0 [tilespmem:s6], [sflag:$0x2], $0x400, $0x38;
	[tilespmem:$0x19C40] =	vst v63  }
0x68: {  	s22 =	smul.u32 $0x1400, s16;
	_ =	swait.ge @!p0 [sflag:s15], $0x400  }
0x69: {  	s6 =	simm.s32 $0x0;
	s26 =	rddreg [dreg:$0x7];
	[sflag:s15] =	ssyncset.done @!p0 $0x0  }
0x6a: {  	s12 =	sadd.s32 s26, s22;
	[sflag:s15] =	ssyncadd.s32 @!p0 $0xFFFFFC00;
	s15 =	simm.s32 $0x200  }
.LBB2_5:
0x6b: {  	p1 =	sne.s32 s15, $0x5E00;
	[tilespmem:s6+$0x107B0] =	vst v2  }
0x6c: {  	[tilespmem:s6+$0x10740] =	vst v2  }
0x6d: {  	[tilespmem:s6+$0x10750] =	vst v2  }
.Ltmp5:
0x6e: {  	[tilespmem:s6+$0x10760] =	vst v2;
	(pc) =	sbr.rel @p1 .LBB2_5-.Ltmp5, $4  }
0x6f: {  	[tilespmem:s6+$0x10770] =	vst v2  }
0x70: {  	[tilespmem:s6+$0x10780] =	vst v2  }
0x71: {  	[tilespmem:s6+$0x10790] =	vst v2  }
0x72: {  	[tilespmem:s6+$0x107A0] =	vst v2;
	s6 =	sshra.s32 s15, $0x2;
	s15 =	sadd.s32 $0x200, s15  }
0x73: {  	[tilespmem:s6+$0x107B0] =	vst v2  }
0x74: {  	[tilespmem:s6+$0x10740] =	vst v2  }
0x75: {  	[tilespmem:s6+$0x10750] =	vst v2  }
0x76: {  	[tilespmem:s6+$0x10760] =	vst v2  }
0x77: {  	[tilespmem:s6+$0x10770] =	vst v2  }
0x78: {  	[tilespmem:s6+$0x10780] =	vst v2  }
0x79: {  	[tilespmem:s6+$0x10790] =	vst v2  }
0x7a: {  	[tilespmem:s6+$0x107A0] =	vst v2;
	s6 =	simm.s32 $0x0;
	s15 =	simm.s32 $0x200  }
.LBB2_7:
0x7b: {  	p1 =	sne.s32 s15, $0x6400;
	[tilespmem:s6+$0xAE70] =	vst v6  }
0x7c: {  	[tilespmem:s6+$0xCA40] =	vst v5  }
0x7d: {  	[tilespmem:s6+$0xAE40] =	vst v6  }
.Ltmp6:
0x7e: {  	[tilespmem:s6+$0xCA50] =	vst v5;
	(pc) =	sbr.rel @p1 .LBB2_7-.Ltmp6, $4  }
0x7f: {  	[tilespmem:s6+$0xAE50] =	vst v6  }
0x80: {  	[tilespmem:s6+$0xCA60] =	vst v5  }
0x81: {  	[tilespmem:s6+$0xAE60] =	vst v6  }
0x82: {  	[tilespmem:s6+$0xCA70] =	vst v5;
	s6 =	sshra.s32 s15, $0x2;
	s15 =	sadd.s32 $0x200, s15  }
0x83: {  	[tilespmem:s6+$0xAE70] =	vst v6  }
0x84: {  	[tilespmem:s6+$0xCA40] =	vst v5  }
0x85: {  	[tilespmem:s6+$0xAE40] =	vst v6  }
0x86: {  	[tilespmem:s6+$0xCA50] =	vst v5  }
0x87: {  	[tilespmem:s6+$0xAE50] =	vst v6  }
0x88: {  	[tilespmem:s6+$0xCA60] =	vst v5  }
0x89: {  	[tilespmem:s6+$0xAE60] =	vst v6  }
0x8a: {  	[tilespmem:s6+$0xCA70] =	vst v5  }
0x8b: {  	s26 =	simm.s32 $0x0;
	[bflag:$0x0] =	sbarrier.arrive $0xFFFF  }
0x8c: {  	v10 =	vld [tilespmem:s26+$0xA1C0];
	_ =	sdelay $0x3  }
0x8d: {  	v9 =	vmov s12  }
0x8e: {  	v11 =	vsub.s32 v10, v9  }
0x8f: {  	vm1 =	vlt.s32 v10, v0;
	vm0 =	vlt.u32 v11, $0x1400  }
0x90: {  	vm0 =	vmand vm1, vm0  }
0x91: {  	v10 =	vsel vm0, $0x1, v6  }
0x92: {  	(xrf0) =	vadd.scan.msk.s32 $0xffff, v10;
	_ =	sdelay $0x1  }
0x93: {  	s6 =	simm.s32 $0x0  }
0x94: {  	v10 =	vmov s6  }
0x95: {  	v10 =	vadd.s32 $0xFFFFFFFF, v10  }
0x96: {  	v10 =	vbroadcast v10, $0x0  }
0x97: {  	v12, _, _ =	vpop (xrf0)  }
0x98: {  	v10 =	vadd.s32 v12, v10;
	(v2sf) =	vpush v12, $0xF  }
0x99: {  	v10 =	vnsel vm0, $0xCBF, v10  }
0x9a: {  	v13 =	vshll.u32 v10, $0x1  }
0x9b: {  	v10 =	vand.u32 $0x3F, v10;
	v13 =	vand.u32 $0xFFFFFF80, v13  }
0x9c: {  	v10 =	vor.u32 v10, v13;
	_ =	sdelay $0x3  }
0x9d: {  	s15 =	rddreg [dreg:$0x6]  }
0x9e: {  	[tilespmem:v10+s28+$0x0] =	vst.idx.msk $0xffff, v11;
	v11 =	vor.u32 s15, v1  }
0x9f: {  	s18 =	simm.s32 $0x10;
	s17 =	simm.s32 $0x80;
	[tilespmem:v10+s29+$0x0] =	vst.idx.msk $0xffff, v11  }
.LBB2_9:
0xa0: {  	p1 =	sne.s32 s17, $0x31C0;
	v10 =	vld [tilespmem:s18+$0xA1C0];
	_ =	sdelay $0x3  }
0xa1: {  	s18 =	spop (v2sf)  }
0xa2: {  	v11 =	vsub.s32 v10, v9;
	s6 =	sadd.s32 s6, s18  }
0xa3: {  	vm1 =	vlt.s32 v10, v0;
	vm0 =	vlt.u32 v11, $0x1400;
	v10 =	vmov s6  }
0xa4: {  	vm0 =	vmand vm1, vm0;
	v10 =	vadd.s32 $0xFFFFFFFF, v10  }
0xa5: {  	v12 =	vsel vm0, $0x1, v6;
	v10 =	vbroadcast v10, $0x0  }
0xa6: {  	(xrf0) =	vadd.scan.msk.s32 $0xffff, v12;
	_ =	sdelay $0x5  }
0xa7: {  	v12, _, _ =	vpop (xrf0)  }
0xa8: {  	v10 =	vadd.s32 v12, v10;
	(v2sf) =	vpush v12, $0xF  }
0xa9: {  	v10 =	vnsel vm0, $0xCBF, v10  }
0xaa: {  	v12 =	vand.u32 $0x3F, v10;
	v10 =	vshll.u32 v10, $0x1  }
0xab: {  	v10 =	vand.u32 $0xFFFFFF80, v10  }
0xac: {  	v10 =	vor.u32 v12, v10;
	_ =	sdelay $0x1  }
.Ltmp7:
0xad: {  	(pc) =	sbr.rel @p1 .LBB2_9-.Ltmp7, $4  }
0xae: {  	_ = 	snop  }
0xaf: {  	s15 =	sadd.s32 $0x10, s15  }
0xb0: {  	[tilespmem:v10+s28+$0x0] =	vst.idx.msk $0xffff, v11;
	v11 =	vor.u32 s15, v1  }
0xb1: {  	s18 =	sshra.s32 s17, $0x2;
	s17 =	sadd.s32 $0x40, s17;
	[tilespmem:v10+s29+$0x0] =	vst.idx.msk $0xffff, v11  }
0xb2: {  	v10 =	vld [tilespmem:s18+$0xA1C0];
	_ =	sdelay $0x4  }
0xb3: {  	v9 =	vsub.s32 v10, v9  }
0xb4: {  	vm1 =	vlt.s32 v10, v0;
	vm0 =	vlt.u32 v9, $0x1400  }
0xb5: {  	vm0 =	vmand vm1, vm0  }
0xb6: {  	v10 =	vsel vm0, $0x1, v6  }
0xb7: {  	(xrf0) =	vadd.scan.msk.s32 $0xffff, v10;
	_ =	sdelay $0x5  }
0xb8: {  	v10, _, _ =	vpop (xrf0)  }
0xb9: {  	(v2sf) =	vpush v10, $0xF;
	_ =	sdelay $0x7  }
0xba: {  	s17 =	spop (v2sf)  }
0xbb: {  	s6 =	sadd.s32 s6, s17  }
0xbc: {  	v11 =	vmov s6  }
0xbd: {  	v11 =	vadd.s32 $0xFFFFFFFF, v11  }
0xbe: {  	v11 =	vbroadcast v11, $0x0;
	_ =	sdelay $0x1  }
0xbf: {  	v10 =	vadd.s32 v10, v11  }
0xc0: {  	v10 =	vnsel vm0, $0xCBF, v10;
	s26 =	spop (v2sf)  }
0xc1: {  	v11 =	vshll.u32 v10, $0x1;
	s6 =	sadd.s32 s6, s26  }
0xc2: {  	v10 =	vand.u32 $0x3F, v10;
	v11 =	vand.u32 $0xFFFFFF80, v11;
	s6 =	sadd.s32 $0x3F, s6  }
0xc3: {  	v10 =	vor.u32 v10, v11;
	s17 =	sshra.s32 s6, $0x6  }
0xc4: {  	p1 =	slt.s32 s17, $0x1  }
.Ltmp8:
0xc5: {  	_ = 	snop;
	(pc) =	sbr.rel @p1 .LBB2_14-.Ltmp8, $4  }
0xc6: {  	_ = 	snop  }
0xc7: {  	s15 =	sadd.s32 $0x10, s15  }
0xc8: {  	[tilespmem:v10+s28+$0x0] =	vst.idx.msk $0xffff, v9;
	v9 =	vor.u32 s15, v1  }
0xc9: {  	[tilespmem:v10+s29+$0x0] =	vst.idx.msk $0xffff, v9  }
0xca: {  	s6 =	simm.s32 $0xCA60  }
0xcb: {  	v9 =	vld [tilespmem:s6+$0xFFFFFFE0]  }
0xcc: {  	s15 =	simm.s32 $0xAE60  }
0xcd: {  	v10 =	vld [tilespmem:s15+$0xFFFFFFE0];
	_ =	sdelay $0x3  }
0xce: {  	[tilespmem:$0xE6C0] =	vst v9  }
0xcf: {  	[tilespmem:$0xE640] =	vst v10  }
0xd0: {  	[tilespmem:v9+s30+$0x0] =	vst.idx.add.f32.msk $0xffff, v7  }
0xd1: {  	v9 =	vld [tilespmem:s6+$0xFFFFFFF0];
	_ =	sdelay $0x1  }
0xd2: {  	v10 =	vld [tilespmem:s15+$0xFFFFFFF0];
	_ =	sdelay $0x3  }
0xd3: {  	[tilespmem:$0xE6D0] =	vst v9  }
0xd4: {  	[tilespmem:$0xE650] =	vst v10  }
0xd5: {  	[tilespmem:v9+s30+$0x0] =	vst.idx.add.f32.msk $0xffff, v7  }
0xd6: {  	v9 =	vld [tilespmem:s6+$0x0];
	_ =	sdelay $0x1  }
0xd7: {  	v10 =	vld [tilespmem:s15+$0x0];
	_ =	sdelay $0x3  }
0xd8: {  	[tilespmem:$0xE6E0] =	vst v9  }
0xd9: {  	[tilespmem:$0xE660] =	vst v10  }
0xda: {  	[tilespmem:v9+s30+$0x0] =	vst.idx.add.f32.msk $0xffff, v7  }
0xdb: {  	v9 =	vld [tilespmem:s6+$0x10];
	_ =	sdelay $0x1  }
0xdc: {  	v10 =	vld [tilespmem:s15+$0x10];
	_ =	sdelay $0x3  }
0xdd: {  	[tilespmem:$0xE6F0] =	vst v9  }
0xde: {  	[tilespmem:$0xE670] =	vst v10  }
0xdf: {  	[tilespmem:v9+s30+$0x0] =	vst.idx.add.f32.msk $0xffff, v7  }
0xe0: {  	[tilespmem:s23], [sflag:$0x1] =	stream.indirect.gather [hbm4b:s7+s31], $0x80, s0, s31, $0xb8;
	[tilespmem:$0x19C40] =	vst v63  }
0xe1: {  	p1 =	sne.s32 s17, $0x1;
	_ =	swait.ge [sflag:s25], $0x2000  }
.Ltmp9:
0xe2: {  	[sflag:s25] =	ssyncset.done $0x0;
	(pc) =	sbr.rel @!p1 .LBB2_13-.Ltmp9, $4  }
0xe3: {  	[sflag:s25] =	ssyncadd.s32 $0xFFFFE000  }
0xe4: {  	[spmem:s3] =	stream.indirect.scatter.add.f32 [tilespmem:s23], [sflag:$0x2], $0x80, s9, s31, $0xb8;
	[tilespmem:$0x19C40] =	vst v63  }
0xe5: {  	_ =	swait.ge [sflag:s24], $0x2000  }
0xe6: {  	s17 =	sadd.s32 $0xFFFFFFFF, s17;
	[sflag:s24] =	ssyncset.done $0x0  }
.LBB2_12:
0xe7: {  	[sflag:s24] =	ssyncadd.s32 $0xFFFFE000;
	s6 =	sadd.s32 $0x80, s6;
	s15 =	sadd.s32 $0x80, s15  }
0xe8: {  	p1 =	sne.s32 s17, $0x1;
	s17 =	sadd.s32 $0xFFFFFFFF, s17;
	v9 =	vld [tilespmem:s6+$0xFFFFFFE0];
	_ =	sdelay $0x1  }
0xe9: {  	v10 =	vld [tilespmem:s15+$0xFFFFFFE0];
	_ =	sdelay $0x3  }
0xea: {  	[tilespmem:$0xE6C0] =	vst v9  }
0xeb: {  	[tilespmem:$0xE640] =	vst v10  }
0xec: {  	[tilespmem:v9+s30+$0x0] =	vst.idx.add.f32.msk $0xffff, v7  }
0xed: {  	v9 =	vld [tilespmem:s6+$0xFFFFFFF0];
	_ =	sdelay $0x1  }
0xee: {  	v10 =	vld [tilespmem:s15+$0xFFFFFFF0];
	_ =	sdelay $0x3  }
0xef: {  	[tilespmem:$0xE6D0] =	vst v9  }
0xf0: {  	[tilespmem:$0xE650] =	vst v10  }
0xf1: {  	[tilespmem:v9+s30+$0x0] =	vst.idx.add.f32.msk $0xffff, v7  }
0xf2: {  	v9 =	vld [tilespmem:s6+$0x0]  }
0xf3: {  	v10 =	vld [tilespmem:s15+$0x0];
	_ =	sdelay $0x3  }
0xf4: {  	[tilespmem:$0xE6E0] =	vst v9  }
0xf5: {  	[tilespmem:$0xE660] =	vst v10;
	_ =	sdelay $0x1  }
0xf6: {  	[tilespmem:v9+s30+$0x0] =	vst.idx.add.f32.msk $0xffff, v7  }
0xf7: {  	v9 =	vld [tilespmem:s6+$0x10]  }
0xf8: {  	v10 =	vld [tilespmem:s15+$0x10];
	_ =	sdelay $0x3  }
0xf9: {  	[tilespmem:$0xE6F0] =	vst v9  }
0xfa: {  	[tilespmem:$0xE670] =	vst v10;
	_ =	sdelay $0x1  }
0xfb: {  	[tilespmem:v9+s30+$0x0] =	vst.idx.add.f32.msk $0xffff, v7  }
0xfc: {  	[tilespmem:s23], [sflag:$0x1] =	stream.indirect.gather [hbm4b:s7+s31], $0x80, s0, s31, $0xb8;
	[tilespmem:$0x19C40] =	vst v63  }
0xfd: {  	_ =	swait.ge [sflag:s25], $0x2000  }
.Ltmp10:
0xfe: {  	[sflag:s25] =	ssyncset.done $0x0;
	(pc) =	sbr.rel @p1 .LBB2_12-.Ltmp10, $4  }
0xff: {  	[sflag:s25] =	ssyncadd.s32 $0xFFFFE000  }
0x100: {  	[spmem:s3] =	stream.indirect.scatter.add.f32 [tilespmem:s23], [sflag:$0x2], $0x80, s9, s31, $0xb8;
	[tilespmem:$0x19C40] =	vst v63  }
0x101: {  	_ =	swait.ge [sflag:s24], $0x2000  }
0x102: {  	[sflag:s24] =	ssyncset.done $0x0  }
.LBB2_13:
0x103: {  	[sflag:s24] =	ssyncadd.s32 $0xFFFFE000  }
.LBB2_14:
0x104: {  	s6 =	simm.s32 $0x30;
	s15 =	simm.s32 $0x11F40  }
0x105: {  	[spmem:s19] =	stream.indirect.scatter.add.f32 [tilespmem:s30], [sflag:$0x2], $0x80, s15, s6, $0xb8;
	[tilespmem:$0x19C40] =	vst v63  }
0x106: {  	_ =	swait.ge [sflag:s24], $0x1800  }
0x107: {  	[sflag:s24] =	ssyncset.done $0x0  }
0x108: {  	[sflag:s24] =	ssyncadd.s32 $0xFFFFE800  }
.Ltmp11:
0x109: {  	[bflag:$0x0] =	sbarrier.arrive $0xFFFF;
	(pc) =	sbr.rel .LBB2_15-.Ltmp11, $4  }
0x10a: {  	[tilespmem:s11], [sflag:$0x2] =	stream.linear.gather [spmem:s19], $0x1800, $0x38;
	[tilespmem:$0x19C40] =	vst v63  }
0x10b: {  	_ =	swait.ge [sflag:s24], $0x1800  }
0x10c: {  	s17 =	sadd.s32 s4, s12;
	[sflag:s24] =	ssyncset.done $0x0  }
0x10d: {  	s18 =	simm.s32 $0x0;
	s19 =	smov.u32 s4;
	[sflag:s24] =	ssyncadd.s32 $0xFFFFE800  }
.LBB2_18:
0x10e: {  	[tilespmem:s15+$0x11FF0] =	vst v20  }
0x10f: {  	v15 =	vmul.f32 v17, v15;
	[tilespmem:s15+$0x11FE0] =	vst v21;
	v9 =	vsub.f32 v9, v22  }
0x110: {  	[tilespmem:s15+$0x11FC0] =	vst v19;
	v13 =	vsub.f32 v13, v18  }
0x111: {  	v10 =	vsub.f32 v10, v15;
	[tilespmem:s15+$0x12010] =	vst v9;
	v9 =	vmov s21  }
0x112: {  	v11 =	vsub.f32 v11, v16;
	[tilespmem:s15+$0x12020] =	vst v13  }
0x113: {  	[tilespmem:s15+$0x12000] =	vst v10;
	v10 =	vsub.f32 v12, v14  }
0x114: {  	[tilespmem:s15+$0x12030] =	vst v11  }
0x115: {  	[tilespmem:s15+$0x11FD0] =	vst v10  }
0x116: {  	v9 =	vld.idx.msk [tilespmem:v9+s11+$0x0], $0xffff;
	_ =	sdelay $0x4  }
0x117: {  	v10 =	vmax.f32 v9, $1.000000000e+00  }
0x118: {  	v46 =	vld [tilespmem:s15+$0x148A0];
	(erf) = vrcp.f32 v10  }
0x119: {  	v47 =	vld [tilespmem:s15+$0x14880]  }
0x11a: {  	v48 =	vld [tilespmem:s15+$0x120A0]  }
0x11b: {  	v49 =	vld [tilespmem:s15+$0x14840]  }
0x11c: {  	v50 =	vld [tilespmem:s15+$0x12050]  }
0x11d: {  	v51 =	vld [tilespmem:s15+$0x14860]  }
0x11e: {  	v52 =	vld [tilespmem:s15+$0x12080]  }
0x11f: {  	v54 =	vld [tilespmem:s15+$0x12060]  }
0x120: {  	v55 =	vld [tilespmem:s15+$0x120B0]  }
0x121: {  	v23 =	vld [tilespmem:s15+$0x12040];
	v53 =	vpop (erf)  }
0x122: {  	v11 =	vld [tilespmem:s15+$0x148B0];
	v19 =	vmul.f32 v53, v8  }
0x123: {  	vm0 =	vgt.f32 v9, $0.0e+00;
	v9 =	vld [tilespmem:s15+$0x14850]  }
0x124: {  	v24 =	vld [tilespmem:s15+$0x14890];
	v56 =	vsel vm0, $0x3F7FF972, v7;
	v19 =	vnsel vm0, $0x0, v19  }
0x125: {  	v25 =	vld [tilespmem:s15+$0x12090];
	v18 =	vmul.f32 v52, v56;
	v13 =	vmul.f32 v47, v19  }
0x126: {  	v26 =	vld [tilespmem:s15+$0x12070];
	v20 =	vmul.f32 v54, v56;
	v17 =	vmul.f32 v51, v19  }
0x127: {  	v10 =	vld [tilespmem:s15+$0x14870];
	v57 =	vmul.f32 v55, v56;
	v11 =	vmul.f32 v11, v19;
	v13 =	vsub.f32 v18, v13  }
0x128: {  	v16 =	vmul.f32 v50, v56;
	v9 =	vmul.f32 v9, v19;
	v17 =	vsub.f32 v20, v17  }
0x129: {  	v58 =	vmul.f32 v56, v23;
	v15 =	vmul.f32 v19, v49;
	v11 =	vsub.f32 v57, v11;
	[tilespmem:s15+$0x12080] =	vst v13  }
0x12a: {  	v61 =	vmul.f32 v25, v56;
	v62 =	vmul.f32 v24, v19;
	v9 =	vsub.f32 v16, v9;
	[tilespmem:s15+$0x12060] =	vst v17  }
0x12b: {  	v59 =	vmul.f32 v48, v56;
	v12 =	vmul.f32 v46, v19;
	v60 =	vsub.f32 v58, v15;
	[tilespmem:s15+$0x120B0] =	vst v11  }
0x12c: {  	v10 =	vmul.f32 v10, v19;
	v63 =	vsub.f32 v61, v62;
	[tilespmem:s15+$0x12050] =	vst v9;
	v9 =	vmul.f32 v26, v56  }
0x12d: {  	v11 =	vsub.f32 v59, v12;
	[tilespmem:s15+$0x12040] =	vst v60  }
0x12e: {  	[tilespmem:s15+$0x12090] =	vst v63;
	v9 =	vsub.f32 v9, v10  }
0x12f: {  	[tilespmem:s15+$0x120A0] =	vst v11  }
0x130: {  	s6 =	sadd.s32 s2, s20;
	[tilespmem:s15+$0x12070] =	vst v9  }
0x131: {  	[hbm4b:s6+s5] =	stream.linear.scatter [tilespmem:s14], [sflag:$0x2], $0x2800, $0x38;
	[tilespmem:$0x19C40] =	vst v63  }
0x132: {  	_ =	swait.ge [sflag:s24], $0x2800  }
0x133: {  	[sflag:s24] =	ssyncset.done $0x0  }
0x134: {  	[sflag:s24] =	ssyncadd.s32 $0xFFFFD800  }
.LBB2_19:
0x135: {  	s18 =	sadd.s32 $0x1, s18  }
0x136: {  	p1 =	sne.s32 s18, $0x4  }
.Ltmp12:
0x137: {  	_ = 	snop;
	(pc) =	sbr.rel @!p1 .LBB2_20-.Ltmp12, $2  }
0x138: {  	_ =	sdelay $0x2  }
0x139: {  	s19 =	sadd.s32 $0x50, s19  }
.LBB2_15:
0x13a: {  	s6 =	smul.u32 $0x50, s18;
	_ =	sdelay $0x1  }
0x13b: {  	s12 =	sadd.s32 s6, s17  }
0x13c: {  	p1 =	sge.u32 s12, s10  }
.Ltmp13:
0x13d: {  	_ = 	snop;
	(pc) =	sbr.rel @p1 .LBB2_19-.Ltmp13, $1  }
0x13e: {  	_ =	sdelay $0x3  }
0x13f: {  	s20 =	sshll.u32 s12, $0x4  }
0x140: {  	s6 =	sadd.s32 s4, s6;
	s15 =	simm.s32 $0x0;
	s12 =	sadd.s32 s1, s20  }
0x141: {  	[tilespmem:s14], [sflag:$0x3] =	stream.linear.gather [hbm4b:s12+s15], $0x2800, $0x38;
	[tilespmem:$0x19C40] =	vst v63  }
0x142: {  	s6 =	sshll.u32 s6, $0x7;
	_ =	swait.ge [sflag:s8], $0x2800  }
0x143: {  	s26 =	sand.u32 $0xFFFFFFFE, s19;
	s6 =	sand.u32 $0x3FFFFF80, s6;
	[sflag:s8] =	ssyncset.done $0x0  }
0x144: {  	v9 =	vmov s26;
	s6 =	sadd.s32 s6, s3;
	[sflag:s8] =	ssyncadd.s32 $0xFFFFD800  }
0x145: {  	[tilespmem:s13], [sflag:$0x3] =	stream.linear.gather [spmem:s6], $0x2800, $0x38;
	[tilespmem:$0x19C40] =	vst v63  }
0x146: {  	_ =	swait.ge [sflag:s8], $0x2800  }
0x147: {  	[sflag:s8] =	ssyncset.done $0x0  }
0x148: {  	[sflag:s8] =	ssyncadd.s32 $0xFFFFD800  }
0x149: {  	v9 =	vld.idx.msk [tilespmem:v9+s11+$0x0], $0xffff;
	_ =	sdelay $0x3  }
0x14a: {  	s15 =	simm.s32 $0x0  }
0x14b: {  	v10 =	vld [tilespmem:s15+$0x12010];
	v12 =	vmax.f32 v9, $1.000000000e+00  }
0x14c: {  	v11 =	vld [tilespmem:s15+$0x11FF0];
	(erf) = vrcp.f32 v12  }
0x14d: {  	v14 =	vld [tilespmem:s15+$0x147D0]  }
0x14e: {  	v16 =	vld [tilespmem:s15+$0x147E0]  }
0x14f: {  	v13 =	vld [tilespmem:s15+$0x11FD0]  }
0x150: {  	v12 =	vld [tilespmem:s15+$0x12000]  }
0x151: {  	v15 =	vld [tilespmem:s15+$0x11FC0]  }
0x152: {  	v17 =	vld [tilespmem:s15+$0x12030];
	vm0 =	vgt.f32 v9, $0.0e+00  }
0x153: {  	v19 =	vld [tilespmem:s15+$0x14830];
	v20 =	vsel vm0, $0x3F7FF972, v7  }
0x154: {  	v22 =	vld [tilespmem:s15+$0x147F0];
	v9 =	vmul.f32 v10, v20  }
0x155: {  	v18 =	vld [tilespmem:s15+$0x11FE0];
	v23 =	vmul.f32 v11, v20;
	v10 =	vmul.f32 v12, v20;
	v11 =	vpop (erf)  }
0x156: {  	v21 =	vld [tilespmem:s15+$0x12020];
	v12 =	vmul.f32 v13, v20;
	v13 =	vmul.f32 v11, v8  }
0x157: {  	v24 =	vld [tilespmem:s15+$0x147C0]  }
0x158: {  	v25 =	vld [tilespmem:s15+$0x14820];
	v26 =	vmul.f32 v20, v15;
	v15 =	vnsel vm0, $0x0, v13  }
0x159: {  	v27 =	vld [tilespmem:s15+$0x14810];
	v11 =	vmul.f32 v17, v20;
	v17 =	vmul.f32 v22, v15  }
0x15a: {  	v28 =	vmul.f32 v18, v20  }
0x15b: {  	v13 =	vmul.f32 v21, v20;
	v14 =	vmul.f32 v14, v15;
	v20 =	vsub.f32 v23, v17;
	v17 =	vld [tilespmem:s15+$0x14800]  }
0x15c: {  	v21 =	vmul.f32 v15, v24;
	v22 =	vmul.f32 v16, v15  }
0x15d: {  	v18 =	vmul.f32 v25, v15;
	v16 =	vmul.f32 v19, v15  }
0x15e: {  	s22 =	simm.s32 $0x400;
	s21 =	sadd.s32 $0x1, s19;
	s12 =	smov.u32 s19;
	v19 =	vsub.f32 v26, v21;
	v21 =	vsub.f32 v28, v22;
	v22 =	vmul.f32 v27, v15  }
.LBB2_17:
0x15f: {  	p1 =	sne.s32 s22, $0x9C00  }
0x160: {  	v12 =	vsub.f32 v12, v14;
	[tilespmem:s15+$0x11FF0] =	vst v20;
	v14 =	vmul.f32 v17, v15;
	v13 =	vsub.f32 v13, v18;
	s12 =	sadd.s32 $0x2, s12;
	s6 =	smov.u32 s22;
	s22 =	sadd.s32 $0x400, s22  }
0x161: {  	v9 =	vsub.f32 v9, v22;
	s26 =	sadd.s32 $0x1, s12;
	[tilespmem:s15+$0x11FE0] =	vst v21  }
0x162: {  	v11 =	vsub.f32 v11, v16;
	[tilespmem:s15+$0x11FC0] =	vst v19;
	v10 =	vsub.f32 v10, v14  }
0x163: {  	[tilespmem:s15+$0x12010] =	vst v9;
	v9 =	vmov s21;
	s21 =	smov.u32 s26  }
0x164: {  	[tilespmem:s15+$0x12000] =	vst v10  }
0x165: {  	[tilespmem:s15+$0x12020] =	vst v13  }
0x166: {  	[tilespmem:s15+$0x12030] =	vst v11  }
0x167: {  	[tilespmem:s15+$0x11FD0] =	vst v12  }
0x168: {  	v9 =	vld.idx.msk [tilespmem:v9+s11+$0x0], $0xffff;
	_ =	sdelay $0x2  }
0x169: {  	s26 =	sand.u32 $0xFFFFFFFE, s12  }
0x16a: {  	v10 =	vmov s26;
	_ =	sdelay $0x1  }
0x16b: {  	v11 =	vmax.f32 v9, $1.000000000e+00  }
0x16c: {  	(erf) = vrcp.f32 v11;
	_ =	sdelay $0x1  }
0x16d: {  	v11 =	vld [tilespmem:s15+$0x14870]  }
0x16e: {  	v12 =	vld [tilespmem:s15+$0x148B0]  }
0x16f: {  	v13 =	vld [tilespmem:s15+$0x148A0]  }
0x170: {  	v14 =	vld [tilespmem:s15+$0x14880]  }
0x171: {  	v15 =	vld [tilespmem:s15+$0x120A0]  }
0x172: {  	v16 =	vld [tilespmem:s15+$0x14840]  }
0x173: {  	v17 =	vld [tilespmem:s15+$0x12050]  }
0x174: {  	v18 =	vld [tilespmem:s15+$0x14860];
	v19 =	vpop (erf)  }
0x175: {  	v19 =	vmul.f32 v19, v8;
	v20 =	vld [tilespmem:s15+$0x12080]  }
0x176: {  	vm0 =	vgt.f32 v9, $0.0e+00;
	v9 =	vld [tilespmem:s15+$0x12060]  }
0x177: {  	v21 =	vsel vm0, $0x3F7FF972, v7;
	v19 =	vnsel vm0, $0x0, v19;
	v22 =	vld [tilespmem:s15+$0x120B0]  }
0x178: {  	v16 =	vmul.f32 v19, v16;
	v23 =	vld [tilespmem:s15+$0x14850];
	v17 =	vmul.f32 v17, v21  }
0x179: {  	v15 =	vmul.f32 v15, v21;
	v24 =	vld [tilespmem:s15+$0x12040];
	v18 =	vmul.f32 v18, v19  }
0x17a: {  	v14 =	vmul.f32 v14, v19;
	v20 =	vmul.f32 v20, v21;
	v25 =	vld [tilespmem:s15+$0x14890]  }
0x17b: {  	v13 =	vmul.f32 v13, v19;
	v9 =	vmul.f32 v9, v21;
	v26 =	vld [tilespmem:s15+$0x12090]  }
0x17c: {  	v12 =	vmul.f32 v12, v19;
	v27 =	vld [tilespmem:s15+$0x12070];
	v14 =	vsub.f32 v20, v14;
	v20 =	vmul.f32 v22, v21  }
0x17d: {  	v13 =	vsub.f32 v15, v13;
	v22 =	vmul.f32 v23, v19;
	v9 =	vsub.f32 v9, v18  }
0x17e: {  	v15 =	vmul.f32 v21, v24;
	[tilespmem:s15+$0x12080] =	vst v14;
	v12 =	vsub.f32 v20, v12  }
0x17f: {  	v14 =	vsub.f32 v17, v22;
	[tilespmem:s15+$0x12060] =	vst v9  }
0x180: {  	v9 =	vsub.f32 v15, v16;
	v15 =	vmul.f32 v26, v21;
	v16 =	vmul.f32 v25, v19;
	[tilespmem:s15+$0x120B0] =	vst v12  }
0x181: {  	v11 =	vmul.f32 v11, v19;
	[tilespmem:s15+$0x12050] =	vst v14;
	v12 =	vmul.f32 v27, v21  }
0x182: {  	[tilespmem:s15+$0x12040] =	vst v9;
	v9 =	vsub.f32 v15, v16  }
0x183: {  	v11 =	vsub.f32 v12, v11;
	[tilespmem:s15+$0x120A0] =	vst v13  }
0x184: {  	[tilespmem:s15+$0x12090] =	vst v9  }
0x185: {  	[tilespmem:s15+$0x12070] =	vst v11  }
0x186: {  	v9 =	vld.idx.msk [tilespmem:v10+s11+$0x0], $0xffff;
	_ =	sdelay $0x1  }
0x187: {  	s15 =	sshra.s32 s6, $0x2  }
0x188: {  	v10 =	vld [tilespmem:s15+$0x12010]  }
0x189: {  	v11 =	vld [tilespmem:s15+$0x11FF0];
	_ =	sdelay $0x1  }
0x18a: {  	vm0 =	vgt.f32 v9, $0.0e+00;
	v9 =	vmax.f32 v9, $1.000000000e+00;
	v14 =	vld [tilespmem:s15+$0x147D0]  }
0x18b: {  	v13 =	vsel vm0, $0x3F7FF972, v7;
	v16 =	vld [tilespmem:s15+$0x147E0];
	(erf) = vrcp.f32 v9  }
0x18c: {  	v12 =	vld [tilespmem:s15+$0x12000];
	v9 =	vmul.f32 v10, v13  }
0x18d: {  	v15 =	vld [tilespmem:s15+$0x11FD0];
	v18 =	vmul.f32 v11, v13  }
0x18e: {  	v11 =	vld [tilespmem:s15+$0x11FC0]  }
0x18f: {  	v17 =	vld [tilespmem:s15+$0x12030]  }
0x190: {  	v19 =	vld [tilespmem:s15+$0x14830]  }
0x191: {  	v20 =	vld [tilespmem:s15+$0x11FE0];
	v10 =	vmul.f32 v12, v13  }
0x192: {  	v12 =	vmul.f32 v15, v13;
	v21 =	vld [tilespmem:s15+$0x12020]  }
0x193: {  	v22 =	vmul.f32 v13, v11;
	v23 =	vld [tilespmem:s15+$0x147F0]  }
0x194: {  	v24 =	vld [tilespmem:s15+$0x147C0];
	v11 =	vmul.f32 v17, v13;
	v15 =	vpop (erf)  }
0x195: {  	v15 =	vmul.f32 v15, v8;
	v25 =	vld [tilespmem:s15+$0x14820]  }
0x196: {  	v26 =	vld [tilespmem:s15+$0x14810]  }
.Ltmp14:
0x197: {  	v27 =	vmul.f32 v20, v13;
	v15 =	vnsel vm0, $0x0, v15;
	v17 =	vld [tilespmem:s15+$0x14800];
	v13 =	vmul.f32 v21, v13;
	(pc) =	sbr.rel @p1 .LBB2_17-.Ltmp14, $4  }
0x198: {  	v14 =	vmul.f32 v14, v15;
	v20 =	vmul.f32 v23, v15  }
0x199: {  	v23 =	vmul.f32 v16, v15;
	v21 =	vmul.f32 v15, v24  }
0x19a: {  	v16 =	vmul.f32 v19, v15;
	v20 =	vsub.f32 v18, v20;
	v18 =	vmul.f32 v25, v15  }
0x19b: {  	v19 =	vsub.f32 v22, v21;
	v21 =	vsub.f32 v27, v23;
	v22 =	vmul.f32 v26, v15  }
.Ltmp15:
0x19c: {  	_ = 	snop;
	(pc) =	sbr.rel .LBB2_18-.Ltmp15, $1  }
0x19d: {  	_ =	sdelay $0x3  }
.LBB2_22:
0x19e: {  	_ =	sfence.sel $0x180000  }
0x19f: {  	[bflag:$0x0] =	sbarrier.arrive $0xFFFF  }
0x1a0: {  	_ =	strace $0x90000047  }
0x1a1: {  	[bflag:$0x2] =	sbarrier.arrive $0xFFFF  }
0x1a2: {  	s0 =	rddreg [dreg:$0x5]  }
0x1a3: {  	s0 =	sadd.s32 @!p0 $0x100000, s0  }
0x1a4: {  	[sflag:s0] =	ssyncadd.tile.s32 @!p0 $0x1;
	_ =	shalt  }
.Lfunc_end2:
_tile_overlayer_lowered:
.L_overlay_start_2:
0x1a5: {  	(tag) =	ssettag $0x2  }
0x1a6: {  	s0 =	rddreg [dreg:$0x0];
	s2 =	stileid.u32  }
0x1a7: {  	s1 =	rddreg [dreg:$0x1];
	p0 =	sne.s32 s2, $0x0  }
0x1a8: {  	s3 =	rddreg [dreg:$0x2];
	[bflag:$0x3] =	sbarrier.arrive $0xFFFF;
	s2 =	simm.s32 @!p0 $0x1C02  }
0x1a9: {  	[timem:s3], [sflag:s2] =	dma.local @!p0 [hbm:s0], s1  }
0x1aa: {  	s0 =	simm.s32 @!p0 $0x2  }
0x1ab: {  	_ =	swait.ge @!p0 [sflag:s0], s1  }
0x1ac: {  	s1 =	ssub.s32 @!p0 $0x0, s1;
	[sflag:s0] =	ssyncset.done @!p0 $0x0  }
0x1ad: {  	[sflag:s0] =	ssyncadd.s32 @!p0 s1  }
0x1ae: {  	[bflag:$0x3] =	sbarrier.arrive $0xFFFF  }
0x1af: {  	_ =	shalt  }

</sc_bundles>
